<compile_context>
chip_gen: v7x
topology: tpu7x:2x2x1
jax: 0.10.2.dev20260603
libtpu: 0.0.44.dev20260713+nightly
codegen_flags: <defaults>
</compile_context>

<pallas_src>
import functools

import jax
import jax.numpy as jnp
from jax import lax
from jax.experimental import pallas as pl
from jax.experimental.pallas import tpu as pltpu
from jax.experimental.pallas import tpu_sc as plsc

N = 10000
NPAD = 10240
E = 320000
EPAD = 327680
EROWS = EPAD // 128
D_IN = 128
D_HID = 256
D_OUT = 40
DOP = 64
NC, NS = 2, 16
RPT = NPAD // NS
K1 = EROWS // NS
K2 = EROWS // (NC * NS)
BM = 1024
GRID_M = NPAD // BM

_f32 = jnp.float32


def _mesh():
  return plsc.VectorSubcoreMesh(core_axis_name="c", subcore_axis_name="s")


def _sc_deg():
  @functools.partial(
      pl.kernel,
      out_type=jax.ShapeDtypeStruct((2, NPAD, 16), _f32),
      mesh=_mesh(),
      compiler_params=pltpu.CompilerParams(use_tc_tiling_on_sc=False),
      scratch_types=[
          pltpu.VMEM((K2, 128), jnp.int32),
          pltpu.VMEM((128, 16), _f32),
          pltpu.VMEM_SHARED((NPAD, 16), _f32),
      ],
  )
  def deg(dstr, ones, zeros, out, dst_v, ones_v, acc):
    c = lax.axis_index("c")
    s = lax.axis_index("s")
    rows = pl.ds(s * RPT, RPT)
    pltpu.sync_copy(zeros.at[rows], acc.at[rows])
    pltpu.sync_copy(ones, ones_v)
    row0 = (c * NS + s) * K2
    pltpu.sync_copy(dstr.at[pl.ds(row0, K2)], dst_v)
    plsc.subcore_barrier()

    def body(j, carry):
      pltpu.sync_copy(ones_v, acc.at[dst_v.at[j]], add=True)
      return carry

    lax.fori_loop(0, K2, body, 0)
    plsc.subcore_barrier()
    pltpu.sync_copy(acc.at[rows], out.at[c].at[rows])

  return deg


def _sc_agg(D, H, k, feature_split, dtype=_f32, dup_table=False):
  out_slabs = H if feature_split else 2
  passes = H // 2 if feature_split else 1
  NB = 8 if (dtype == jnp.bfloat16 and D <= 64) else 4
  assert k % NB == 0

  @functools.partial(
      pl.kernel,
      out_type=jax.ShapeDtypeStruct((out_slabs, NPAD, D), dtype),
      mesh=_mesh(),
      compiler_params=pltpu.CompilerParams(use_tc_tiling_on_sc=False),
      scratch_types=[
          pltpu.VMEM((k, 128), jnp.int32),
          pltpu.VMEM((k, 128), jnp.int32),
      ] + [pltpu.VMEM((128, D), dtype)] * NB
        + [pltpu.SemaphoreType.DMA] * (2 * NB)
      + [pltpu.VMEM_SHARED((NPAD, D), dtype)],
  )
  def agg(table, srcr, dstr, zeros, out, src_v, dst_v, *rest):
    bufs = rest[:NB]
    semg = rest[NB:2 * NB]
    sems = rest[2 * NB:3 * NB]
    acc = rest[3 * NB]
    c = lax.axis_index("c")
    s = lax.axis_index("s")
    rows = pl.ds(s * RPT, RPT)
    if feature_split:
      row0 = s * k
    else:
      row0 = (c * NS + s) * k
    pltpu.sync_copy(srcr.at[pl.ds(row0, k)], src_v)
    pltpu.sync_copy(dstr.at[pl.ds(row0, k)], dst_v)

    for p in range(passes):
      h = c * passes + p if feature_split else (c if dup_table else 0)
      o = h if feature_split else c
      pltpu.sync_copy(zeros.at[rows], acc.at[rows])
      plsc.subcore_barrier()

      for b in range(NB):
        pltpu.async_copy(table.at[h].at[src_v.at[b]], bufs[b], semg[b])

      def body(t, carry):
        base = t * NB
        for b in range(NB):
          pltpu.make_async_copy(table.at[h].at[src_v.at[base + b]],
                                bufs[b], semg[b]).wait()
          pltpu.async_copy(bufs[b], acc.at[dst_v.at[base + b]], sems[b],
                           add=True)
        for b in range(NB):
          pltpu.make_async_copy(bufs[b], acc.at[dst_v.at[base + b]],
                                sems[b]).wait()
          pltpu.async_copy(table.at[h].at[src_v.at[base + NB + b]],
                           bufs[b], semg[b])
        return carry

      lax.fori_loop(0, k // NB - 1, body, 0)
      base = k - NB
      for b in range(NB):
        pltpu.make_async_copy(table.at[h].at[src_v.at[base + b]],
                              bufs[b], semg[b]).wait()
        pltpu.async_copy(bufs[b], acc.at[dst_v.at[base + b]], sems[b],
                         add=True)
      for b in range(NB):
        pltpu.make_async_copy(bufs[b], acc.at[dst_v.at[base + b]],
                              sems[b]).wait()
      plsc.subcore_barrier()
      pltpu.sync_copy(acc.at[rows], out.at[o].at[rows])

  return agg


def _tc_a(x_ref, w1_ref, deg_ref, g1_ref, dinv_ref):
  deg = deg_ref[0][:, 0:1] + deg_ref[1][:, 0:1] + 1.0
  dinv = lax.rsqrt(deg)
  h = jnp.dot(x_ref[...], w1_ref[...], preferred_element_type=_f32)
  g = (h * dinv).astype(jnp.bfloat16)
  for q in range(2):
    g1_ref[q] = g[:, q * 128:(q + 1) * 128]
  dinv_ref[...] = dinv


def _tc_b(s1_ref, g1_ref, dinv_ref, b1_ref, w2_ref, g2_ref):
  dinv = dinv_ref[...]
  z = jnp.concatenate(
      [s1_ref[q][...].astype(_f32) + g1_ref[q][...].astype(_f32)
       for q in range(2)], axis=1)
  z = jnp.maximum(z * dinv + b1_ref[...], 0.0)
  h2 = jnp.dot(z, w2_ref[...], preferred_element_type=_f32)
  g2_ref[...] = (h2 * dinv).astype(jnp.bfloat16)


def _tc_c(s2_ref, g2_ref, dinv_ref, b2_ref, out_ref):
  z = ((s2_ref[0][...].astype(_f32) + s2_ref[1][...].astype(_f32)
        + g2_ref[...].astype(_f32)) * dinv_ref[...] + b2_ref[...])
  mask = lax.broadcasted_iota(jnp.int32, (1, DOP), 1) < D_OUT
  zm = jnp.where(mask, z, -jnp.inf)
  mx = jnp.max(zm, axis=1, keepdims=True)
  ex = jnp.where(mask, jnp.exp(z - mx), 0.0)
  lse = jnp.log(jnp.sum(ex, axis=1, keepdims=True)) + mx
  out_ref[...] = z - lse


def kernel(x, edge_index, W1, b1, W2, b2):
  x_pad = jnp.zeros((NPAD, D_IN), _f32).at[:N].set(x)
  pad = jnp.full((EPAD - E,), N, jnp.int32)
  srcr = jnp.concatenate([edge_index[0], pad]).reshape(EROWS, 128)
  dstr = jnp.concatenate([edge_index[1], pad]).reshape(EROWS, 128)
  w2p = jnp.zeros((D_HID, DOP), _f32).at[:, :D_OUT].set(W2)
  b1r = b1.reshape(1, D_HID)
  b2p = jnp.zeros((1, DOP), _f32).at[0, :D_OUT].set(b2)
  ones16 = jnp.ones((128, 16), _f32)
  z16 = jnp.zeros((NPAD, 16), _f32)

  deg2 = _sc_deg()(dstr, ones16, z16)

  g1, dinv = pl.pallas_call(
      _tc_a,
      grid=(GRID_M,),
      in_specs=[
          pl.BlockSpec((BM, D_IN), lambda m: (m, 0)),
          pl.BlockSpec((D_IN, D_HID), lambda m: (0, 0)),
          pl.BlockSpec((2, BM, 16), lambda m: (0, m, 0)),
      ],
      out_specs=[
          pl.BlockSpec((2, BM, 128), lambda m: (0, m, 0)),
          pl.BlockSpec((BM, 1), lambda m: (m, 0)),
      ],
      out_shape=[
          jax.ShapeDtypeStruct((2, NPAD, 128), jnp.bfloat16),
          jax.ShapeDtypeStruct((NPAD, 1), _f32),
      ],
  )(x_pad, W1, deg2)

  z64b = jnp.zeros((NPAD, 64), jnp.bfloat16)
  z128b = jnp.zeros((NPAD, 128), jnp.bfloat16)
  s1 = _sc_agg(128, 2, K1, True, jnp.bfloat16)(g1, srcr, dstr, z128b)

  g2 = pl.pallas_call(
      _tc_b,
      grid=(GRID_M,),
      in_specs=[
          pl.BlockSpec((2, BM, 128), lambda m: (0, m, 0)),
          pl.BlockSpec((2, BM, 128), lambda m: (0, m, 0)),
          pl.BlockSpec((BM, 1), lambda m: (m, 0)),
          pl.BlockSpec((1, D_HID), lambda m: (0, 0)),
          pl.BlockSpec((D_HID, DOP), lambda m: (0, 0)),
      ],
      out_specs=pl.BlockSpec((BM, DOP), lambda m: (m, 0)),
      out_shape=jax.ShapeDtypeStruct((NPAD, DOP), jnp.bfloat16),
  )(s1, g1, dinv, b1r, w2p)

  s2 = _sc_agg(DOP, 1, K2, False, jnp.bfloat16)(g2[None], srcr, dstr, z64b)

  out_full = pl.pallas_call(
      _tc_c,
      grid=(GRID_M,),
      in_specs=[
          pl.BlockSpec((2, BM, DOP), lambda m: (0, m, 0)),
          pl.BlockSpec((BM, DOP), lambda m: (m, 0)),
          pl.BlockSpec((BM, 1), lambda m: (m, 0)),
          pl.BlockSpec((1, DOP), lambda m: (0, 0)),
      ],
      out_specs=pl.BlockSpec((BM, DOP), lambda m: (m, 0)),
      out_shape=jax.ShapeDtypeStruct((NPAD, DOP), _f32),
  )(s2, g2, dinv, b2p)

  return out_full[:N, :D_OUT]

# --- scband reference (transcript-rebuilt; emitter-appended) ---
"""Pipeline reference for scband-gcn-18141941859022 (READ-ONLY COPY).

The authoritative reference and input builder live on the scoring server;
editing this copy changes nothing except your own understanding.
"""

import jax, jax.numpy as jnp
import numpy as np

N_NODES = 10000
N_EDGES = 320000
D_IN = 128
D_HID = 256
D_OUT = 40


def glorot(key, shape):
    limit = np.sqrt(6.0 / (shape[0] + shape[1]))
    return jax.random.uniform(key, shape, dtype=jnp.float32, minval=-limit, maxval=limit)


def setup_inputs(seed: int = 0) -> dict:
    key = jax.random.key(seed)
    k1, k2, k3, k4 = jax.random.split(key, 4)
    x = jax.random.normal(k1, (N_NODES, D_IN), dtype=jnp.float32)
    edge_index = jax.random.randint(k2, (2, N_EDGES), 0, N_NODES, dtype=jnp.int32)
    W1 = glorot(k3, (D_IN, D_HID))
    b1 = jnp.zeros((D_HID,), dtype=jnp.float32)
    W2 = glorot(k4, (D_HID, D_OUT))
    b2 = jnp.zeros((D_OUT,), dtype=jnp.float32)
    return {"x": x, "edge_index": edge_index, "W1": W1, "b1": b1, "W2": W2, "b2": b2}


def gcn_conv(x, edge_index, W, b):
    # GCNConv: linear transform, add self-loops, symmetric-normalized scatter-add aggregation
    n = x.shape[0]
    self_loops = jnp.arange(n, dtype=edge_index.dtype)
    src = jnp.concatenate([edge_index[0], self_loops])
    dst = jnp.concatenate([edge_index[1], self_loops])
    h = x @ W
    deg = jnp.zeros((n,), dtype=h.dtype).at[dst].add(1.0)
    dinv = jax.lax.rsqrt(jnp.maximum(deg, 1.0))
    norm = dinv[src] * dinv[dst]
    msgs = jnp.take(h, src, axis=0) * norm[:, None]
    out = jnp.zeros_like(h).at[dst].add(msgs)
    return out + b


def reference(x, edge_index, W1, b1, W2, b2):
    h = jax.nn.relu(gcn_conv(x, edge_index, W1, b1))
    h = gcn_conv(h, edge_index, W2, b2)
    return jax.nn.log_softmax(h, axis=1)

if __name__ == "__main__":
    import jax
    _d = setup_inputs()
    print(jax.jit(kernel)(*tuple(_d.values())))

</pallas_src>

<mosaic_0001>
#map = affine_map<(d0, d1) -> (0, 0)>
#map1 = affine_map<(d0, d1) -> (0, 0, 0)>
module attributes {stable_mosaic.version = 14 : i64} {
  func.func @deg(%arg0: i32, %arg1: i32, %arg2: memref<2560x128xi32, #tpu.memory_space<hbm>>, %arg3: memref<128x16xf32, #tpu.memory_space<hbm>>, %arg4: memref<10240x16xf32, #tpu.memory_space<hbm>>, %arg5: memref<2x10240x16xf32, #tpu.memory_space<hbm>>, %arg6: memref<80x128xi32, #tpu.memory_space<vmem>>, %arg7: memref<128x16xf32, #tpu.memory_space<vmem>>, %arg8: memref<10240x16xf32, #tpu.memory_space<vmem_shared>>) attributes {dimension_semantics = [#tpu.dimension_semantics<core_parallel>, #tpu.dimension_semantics<subcore_parallel>], iteration_bounds = array<i64: 2, 16>, scalar_prefetch = 0 : i64, scratch_operands = 3 : i64, tpu.core_type = #tpu.core_type<sc_vector_subcore>, window_params = [{transform_indices = #map}, {transform_indices = #map}, {transform_indices = #map}, {transform_indices = #map1}]} {
    %mul3A = arith.constant 640 : i32
    %mul3A_0 = arith.muli %arg1, %mul3A : i32
    "tpu.region"() ({
      %run_scoped3A = tpu.sem_alloc : memref<!tpu.dma_semaphore, #tpu.memory_space<semaphore_mem>>
      %dma_start3A = arith.constant 0 : i32
      %dma_start3A_11 = tpu.memref_slice %arg8[%mul3A_0, %dma_start3A] : memref<10240x16xf32, #tpu.memory_space<vmem_shared>> -> memref<640x16xf32, #tpu.memory_space<vmem_shared>>
      %dma_start3A_12 = arith.constant 0 : i32
      %dma_start3A_13 = tpu.memref_slice %arg4[%mul3A_0, %dma_start3A_12] : memref<10240x16xf32, #tpu.memory_space<hbm>> -> memref<640x16xf32, #tpu.memory_space<hbm>>
      tpu.enqueue_dma source(%dma_start3A_13 : memref<640x16xf32, #tpu.memory_space<hbm>>) target(%dma_start3A_11 : memref<640x16xf32, #tpu.memory_space<vmem_shared>>) target_semaphore(%run_scoped3A : memref<!tpu.dma_semaphore, #tpu.memory_space<semaphore_mem>>)
      %dma_wait3A = arith.constant 0 : i32
      %dma_wait3A_14 = tpu.memref_slice %arg8[%mul3A_0, %dma_wait3A] : memref<10240x16xf32, #tpu.memory_space<vmem_shared>> -> memref<640x16xf32, #tpu.memory_space<vmem_shared>>
      %dma_wait3A_15 = arith.constant 0 : i32
      %dma_wait3A_16 = tpu.memref_slice %arg4[%mul3A_0, %dma_wait3A_15] : memref<10240x16xf32, #tpu.memory_space<hbm>> -> memref<640x16xf32, #tpu.memory_space<hbm>>
      tpu.wait_dma2 semaphore(%run_scoped3A : memref<!tpu.dma_semaphore, #tpu.memory_space<semaphore_mem>>) src(%dma_wait3A_16 : memref<640x16xf32, #tpu.memory_space<hbm>>) dst(%dma_wait3A_14 : memref<640x16xf32, #tpu.memory_space<vmem_shared>>)
      tpu.yield
    }) : () -> ()
    "tpu.region"() ({
      %run_scoped3A = tpu.sem_alloc : memref<!tpu.dma_semaphore, #tpu.memory_space<semaphore_mem>>
      tpu.enqueue_dma source(%arg3 : memref<128x16xf32, #tpu.memory_space<hbm>>) target(%arg7 : memref<128x16xf32, #tpu.memory_space<vmem>>) target_semaphore(%run_scoped3A : memref<!tpu.dma_semaphore, #tpu.memory_space<semaphore_mem>>)
      tpu.wait_dma2 semaphore(%run_scoped3A : memref<!tpu.dma_semaphore, #tpu.memory_space<semaphore_mem>>) src(%arg3 : memref<128x16xf32, #tpu.memory_space<hbm>>) dst(%arg7 : memref<128x16xf32, #tpu.memory_space<vmem>>)
      tpu.yield
    }) : () -> ()
    %mul3A_1 = arith.constant 16 : i32
    %mul3A_2 = arith.muli %arg0, %mul3A_1 : i32
    %add3A = arith.addi %mul3A_2, %arg1 : i32
    %mul3A_3 = arith.constant 80 : i32
    %mul3A_4 = arith.muli %add3A, %mul3A_3 : i32
    "tpu.region"() ({
      %run_scoped3A = tpu.sem_alloc : memref<!tpu.dma_semaphore, #tpu.memory_space<semaphore_mem>>
      %dma_start3A = arith.constant 0 : i32
      %dma_start3A_11 = tpu.memref_slice %arg2[%mul3A_4, %dma_start3A] : memref<2560x128xi32, #tpu.memory_space<hbm>> -> memref<80x128xi32, #tpu.memory_space<hbm>>
      %dma_start3A_12 = arith.constant 0 : i32
      %dma_start3A_13 = tpu.memref_slice %arg2[%mul3A_4, %dma_start3A_12] : memref<2560x128xi32, #tpu.memory_space<hbm>> -> memref<80x128xi32, #tpu.memory_space<hbm>>
      tpu.enqueue_dma source(%dma_start3A_13 : memref<80x128xi32, #tpu.memory_space<hbm>>) target(%arg6 : memref<80x128xi32, #tpu.memory_space<vmem>>) target_semaphore(%run_scoped3A : memref<!tpu.dma_semaphore, #tpu.memory_space<semaphore_mem>>)
      %dma_wait3A = arith.constant 0 : i32
      %dma_wait3A_14 = tpu.memref_slice %arg2[%mul3A_4, %dma_wait3A] : memref<2560x128xi32, #tpu.memory_space<hbm>> -> memref<80x128xi32, #tpu.memory_space<hbm>>
      %dma_wait3A_15 = arith.constant 0 : i32
      %dma_wait3A_16 = tpu.memref_slice %arg2[%mul3A_4, %dma_wait3A_15] : memref<2560x128xi32, #tpu.memory_space<hbm>> -> memref<80x128xi32, #tpu.memory_space<hbm>>
      tpu.wait_dma2 semaphore(%run_scoped3A : memref<!tpu.dma_semaphore, #tpu.memory_space<semaphore_mem>>) src(%dma_wait3A_16 : memref<80x128xi32, #tpu.memory_space<hbm>>) dst(%arg6 : memref<80x128xi32, #tpu.memory_space<vmem>>)
      tpu.yield
    }) : () -> ()
    %barrier3A = arith.constant 0 : index
    tpu.barrier barrier_id(%barrier3A)
    %scan3A = arith.constant 0 : i32
    %scan3A_5 = arith.constant 0 : i32
    %scan3A_6 = arith.constant 80 : i32
    %scan3A_7 = arith.addi %scan3A_5, %scan3A_6 : i32
    %scan3A_8 = arith.constant 1 : i32
    scf.for %scan3A_11 = %scan3A_5 to %scan3A_7 step %scan3A_8  : i32 {
      "tpu.region"() ({
        %run_scoped3A = tpu.sem_alloc : memref<!tpu.dma_semaphore, #tpu.memory_space<semaphore_mem>>
        %dma_start3A = arith.constant 0 : i32
        %dma_start3A_12 = tpu.memref_slice %arg6[%scan3A_11, %dma_start3A] : memref<80x128xi32, #tpu.memory_space<vmem>> -> memref<1x128xi32, #tpu.memory_space<vmem>>
        %dma_start3A_13 = tpu.memref_squeeze %dma_start3A_12 : memref<1x128xi32, #tpu.memory_space<vmem>> -> memref<128xi32, #tpu.memory_space<vmem>>
        %dma_start3A_14 = arith.constant 0 : i32
        %dma_start3A_15 = arith.constant 0 : i32
        %dma_start3A_16 = tpu.memref_slice %arg8[%dma_start3A_14, %dma_start3A_15] : memref<10240x16xf32, #tpu.memory_space<vmem_shared>> -> memref<10240x16xf32, #tpu.memory_space<vmem_shared>>
        tpu.enqueue_indirect_dma source(%arg7 : memref<128x16xf32, #tpu.memory_space<vmem>>) target(%dma_start3A_16 : memref<10240x16xf32, #tpu.memory_space<vmem_shared>>) offsets(%dma_start3A_13 : memref<128xi32, #tpu.memory_space<vmem>>) semaphore(%run_scoped3A : memref<!tpu.dma_semaphore, #tpu.memory_space<semaphore_mem>>) {add = true}
        %dma_wait3A = arith.constant 0 : i32
        %dma_wait3A_17 = tpu.memref_slice %arg6[%scan3A_11, %dma_wait3A] : memref<80x128xi32, #tpu.memory_space<vmem>> -> memref<1x128xi32, #tpu.memory_space<vmem>>
        %dma_wait3A_18 = tpu.memref_squeeze %dma_wait3A_17 : memref<1x128xi32, #tpu.memory_space<vmem>> -> memref<128xi32, #tpu.memory_space<vmem>>
        %dma_wait3A_19 = arith.constant 0 : i32
        %dma_wait3A_20 = arith.constant 0 : i32
        %dma_wait3A_21 = tpu.memref_slice %arg8[%dma_wait3A_19, %dma_wait3A_20] : memref<10240x16xf32, #tpu.memory_space<vmem_shared>> -> memref<10240x16xf32, #tpu.memory_space<vmem_shared>>
        tpu.wait_indirect_dma semaphore(%run_scoped3A : memref<!tpu.dma_semaphore, #tpu.memory_space<semaphore_mem>>) src(%arg7 : memref<128x16xf32, #tpu.memory_space<vmem>>) dst(%dma_wait3A_21 : memref<10240x16xf32, #tpu.memory_space<vmem_shared>>)
        tpu.yield
      }) : () -> ()
    }
    %scan3A_9 = arith.constant 80 : i32
    %barrier3A_10 = arith.constant 0 : index
    tpu.barrier barrier_id(%barrier3A_10)
    "tpu.region"() ({
      %run_scoped3A = tpu.sem_alloc : memref<!tpu.dma_semaphore, #tpu.memory_space<semaphore_mem>>
      %dma_start3A = arith.constant 0 : i32
      %dma_start3A_11 = arith.constant 0 : i32
      %dma_start3A_12 = tpu.memref_slice %arg5[%arg0, %dma_start3A, %dma_start3A_11] : memref<2x10240x16xf32, #tpu.memory_space<hbm>> -> memref<1x10240x16xf32, #tpu.memory_space<hbm>>
      %dma_start3A_13 = tpu.memref_squeeze %dma_start3A_12 : memref<1x10240x16xf32, #tpu.memory_space<hbm>> -> memref<10240x16xf32, #tpu.memory_space<hbm>>
      %dma_start3A_14 = arith.constant 0 : i32
      %dma_start3A_15 = tpu.memref_slice %dma_start3A_13[%mul3A_0, %dma_start3A_14] : memref<10240x16xf32, #tpu.memory_space<hbm>> -> memref<640x16xf32, #tpu.memory_space<hbm>>
      %dma_start3A_16 = arith.constant 0 : i32
      %dma_start3A_17 = tpu.memref_slice %arg8[%mul3A_0, %dma_start3A_16] : memref<10240x16xf32, #tpu.memory_space<vmem_shared>> -> memref<640x16xf32, #tpu.memory_space<vmem_shared>>
      tpu.enqueue_dma source(%dma_start3A_17 : memref<640x16xf32, #tpu.memory_space<vmem_shared>>) target(%dma_start3A_15 : memref<640x16xf32, #tpu.memory_space<hbm>>) target_semaphore(%run_scoped3A : memref<!tpu.dma_semaphore, #tpu.memory_space<semaphore_mem>>)
      %dma_wait3A = arith.constant 0 : i32
      %dma_wait3A_18 = arith.constant 0 : i32
      %dma_wait3A_19 = tpu.memref_slice %arg5[%arg0, %dma_wait3A, %dma_wait3A_18] : memref<2x10240x16xf32, #tpu.memory_space<hbm>> -> memref<1x10240x16xf32, #tpu.memory_space<hbm>>
      %dma_wait3A_20 = tpu.memref_squeeze %dma_wait3A_19 : memref<1x10240x16xf32, #tpu.memory_space<hbm>> -> memref<10240x16xf32, #tpu.memory_space<hbm>>
      %dma_wait3A_21 = arith.constant 0 : i32
      %dma_wait3A_22 = tpu.memref_slice %dma_wait3A_20[%mul3A_0, %dma_wait3A_21] : memref<10240x16xf32, #tpu.memory_space<hbm>> -> memref<640x16xf32, #tpu.memory_space<hbm>>
      %dma_wait3A_23 = arith.constant 0 : i32
      %dma_wait3A_24 = tpu.memref_slice %arg8[%mul3A_0, %dma_wait3A_23] : memref<10240x16xf32, #tpu.memory_space<vmem_shared>> -> memref<640x16xf32, #tpu.memory_space<vmem_shared>>
      tpu.wait_dma2 semaphore(%run_scoped3A : memref<!tpu.dma_semaphore, #tpu.memory_space<semaphore_mem>>) src(%dma_wait3A_24 : memref<640x16xf32, #tpu.memory_space<vmem_shared>>) dst(%dma_wait3A_22 : memref<640x16xf32, #tpu.memory_space<hbm>>)
      tpu.yield
    }) : () -> ()
    return
  }
}

#map = affine_map<(d0, d1) -> (0, 0, 0)>
#map1 = affine_map<(d0, d1) -> (0, 0)>
module attributes {stable_mosaic.version = 14 : i64} {
  func.func @agg(%arg0: i32, %arg1: i32, %arg2: memref<2x10240x128xbf16, #tpu.memory_space<hbm>>, %arg3: memref<2560x128xi32, #tpu.memory_space<hbm>>, %arg4: memref<2560x128xi32, #tpu.memory_space<hbm>>, %arg5: memref<10240x128xbf16, #tpu.memory_space<hbm>>, %arg6: memref<2x10240x128xbf16, #tpu.memory_space<hbm>>, %arg7: memref<160x128xi32, #tpu.memory_space<vmem>>, %arg8: memref<160x128xi32, #tpu.memory_space<vmem>>, %arg9: memref<128x128xbf16, #tpu.memory_space<vmem>>, %arg10: memref<128x128xbf16, #tpu.memory_space<vmem>>, %arg11: memref<128x128xbf16, #tpu.memory_space<vmem>>, %arg12: memref<128x128xbf16, #tpu.memory_space<vmem>>, %arg13: memref<!tpu.dma_semaphore, #tpu.memory_space<semaphore_mem>>, %arg14: memref<!tpu.dma_semaphore, #tpu.memory_space<semaphore_mem>>, %arg15: memref<!tpu.dma_semaphore, #tpu.memory_space<semaphore_mem>>, %arg16: memref<!tpu.dma_semaphore, #tpu.memory_space<semaphore_mem>>, %arg17: memref<!tpu.dma_semaphore, #tpu.memory_space<semaphore_mem>>, %arg18: memref<!tpu.dma_semaphore, #tpu.memory_space<semaphore_mem>>, %arg19: memref<!tpu.dma_semaphore, #tpu.memory_space<semaphore_mem>>, %arg20: memref<!tpu.dma_semaphore, #tpu.memory_space<semaphore_mem>>, %arg21: memref<10240x128xbf16, #tpu.memory_space<vmem_shared>>) attributes {dimension_semantics = [#tpu.dimension_semantics<core_parallel>, #tpu.dimension_semantics<subcore_parallel>], iteration_bounds = array<i64: 2, 16>, scalar_prefetch = 0 : i64, scratch_operands = 15 : i64, tpu.core_type = #tpu.core_type<sc_vector_subcore>, window_params = [{transform_indices = #map}, {transform_indices = #map1}, {transform_indices = #map1}, {transform_indices = #map1}, {transform_indices = #map}]} {
    %mul3A = arith.constant 640 : i32
    %mul3A_0 = arith.muli %arg1, %mul3A : i32
    %mul3A_1 = arith.constant 160 : i32
    %mul3A_2 = arith.muli %arg1, %mul3A_1 : i32
    "tpu.region"() ({
      %run_scoped3A = tpu.sem_alloc : memref<!tpu.dma_semaphore, #tpu.memory_space<semaphore_mem>>
      %dma_start3A_154 = arith.constant 0 : i32
      %dma_start3A_155 = tpu.memref_slice %arg3[%mul3A_2, %dma_start3A_154] : memref<2560x128xi32, #tpu.memory_space<hbm>> -> memref<160x128xi32, #tpu.memory_space<hbm>>
      %dma_start3A_156 = arith.constant 0 : i32
      %dma_start3A_157 = tpu.memref_slice %arg3[%mul3A_2, %dma_start3A_156] : memref<2560x128xi32, #tpu.memory_space<hbm>> -> memref<160x128xi32, #tpu.memory_space<hbm>>
      tpu.enqueue_dma source(%dma_start3A_157 : memref<160x128xi32, #tpu.memory_space<hbm>>) target(%arg7 : memref<160x128xi32, #tpu.memory_space<vmem>>) target_semaphore(%run_scoped3A : memref<!tpu.dma_semaphore, #tpu.memory_space<semaphore_mem>>)
      %dma_wait3A_158 = arith.constant 0 : i32
      %dma_wait3A_159 = tpu.memref_slice %arg3[%mul3A_2, %dma_wait3A_158] : memref<2560x128xi32, #tpu.memory_space<hbm>> -> memref<160x128xi32, #tpu.memory_space<hbm>>
      %dma_wait3A_160 = arith.constant 0 : i32
      %dma_wait3A_161 = tpu.memref_slice %arg3[%mul3A_2, %dma_wait3A_160] : memref<2560x128xi32, #tpu.memory_space<hbm>> -> memref<160x128xi32, #tpu.memory_space<hbm>>
      tpu.wait_dma2 semaphore(%run_scoped3A : memref<!tpu.dma_semaphore, #tpu.memory_space<semaphore_mem>>) src(%dma_wait3A_161 : memref<160x128xi32, #tpu.memory_space<hbm>>) dst(%arg7 : memref<160x128xi32, #tpu.memory_space<vmem>>)
      tpu.yield
    }) : () -> ()
    "tpu.region"() ({
      %run_scoped3A = tpu.sem_alloc : memref<!tpu.dma_semaphore, #tpu.memory_space<semaphore_mem>>
      %dma_start3A_154 = arith.constant 0 : i32
      %dma_start3A_155 = tpu.memref_slice %arg4[%mul3A_2, %dma_start3A_154] : memref<2560x128xi32, #tpu.memory_space<hbm>> -> memref<160x128xi32, #tpu.memory_space<hbm>>
      %dma_start3A_156 = arith.constant 0 : i32
      %dma_start3A_157 = tpu.memref_slice %arg4[%mul3A_2, %dma_start3A_156] : memref<2560x128xi32, #tpu.memory_space<hbm>> -> memref<160x128xi32, #tpu.memory_space<hbm>>
      tpu.enqueue_dma source(%dma_start3A_157 : memref<160x128xi32, #tpu.memory_space<hbm>>) target(%arg8 : memref<160x128xi32, #tpu.memory_space<vmem>>) target_semaphore(%run_scoped3A : memref<!tpu.dma_semaphore, #tpu.memory_space<semaphore_mem>>)
      %dma_wait3A_158 = arith.constant 0 : i32
      %dma_wait3A_159 = tpu.memref_slice %arg4[%mul3A_2, %dma_wait3A_158] : memref<2560x128xi32, #tpu.memory_space<hbm>> -> memref<160x128xi32, #tpu.memory_space<hbm>>
      %dma_wait3A_160 = arith.constant 0 : i32
      %dma_wait3A_161 = tpu.memref_slice %arg4[%mul3A_2, %dma_wait3A_160] : memref<2560x128xi32, #tpu.memory_space<hbm>> -> memref<160x128xi32, #tpu.memory_space<hbm>>
      tpu.wait_dma2 semaphore(%run_scoped3A : memref<!tpu.dma_semaphore, #tpu.memory_space<semaphore_mem>>) src(%dma_wait3A_161 : memref<160x128xi32, #tpu.memory_space<hbm>>) dst(%arg8 : memref<160x128xi32, #tpu.memory_space<vmem>>)
      tpu.yield
    }) : () -> ()
    %mul3A_3 = arith.constant 1 : i32
    %mul3A_4 = arith.muli %arg0, %mul3A_3 : i32
    %add3A = arith.constant 0 : i32
    %add3A_5 = arith.addi %mul3A_4, %add3A : i32
    "tpu.region"() ({
      %run_scoped3A = tpu.sem_alloc : memref<!tpu.dma_semaphore, #tpu.memory_space<semaphore_mem>>
      %dma_start3A_154 = arith.constant 0 : i32
      %dma_start3A_155 = tpu.memref_slice %arg21[%mul3A_0, %dma_start3A_154] : memref<10240x128xbf16, #tpu.memory_space<vmem_shared>> -> memref<640x128xbf16, #tpu.memory_space<vmem_shared>>
      %dma_start3A_156 = arith.constant 0 : i32
      %dma_start3A_157 = tpu.memref_slice %arg5[%mul3A_0, %dma_start3A_156] : memref<10240x128xbf16, #tpu.memory_space<hbm>> -> memref<640x128xbf16, #tpu.memory_space<hbm>>
      tpu.enqueue_dma source(%dma_start3A_157 : memref<640x128xbf16, #tpu.memory_space<hbm>>) target(%dma_start3A_155 : memref<640x128xbf16, #tpu.memory_space<vmem_shared>>) target_semaphore(%run_scoped3A : memref<!tpu.dma_semaphore, #tpu.memory_space<semaphore_mem>>)
      %dma_wait3A_158 = arith.constant 0 : i32
      %dma_wait3A_159 = tpu.memref_slice %arg21[%mul3A_0, %dma_wait3A_158] : memref<10240x128xbf16, #tpu.memory_space<vmem_shared>> -> memref<640x128xbf16, #tpu.memory_space<vmem_shared>>
      %dma_wait3A_160 = arith.constant 0 : i32
      %dma_wait3A_161 = tpu.memref_slice %arg5[%mul3A_0, %dma_wait3A_160] : memref<10240x128xbf16, #tpu.memory_space<hbm>> -> memref<640x128xbf16, #tpu.memory_space<hbm>>
      tpu.wait_dma2 semaphore(%run_scoped3A : memref<!tpu.dma_semaphore, #tpu.memory_space<semaphore_mem>>) src(%dma_wait3A_161 : memref<640x128xbf16, #tpu.memory_space<hbm>>) dst(%dma_wait3A_159 : memref<640x128xbf16, #tpu.memory_space<vmem_shared>>)
      tpu.yield
    }) : () -> ()
    %barrier3A = arith.constant 0 : index
    tpu.barrier barrier_id(%barrier3A)
    %dma_start3A = arith.constant 0 : i32
    %dma_start3A_6 = arith.constant 0 : i32
    %dma_start3A_7 = tpu.memref_slice %arg7[%dma_start3A, %dma_start3A_6] : memref<160x128xi32, #tpu.memory_space<vmem>> -> memref<1x128xi32, #tpu.memory_space<vmem>>
    %dma_start3A_8 = tpu.memref_squeeze %dma_start3A_7 : memref<1x128xi32, #tpu.memory_space<vmem>> -> memref<128xi32, #tpu.memory_space<vmem>>
    %dma_start3A_9 = arith.constant 0 : i32
    %dma_start3A_10 = arith.constant 0 : i32
    %dma_start3A_11 = tpu.memref_slice %arg2[%add3A_5, %dma_start3A_9, %dma_start3A_10] : memref<2x10240x128xbf16, #tpu.memory_space<hbm>> -> memref<1x10240x128xbf16, #tpu.memory_space<hbm>>
    %dma_start3A_12 = tpu.memref_squeeze %dma_start3A_11 : memref<1x10240x128xbf16, #tpu.memory_space<hbm>> -> memref<10240x128xbf16, #tpu.memory_space<hbm>>
    %dma_start3A_13 = arith.constant 0 : i32
    %dma_start3A_14 = arith.constant 0 : i32
    %dma_start3A_15 = tpu.memref_slice %dma_start3A_12[%dma_start3A_13, %dma_start3A_14] : memref<10240x128xbf16, #tpu.memory_space<hbm>> -> memref<10240x128xbf16, #tpu.memory_space<hbm>>
    tpu.enqueue_indirect_dma source(%dma_start3A_15 : memref<10240x128xbf16, #tpu.memory_space<hbm>>) target(%arg9 : memref<128x128xbf16, #tpu.memory_space<vmem>>) offsets(%dma_start3A_8 : memref<128xi32, #tpu.memory_space<vmem>>) semaphore(%arg13 : memref<!tpu.dma_semaphore, #tpu.memory_space<semaphore_mem>>)
    %dma_start3A_16 = arith.constant 1 : i32
    %dma_start3A_17 = arith.constant 0 : i32
    %dma_start3A_18 = tpu.memref_slice %arg7[%dma_start3A_16, %dma_start3A_17] : memref<160x128xi32, #tpu.memory_space<vmem>> -> memref<1x128xi32, #tpu.memory_space<vmem>>
    %dma_start3A_19 = tpu.memref_squeeze %dma_start3A_18 : memref<1x128xi32, #tpu.memory_space<vmem>> -> memref<128xi32, #tpu.memory_space<vmem>>
    %dma_start3A_20 = arith.constant 0 : i32
    %dma_start3A_21 = arith.constant 0 : i32
    %dma_start3A_22 = tpu.memref_slice %arg2[%add3A_5, %dma_start3A_20, %dma_start3A_21] : memref<2x10240x128xbf16, #tpu.memory_space<hbm>> -> memref<1x10240x128xbf16, #tpu.memory_space<hbm>>
    %dma_start3A_23 = tpu.memref_squeeze %dma_start3A_22 : memref<1x10240x128xbf16, #tpu.memory_space<hbm>> -> memref<10240x128xbf16, #tpu.memory_space<hbm>>
    %dma_start3A_24 = arith.constant 0 : i32
    %dma_start3A_25 = arith.constant 0 : i32
    %dma_start3A_26 = tpu.memref_slice %dma_start3A_23[%dma_start3A_24, %dma_start3A_25] : memref<10240x128xbf16, #tpu.memory_space<hbm>> -> memref<10240x128xbf16, #tpu.memory_space<hbm>>
    tpu.enqueue_indirect_dma source(%dma_start3A_26 : memref<10240x128xbf16, #tpu.memory_space<hbm>>) target(%arg10 : memref<128x128xbf16, #tpu.memory_space<vmem>>) offsets(%dma_start3A_19 : memref<128xi32, #tpu.memory_space<vmem>>) semaphore(%arg14 : memref<!tpu.dma_semaphore, #tpu.memory_space<semaphore_mem>>)
    %dma_start3A_27 = arith.constant 2 : i32
    %dma_start3A_28 = arith.constant 0 : i32
    %dma_start3A_29 = tpu.memref_slice %arg7[%dma_start3A_27, %dma_start3A_28] : memref<160x128xi32, #tpu.memory_space<vmem>> -> memref<1x128xi32, #tpu.memory_space<vmem>>
    %dma_start3A_30 = tpu.memref_squeeze %dma_start3A_29 : memref<1x128xi32, #tpu.memory_space<vmem>> -> memref<128xi32, #tpu.memory_space<vmem>>
    %dma_start3A_31 = arith.constant 0 : i32
    %dma_start3A_32 = arith.constant 0 : i32
    %dma_start3A_33 = tpu.memref_slice %arg2[%add3A_5, %dma_start3A_31, %dma_start3A_32] : memref<2x10240x128xbf16, #tpu.memory_space<hbm>> -> memref<1x10240x128xbf16, #tpu.memory_space<hbm>>
    %dma_start3A_34 = tpu.memref_squeeze %dma_start3A_33 : memref<1x10240x128xbf16, #tpu.memory_space<hbm>> -> memref<10240x128xbf16, #tpu.memory_space<hbm>>
    %dma_start3A_35 = arith.constant 0 : i32
    %dma_start3A_36 = arith.constant 0 : i32
    %dma_start3A_37 = tpu.memref_slice %dma_start3A_34[%dma_start3A_35, %dma_start3A_36] : memref<10240x128xbf16, #tpu.memory_space<hbm>> -> memref<10240x128xbf16, #tpu.memory_space<hbm>>
    tpu.enqueue_indirect_dma source(%dma_start3A_37 : memref<10240x128xbf16, #tpu.memory_space<hbm>>) target(%arg11 : memref<128x128xbf16, #tpu.memory_space<vmem>>) offsets(%dma_start3A_30 : memref<128xi32, #tpu.memory_space<vmem>>) semaphore(%arg15 : memref<!tpu.dma_semaphore, #tpu.memory_space<semaphore_mem>>)
    %dma_start3A_38 = arith.constant 3 : i32
    %dma_start3A_39 = arith.constant 0 : i32
    %dma_start3A_40 = tpu.memref_slice %arg7[%dma_start3A_38, %dma_start3A_39] : memref<160x128xi32, #tpu.memory_space<vmem>> -> memref<1x128xi32, #tpu.memory_space<vmem>>
    %dma_start3A_41 = tpu.memref_squeeze %dma_start3A_40 : memref<1x128xi32, #tpu.memory_space<vmem>> -> memref<128xi32, #tpu.memory_space<vmem>>
    %dma_start3A_42 = arith.constant 0 : i32
    %dma_start3A_43 = arith.constant 0 : i32
    %dma_start3A_44 = tpu.memref_slice %arg2[%add3A_5, %dma_start3A_42, %dma_start3A_43] : memref<2x10240x128xbf16, #tpu.memory_space<hbm>> -> memref<1x10240x128xbf16, #tpu.memory_space<hbm>>
    %dma_start3A_45 = tpu.memref_squeeze %dma_start3A_44 : memref<1x10240x128xbf16, #tpu.memory_space<hbm>> -> memref<10240x128xbf16, #tpu.memory_space<hbm>>
    %dma_start3A_46 = arith.constant 0 : i32
    %dma_start3A_47 = arith.constant 0 : i32
    %dma_start3A_48 = tpu.memref_slice %dma_start3A_45[%dma_start3A_46, %dma_start3A_47] : memref<10240x128xbf16, #tpu.memory_space<hbm>> -> memref<10240x128xbf16, #tpu.memory_space<hbm>>
    tpu.enqueue_indirect_dma source(%dma_start3A_48 : memref<10240x128xbf16, #tpu.memory_space<hbm>>) target(%arg12 : memref<128x128xbf16, #tpu.memory_space<vmem>>) offsets(%dma_start3A_41 : memref<128xi32, #tpu.memory_space<vmem>>) semaphore(%arg16 : memref<!tpu.dma_semaphore, #tpu.memory_space<semaphore_mem>>)
    %scan3A = arith.constant 0 : i32
    %scan3A_49 = arith.constant 0 : i32
    %scan3A_50 = arith.constant 39 : i32
    %scan3A_51 = arith.addi %scan3A_49, %scan3A_50 : i32
    %scan3A_52 = arith.constant 1 : i32
    scf.for %scan3A_154 = %scan3A_49 to %scan3A_51 step %scan3A_52  : i32 {
      %mul3A_155 = arith.constant 4 : i32
      %mul3A_156 = arith.muli %scan3A_154, %mul3A_155 : i32
      %add3A_157 = arith.constant 0 : i32
      %add3A_158 = arith.addi %mul3A_156, %add3A_157 : i32
      %dma_wait3A_159 = arith.constant 0 : i32
      %dma_wait3A_160 = tpu.memref_slice %arg7[%add3A_158, %dma_wait3A_159] : memref<160x128xi32, #tpu.memory_space<vmem>> -> memref<1x128xi32, #tpu.memory_space<vmem>>
      %dma_wait3A_161 = tpu.memref_squeeze %dma_wait3A_160 : memref<1x128xi32, #tpu.memory_space<vmem>> -> memref<128xi32, #tpu.memory_space<vmem>>
      %dma_wait3A_162 = arith.constant 0 : i32
      %dma_wait3A_163 = arith.constant 0 : i32
      %dma_wait3A_164 = tpu.memref_slice %arg2[%add3A_5, %dma_wait3A_162, %dma_wait3A_163] : memref<2x10240x128xbf16, #tpu.memory_space<hbm>> -> memref<1x10240x128xbf16, #tpu.memory_space<hbm>>
      %dma_wait3A_165 = tpu.memref_squeeze %dma_wait3A_164 : memref<1x10240x128xbf16, #tpu.memory_space<hbm>> -> memref<10240x128xbf16, #tpu.memory_space<hbm>>
      %dma_wait3A_166 = arith.constant 0 : i32
      %dma_wait3A_167 = arith.constant 0 : i32
      %dma_wait3A_168 = tpu.memref_slice %dma_wait3A_165[%dma_wait3A_166, %dma_wait3A_167] : memref<10240x128xbf16, #tpu.memory_space<hbm>> -> memref<10240x128xbf16, #tpu.memory_space<hbm>>
      tpu.wait_indirect_dma semaphore(%arg13 : memref<!tpu.dma_semaphore, #tpu.memory_space<semaphore_mem>>) src(%dma_wait3A_168 : memref<10240x128xbf16, #tpu.memory_space<hbm>>) dst(%arg9 : memref<128x128xbf16, #tpu.memory_space<vmem>>)
      %add3A_169 = arith.constant 0 : i32
      %add3A_170 = arith.addi %mul3A_156, %add3A_169 : i32
      %dma_start3A_171 = arith.constant 0 : i32
      %dma_start3A_172 = tpu.memref_slice %arg8[%add3A_170, %dma_start3A_171] : memref<160x128xi32, #tpu.memory_space<vmem>> -> memref<1x128xi32, #tpu.memory_space<vmem>>
      %dma_start3A_173 = tpu.memref_squeeze %dma_start3A_172 : memref<1x128xi32, #tpu.memory_space<vmem>> -> memref<128xi32, #tpu.memory_space<vmem>>
      %dma_start3A_174 = arith.constant 0 : i32
      %dma_start3A_175 = arith.constant 0 : i32
      %dma_start3A_176 = tpu.memref_slice %arg21[%dma_start3A_174, %dma_start3A_175] : memref<10240x128xbf16, #tpu.memory_space<vmem_shared>> -> memref<10240x128xbf16, #tpu.memory_space<vmem_shared>>
      tpu.enqueue_indirect_dma source(%arg9 : memref<128x128xbf16, #tpu.memory_space<vmem>>) target(%dma_start3A_176 : memref<10240x128xbf16, #tpu.memory_space<vmem_shared>>) offsets(%dma_start3A_173 : memref<128xi32, #tpu.memory_space<vmem>>) semaphore(%arg17 : memref<!tpu.dma_semaphore, #tpu.memory_space<semaphore_mem>>) {add = true}
      %add3A_177 = arith.constant 1 : i32
      %add3A_178 = arith.addi %mul3A_156, %add3A_177 : i32
      %dma_wait3A_179 = arith.constant 0 : i32
      %dma_wait3A_180 = tpu.memref_slice %arg7[%add3A_178, %dma_wait3A_179] : memref<160x128xi32, #tpu.memory_space<vmem>> -> memref<1x128xi32, #tpu.memory_space<vmem>>
      %dma_wait3A_181 = tpu.memref_squeeze %dma_wait3A_180 : memref<1x128xi32, #tpu.memory_space<vmem>> -> memref<128xi32, #tpu.memory_space<vmem>>
      %dma_wait3A_182 = arith.constant 0 : i32
      %dma_wait3A_183 = arith.constant 0 : i32
      %dma_wait3A_184 = tpu.memref_slice %arg2[%add3A_5, %dma_wait3A_182, %dma_wait3A_183] : memref<2x10240x128xbf16, #tpu.memory_space<hbm>> -> memref<1x10240x128xbf16, #tpu.memory_space<hbm>>
      %dma_wait3A_185 = tpu.memref_squeeze %dma_wait3A_184 : memref<1x10240x128xbf16, #tpu.memory_space<hbm>> -> memref<10240x128xbf16, #tpu.memory_space<hbm>>
      %dma_wait3A_186 = arith.constant 0 : i32
      %dma_wait3A_187 = arith.constant 0 : i32
      %dma_wait3A_188 = tpu.memref_slice %dma_wait3A_185[%dma_wait3A_186, %dma_wait3A_187] : memref<10240x128xbf16, #tpu.memory_space<hbm>> -> memref<10240x128xbf16, #tpu.memory_space<hbm>>
      tpu.wait_indirect_dma semaphore(%arg14 : memref<!tpu.dma_semaphore, #tpu.memory_space<semaphore_mem>>) src(%dma_wait3A_188 : memref<10240x128xbf16, #tpu.memory_space<hbm>>) dst(%arg10 : memref<128x128xbf16, #tpu.memory_space<vmem>>)
      %add3A_189 = arith.constant 1 : i32
      %add3A_190 = arith.addi %mul3A_156, %add3A_189 : i32
      %dma_start3A_191 = arith.constant 0 : i32
      %dma_start3A_192 = tpu.memref_slice %arg8[%add3A_190, %dma_start3A_191] : memref<160x128xi32, #tpu.memory_space<vmem>> -> memref<1x128xi32, #tpu.memory_space<vmem>>
      %dma_start3A_193 = tpu.memref_squeeze %dma_start3A_192 : memref<1x128xi32, #tpu.memory_space<vmem>> -> memref<128xi32, #tpu.memory_space<vmem>>
      %dma_start3A_194 = arith.constant 0 : i32
      %dma_start3A_195 = arith.constant 0 : i32
      %dma_start3A_196 = tpu.memref_slice %arg21[%dma_start3A_194, %dma_start3A_195] : memref<10240x128xbf16, #tpu.memory_space<vmem_shared>> -> memref<10240x128xbf16, #tpu.memory_space<vmem_shared>>
      tpu.enqueue_indirect_dma source(%arg10 : memref<128x128xbf16, #tpu.memory_space<vmem>>) target(%dma_start3A_196 : memref<10240x128xbf16, #tpu.memory_space<vmem_shared>>) offsets(%dma_start3A_193 : memref<128xi32, #tpu.memory_space<vmem>>) semaphore(%arg18 : memref<!tpu.dma_semaphore, #tpu.memory_space<semaphore_mem>>) {add = true}
      %add3A_197 = arith.constant 2 : i32
      %add3A_198 = arith.addi %mul3A_156, %add3A_197 : i32
      %dma_wait3A_199 = arith.constant 0 : i32
      %dma_wait3A_200 = tpu.memref_slice %arg7[%add3A_198, %dma_wait3A_199] : memref<160x128xi32, #tpu.memory_space<vmem>> -> memref<1x128xi32, #tpu.memory_space<vmem>>
      %dma_wait3A_201 = tpu.memref_squeeze %dma_wait3A_200 : memref<1x128xi32, #tpu.memory_space<vmem>> -> memref<128xi32, #tpu.memory_space<vmem>>
      %dma_wait3A_202 = arith.constant 0 : i32
      %dma_wait3A_203 = arith.constant 0 : i32
      %dma_wait3A_204 = tpu.memref_slice %arg2[%add3A_5, %dma_wait3A_202, %dma_wait3A_203] : memref<2x10240x128xbf16, #tpu.memory_space<hbm>> -> memref<1x10240x128xbf16, #tpu.memory_space<hbm>>
      %dma_wait3A_205 = tpu.memref_squeeze %dma_wait3A_204 : memref<1x10240x128xbf16, #tpu.memory_space<hbm>> -> memref<10240x128xbf16, #tpu.memory_space<hbm>>
      %dma_wait3A_206 = arith.constant 0 : i32
      %dma_wait3A_207 = arith.constant 0 : i32
      %dma_wait3A_208 = tpu.memref_slice %dma_wait3A_205[%dma_wait3A_206, %dma_wait3A_207] : memref<10240x128xbf16, #tpu.memory_space<hbm>> -> memref<10240x128xbf16, #tpu.memory_space<hbm>>
      tpu.wait_indirect_dma semaphore(%arg15 : memref<!tpu.dma_semaphore, #tpu.memory_space<semaphore_mem>>) src(%dma_wait3A_208 : memref<10240x128xbf16, #tpu.memory_space<hbm>>) dst(%arg11 : memref<128x128xbf16, #tpu.memory_space<vmem>>)
      %add3A_209 = arith.constant 2 : i32
      %add3A_210 = arith.addi %mul3A_156, %add3A_209 : i32
      %dma_start3A_211 = arith.constant 0 : i32
      %dma_start3A_212 = tpu.memref_slice %arg8[%add3A_210, %dma_start3A_211] : memref<160x128xi32, #tpu.memory_space<vmem>> -> memref<1x128xi32, #tpu.memory_space<vmem>>
      %dma_start3A_213 = tpu.memref_squeeze %dma_start3A_212 : memref<1x128xi32, #tpu.memory_space<vmem>> -> memref<128xi32, #tpu.memory_space<vmem>>
      %dma_start3A_214 = arith.constant 0 : i32
      %dma_start3A_215 = arith.constant 0 : i32
      %dma_start3A_216 = tpu.memref_slice %arg21[%dma_start3A_214, %dma_start3A_215] : memref<10240x128xbf16, #tpu.memory_space<vmem_shared>> -> memref<10240x128xbf16, #tpu.memory_space<vmem_shared>>
      tpu.enqueue_indirect_dma source(%arg11 : memref<128x128xbf16, #tpu.memory_space<vmem>>) target(%dma_start3A_216 : memref<10240x128xbf16, #tpu.memory_space<vmem_shared>>) offsets(%dma_start3A_213 : memref<128xi32, #tpu.memory_space<vmem>>) semaphore(%arg19 : memref<!tpu.dma_semaphore, #tpu.memory_space<semaphore_mem>>) {add = true}
      %add3A_217 = arith.constant 3 : i32
      %add3A_218 = arith.addi %mul3A_156, %add3A_217 : i32
      %dma_wait3A_219 = arith.constant 0 : i32
      %dma_wait3A_220 = tpu.memref_slice %arg7[%add3A_218, %dma_wait3A_219] : memref<160x128xi32, #tpu.memory_space<vmem>> -> memref<1x128xi32, #tpu.memory_space<vmem>>
      %dma_wait3A_221 = tpu.memref_squeeze %dma_wait3A_220 : memref<1x128xi32, #tpu.memory_space<vmem>> -> memref<128xi32, #tpu.memory_space<vmem>>
      %dma_wait3A_222 = arith.constant 0 : i32
      %dma_wait3A_223 = arith.constant 0 : i32
      %dma_wait3A_224 = tpu.memref_slice %arg2[%add3A_5, %dma_wait3A_222, %dma_wait3A_223] : memref<2x10240x128xbf16, #tpu.memory_space<hbm>> -> memref<1x10240x128xbf16, #tpu.memory_space<hbm>>
      %dma_wait3A_225 = tpu.memref_squeeze %dma_wait3A_224 : memref<1x10240x128xbf16, #tpu.memory_space<hbm>> -> memref<10240x128xbf16, #tpu.memory_space<hbm>>
      %dma_wait3A_226 = arith.constant 0 : i32
      %dma_wait3A_227 = arith.constant 0 : i32
      %dma_wait3A_228 = tpu.memref_slice %dma_wait3A_225[%dma_wait3A_226, %dma_wait3A_227] : memref<10240x128xbf16, #tpu.memory_space<hbm>> -> memref<10240x128xbf16, #tpu.memory_space<hbm>>
      tpu.wait_indirect_dma semaphore(%arg16 : memref<!tpu.dma_semaphore, #tpu.memory_space<semaphore_mem>>) src(%dma_wait3A_228 : memref<10240x128xbf16, #tpu.memory_space<hbm>>) dst(%arg12 : memref<128x128xbf16, #tpu.memory_space<vmem>>)
      %add3A_229 = arith.constant 3 : i32
      %add3A_230 = arith.addi %mul3A_156, %add3A_229 : i32
      %dma_start3A_231 = arith.constant 0 : i32
      %dma_start3A_232 = tpu.memref_slice %arg8[%add3A_230, %dma_start3A_231] : memref<160x128xi32, #tpu.memory_space<vmem>> -> memref<1x128xi32, #tpu.memory_space<vmem>>
      %dma_start3A_233 = tpu.memref_squeeze %dma_start3A_232 : memref<1x128xi32, #tpu.memory_space<vmem>> -> memref<128xi32, #tpu.memory_space<vmem>>
      %dma_start3A_234 = arith.constant 0 : i32
      %dma_start3A_235 = arith.constant 0 : i32
      %dma_start3A_236 = tpu.memref_slice %arg21[%dma_start3A_234, %dma_start3A_235] : memref<10240x128xbf16, #tpu.memory_space<vmem_shared>> -> memref<10240x128xbf16, #tpu.memory_space<vmem_shared>>
      tpu.enqueue_indirect_dma source(%arg12 : memref<128x128xbf16, #tpu.memory_space<vmem>>) target(%dma_start3A_236 : memref<10240x128xbf16, #tpu.memory_space<vmem_shared>>) offsets(%dma_start3A_233 : memref<128xi32, #tpu.memory_space<vmem>>) semaphore(%arg20 : memref<!tpu.dma_semaphore, #tpu.memory_space<semaphore_mem>>) {add = true}
      %add3A_237 = arith.constant 0 : i32
      %add3A_238 = arith.addi %mul3A_156, %add3A_237 : i32
      %dma_wait3A_239 = arith.constant 0 : i32
      %dma_wait3A_240 = tpu.memref_slice %arg8[%add3A_238, %dma_wait3A_239] : memref<160x128xi32, #tpu.memory_space<vmem>> -> memref<1x128xi32, #tpu.memory_space<vmem>>
      %dma_wait3A_241 = tpu.memref_squeeze %dma_wait3A_240 : memref<1x128xi32, #tpu.memory_space<vmem>> -> memref<128xi32, #tpu.memory_space<vmem>>
      %dma_wait3A_242 = arith.constant 0 : i32
      %dma_wait3A_243 = arith.constant 0 : i32
      %dma_wait3A_244 = tpu.memref_slice %arg21[%dma_wait3A_242, %dma_wait3A_243] : memref<10240x128xbf16, #tpu.memory_space<vmem_shared>> -> memref<10240x128xbf16, #tpu.memory_space<vmem_shared>>
      tpu.wait_indirect_dma semaphore(%arg17 : memref<!tpu.dma_semaphore, #tpu.memory_space<semaphore_mem>>) src(%arg9 : memref<128x128xbf16, #tpu.memory_space<vmem>>) dst(%dma_wait3A_244 : memref<10240x128xbf16, #tpu.memory_space<vmem_shared>>)
      %add3A_245 = arith.constant 4 : i32
      %add3A_246 = arith.addi %mul3A_156, %add3A_245 : i32
      %add3A_247 = arith.constant 0 : i32
      %add3A_248 = arith.addi %add3A_246, %add3A_247 : i32
      %dma_start3A_249 = arith.constant 0 : i32
      %dma_start3A_250 = tpu.memref_slice %arg7[%add3A_248, %dma_start3A_249] : memref<160x128xi32, #tpu.memory_space<vmem>> -> memref<1x128xi32, #tpu.memory_space<vmem>>
      %dma_start3A_251 = tpu.memref_squeeze %dma_start3A_250 : memref<1x128xi32, #tpu.memory_space<vmem>> -> memref<128xi32, #tpu.memory_space<vmem>>
      %dma_start3A_252 = arith.constant 0 : i32
      %dma_start3A_253 = arith.constant 0 : i32
      %dma_start3A_254 = tpu.memref_slice %arg2[%add3A_5, %dma_start3A_252, %dma_start3A_253] : memref<2x10240x128xbf16, #tpu.memory_space<hbm>> -> memref<1x10240x128xbf16, #tpu.memory_space<hbm>>
      %dma_start3A_255 = tpu.memref_squeeze %dma_start3A_254 : memref<1x10240x128xbf16, #tpu.memory_space<hbm>> -> memref<10240x128xbf16, #tpu.memory_space<hbm>>
      %dma_start3A_256 = arith.constant 0 : i32
      %dma_start3A_257 = arith.constant 0 : i32
      %dma_start3A_258 = tpu.memref_slice %dma_start3A_255[%dma_start3A_256, %dma_start3A_257] : memref<10240x128xbf16, #tpu.memory_space<hbm>> -> memref<10240x128xbf16, #tpu.memory_space<hbm>>
      tpu.enqueue_indirect_dma source(%dma_start3A_258 : memref<10240x128xbf16, #tpu.memory_space<hbm>>) target(%arg9 : memref<128x128xbf16, #tpu.memory_space<vmem>>) offsets(%dma_start3A_251 : memref<128xi32, #tpu.memory_space<vmem>>) semaphore(%arg13 : memref<!tpu.dma_semaphore, #tpu.memory_space<semaphore_mem>>)
      %add3A_259 = arith.constant 1 : i32
      %add3A_260 = arith.addi %mul3A_156, %add3A_259 : i32
      %dma_wait3A_261 = arith.constant 0 : i32
      %dma_wait3A_262 = tpu.memref_slice %arg8[%add3A_260, %dma_wait3A_261] : memref<160x128xi32, #tpu.memory_space<vmem>> -> memref<1x128xi32, #tpu.memory_space<vmem>>
      %dma_wait3A_263 = tpu.memref_squeeze %dma_wait3A_262 : memref<1x128xi32, #tpu.memory_space<vmem>> -> memref<128xi32, #tpu.memory_space<vmem>>
      %dma_wait3A_264 = arith.constant 0 : i32
      %dma_wait3A_265 = arith.constant 0 : i32
      %dma_wait3A_266 = tpu.memref_slice %arg21[%dma_wait3A_264, %dma_wait3A_265] : memref<10240x128xbf16, #tpu.memory_space<vmem_shared>> -> memref<10240x128xbf16, #tpu.memory_space<vmem_shared>>
      tpu.wait_indirect_dma semaphore(%arg18 : memref<!tpu.dma_semaphore, #tpu.memory_space<semaphore_mem>>) src(%arg10 : memref<128x128xbf16, #tpu.memory_space<vmem>>) dst(%dma_wait3A_266 : memref<10240x128xbf16, #tpu.memory_space<vmem_shared>>)
      %add3A_267 = arith.constant 4 : i32
      %add3A_268 = arith.addi %mul3A_156, %add3A_267 : i32
      %add3A_269 = arith.constant 1 : i32
      %add3A_270 = arith.addi %add3A_268, %add3A_269 : i32
      %dma_start3A_271 = arith.constant 0 : i32
      %dma_start3A_272 = tpu.memref_slice %arg7[%add3A_270, %dma_start3A_271] : memref<160x128xi32, #tpu.memory_space<vmem>> -> memref<1x128xi32, #tpu.memory_space<vmem>>
      %dma_start3A_273 = tpu.memref_squeeze %dma_start3A_272 : memref<1x128xi32, #tpu.memory_space<vmem>> -> memref<128xi32, #tpu.memory_space<vmem>>
      %dma_start3A_274 = arith.constant 0 : i32
      %dma_start3A_275 = arith.constant 0 : i32
      %dma_start3A_276 = tpu.memref_slice %arg2[%add3A_5, %dma_start3A_274, %dma_start3A_275] : memref<2x10240x128xbf16, #tpu.memory_space<hbm>> -> memref<1x10240x128xbf16, #tpu.memory_space<hbm>>
      %dma_start3A_277 = tpu.memref_squeeze %dma_start3A_276 : memref<1x10240x128xbf16, #tpu.memory_space<hbm>> -> memref<10240x128xbf16, #tpu.memory_space<hbm>>
      %dma_start3A_278 = arith.constant 0 : i32
      %dma_start3A_279 = arith.constant 0 : i32
      %dma_start3A_280 = tpu.memref_slice %dma_start3A_277[%dma_start3A_278, %dma_start3A_279] : memref<10240x128xbf16, #tpu.memory_space<hbm>> -> memref<10240x128xbf16, #tpu.memory_space<hbm>>
      tpu.enqueue_indirect_dma source(%dma_start3A_280 : memref<10240x128xbf16, #tpu.memory_space<hbm>>) target(%arg10 : memref<128x128xbf16, #tpu.memory_space<vmem>>) offsets(%dma_start3A_273 : memref<128xi32, #tpu.memory_space<vmem>>) semaphore(%arg14 : memref<!tpu.dma_semaphore, #tpu.memory_space<semaphore_mem>>)
      %add3A_281 = arith.constant 2 : i32
      %add3A_282 = arith.addi %mul3A_156, %add3A_281 : i32
      %dma_wait3A_283 = arith.constant 0 : i32
      %dma_wait3A_284 = tpu.memref_slice %arg8[%add3A_282, %dma_wait3A_283] : memref<160x128xi32, #tpu.memory_space<vmem>> -> memref<1x128xi32, #tpu.memory_space<vmem>>
      %dma_wait3A_285 = tpu.memref_squeeze %dma_wait3A_284 : memref<1x128xi32, #tpu.memory_space<vmem>> -> memref<128xi32, #tpu.memory_space<vmem>>
      %dma_wait3A_286 = arith.constant 0 : i32
      %dma_wait3A_287 = arith.constant 0 : i32
      %dma_wait3A_288 = tpu.memref_slice %arg21[%dma_wait3A_286, %dma_wait3A_287] : memref<10240x128xbf16, #tpu.memory_space<vmem_shared>> -> memref<10240x128xbf16, #tpu.memory_space<vmem_shared>>
      tpu.wait_indirect_dma semaphore(%arg19 : memref<!tpu.dma_semaphore, #tpu.memory_space<semaphore_mem>>) src(%arg11 : memref<128x128xbf16, #tpu.memory_space<vmem>>) dst(%dma_wait3A_288 : memref<10240x128xbf16, #tpu.memory_space<vmem_shared>>)
      %add3A_289 = arith.constant 4 : i32
      %add3A_290 = arith.addi %mul3A_156, %add3A_289 : i32
      %add3A_291 = arith.constant 2 : i32
      %add3A_292 = arith.addi %add3A_290, %add3A_291 : i32
      %dma_start3A_293 = arith.constant 0 : i32
      %dma_start3A_294 = tpu.memref_slice %arg7[%add3A_292, %dma_start3A_293] : memref<160x128xi32, #tpu.memory_space<vmem>> -> memref<1x128xi32, #tpu.memory_space<vmem>>
      %dma_start3A_295 = tpu.memref_squeeze %dma_start3A_294 : memref<1x128xi32, #tpu.memory_space<vmem>> -> memref<128xi32, #tpu.memory_space<vmem>>
      %dma_start3A_296 = arith.constant 0 : i32
      %dma_start3A_297 = arith.constant 0 : i32
      %dma_start3A_298 = tpu.memref_slice %arg2[%add3A_5, %dma_start3A_296, %dma_start3A_297] : memref<2x10240x128xbf16, #tpu.memory_space<hbm>> -> memref<1x10240x128xbf16, #tpu.memory_space<hbm>>
      %dma_start3A_299 = tpu.memref_squeeze %dma_start3A_298 : memref<1x10240x128xbf16, #tpu.memory_space<hbm>> -> memref<10240x128xbf16, #tpu.memory_space<hbm>>
      %dma_start3A_300 = arith.constant 0 : i32
      %dma_start3A_301 = arith.constant 0 : i32
      %dma_start3A_302 = tpu.memref_slice %dma_start3A_299[%dma_start3A_300, %dma_start3A_301] : memref<10240x128xbf16, #tpu.memory_space<hbm>> -> memref<10240x128xbf16, #tpu.memory_space<hbm>>
      tpu.enqueue_indirect_dma source(%dma_start3A_302 : memref<10240x128xbf16, #tpu.memory_space<hbm>>) target(%arg11 : memref<128x128xbf16, #tpu.memory_space<vmem>>) offsets(%dma_start3A_295 : memref<128xi32, #tpu.memory_space<vmem>>) semaphore(%arg15 : memref<!tpu.dma_semaphore, #tpu.memory_space<semaphore_mem>>)
      %add3A_303 = arith.constant 3 : i32
      %add3A_304 = arith.addi %mul3A_156, %add3A_303 : i32
      %dma_wait3A_305 = arith.constant 0 : i32
      %dma_wait3A_306 = tpu.memref_slice %arg8[%add3A_304, %dma_wait3A_305] : memref<160x128xi32, #tpu.memory_space<vmem>> -> memref<1x128xi32, #tpu.memory_space<vmem>>
      %dma_wait3A_307 = tpu.memref_squeeze %dma_wait3A_306 : memref<1x128xi32, #tpu.memory_space<vmem>> -> memref<128xi32, #tpu.memory_space<vmem>>
      %dma_wait3A_308 = arith.constant 0 : i32
      %dma_wait3A_309 = arith.constant 0 : i32
      %dma_wait3A_310 = tpu.memref_slice %arg21[%dma_wait3A_308, %dma_wait3A_309] : memref<10240x128xbf16, #tpu.memory_space<vmem_shared>> -> memref<10240x128xbf16, #tpu.memory_space<vmem_shared>>
      tpu.wait_indirect_dma semaphore(%arg20 : memref<!tpu.dma_semaphore, #tpu.memory_space<semaphore_mem>>) src(%arg12 : memref<128x128xbf16, #tpu.memory_space<vmem>>) dst(%dma_wait3A_310 : memref<10240x128xbf16, #tpu.memory_space<vmem_shared>>)
      %add3A_311 = arith.constant 4 : i32
      %add3A_312 = arith.addi %mul3A_156, %add3A_311 : i32
      %add3A_313 = arith.constant 3 : i32
      %add3A_314 = arith.addi %add3A_312, %add3A_313 : i32
      %dma_start3A_315 = arith.constant 0 : i32
      %dma_start3A_316 = tpu.memref_slice %arg7[%add3A_314, %dma_start3A_315] : memref<160x128xi32, #tpu.memory_space<vmem>> -> memref<1x128xi32, #tpu.memory_space<vmem>>
      %dma_start3A_317 = tpu.memref_squeeze %dma_start3A_316 : memref<1x128xi32, #tpu.memory_space<vmem>> -> memref<128xi32, #tpu.memory_space<vmem>>
      %dma_start3A_318 = arith.constant 0 : i32
      %dma_start3A_319 = arith.constant 0 : i32
      %dma_start3A_320 = tpu.memref_slice %arg2[%add3A_5, %dma_start3A_318, %dma_start3A_319] : memref<2x10240x128xbf16, #tpu.memory_space<hbm>> -> memref<1x10240x128xbf16, #tpu.memory_space<hbm>>
      %dma_start3A_321 = tpu.memref_squeeze %dma_start3A_320 : memref<1x10240x128xbf16, #tpu.memory_space<hbm>> -> memref<10240x128xbf16, #tpu.memory_space<hbm>>
      %dma_start3A_322 = arith.constant 0 : i32
      %dma_start3A_323 = arith.constant 0 : i32
      %dma_start3A_324 = tpu.memref_slice %dma_start3A_321[%dma_start3A_322, %dma_start3A_323] : memref<10240x128xbf16, #tpu.memory_space<hbm>> -> memref<10240x128xbf16, #tpu.memory_space<hbm>>
      tpu.enqueue_indirect_dma source(%dma_start3A_324 : memref<10240x128xbf16, #tpu.memory_space<hbm>>) target(%arg12 : memref<128x128xbf16, #tpu.memory_space<vmem>>) offsets(%dma_start3A_317 : memref<128xi32, #tpu.memory_space<vmem>>) semaphore(%arg16 : memref<!tpu.dma_semaphore, #tpu.memory_space<semaphore_mem>>)
    }
    %scan3A_53 = arith.constant 39 : i32
    %dma_wait3A = arith.constant 156 : i32
    %dma_wait3A_54 = arith.constant 0 : i32
    %dma_wait3A_55 = tpu.memref_slice %arg7[%dma_wait3A, %dma_wait3A_54] : memref<160x128xi32, #tpu.memory_space<vmem>> -> memref<1x128xi32, #tpu.memory_space<vmem>>
    %dma_wait3A_56 = tpu.memref_squeeze %dma_wait3A_55 : memref<1x128xi32, #tpu.memory_space<vmem>> -> memref<128xi32, #tpu.memory_space<vmem>>
    %dma_wait3A_57 = arith.constant 0 : i32
    %dma_wait3A_58 = arith.constant 0 : i32
    %dma_wait3A_59 = tpu.memref_slice %arg2[%add3A_5, %dma_wait3A_57, %dma_wait3A_58] : memref<2x10240x128xbf16, #tpu.memory_space<hbm>> -> memref<1x10240x128xbf16, #tpu.memory_space<hbm>>
    %dma_wait3A_60 = tpu.memref_squeeze %dma_wait3A_59 : memref<1x10240x128xbf16, #tpu.memory_space<hbm>> -> memref<10240x128xbf16, #tpu.memory_space<hbm>>
    %dma_wait3A_61 = arith.constant 0 : i32
    %dma_wait3A_62 = arith.constant 0 : i32
    %dma_wait3A_63 = tpu.memref_slice %dma_wait3A_60[%dma_wait3A_61, %dma_wait3A_62] : memref<10240x128xbf16, #tpu.memory_space<hbm>> -> memref<10240x128xbf16, #tpu.memory_space<hbm>>
    tpu.wait_indirect_dma semaphore(%arg13 : memref<!tpu.dma_semaphore, #tpu.memory_space<semaphore_mem>>) src(%dma_wait3A_63 : memref<10240x128xbf16, #tpu.memory_space<hbm>>) dst(%arg9 : memref<128x128xbf16, #tpu.memory_space<vmem>>)
    %dma_start3A_64 = arith.constant 156 : i32
    %dma_start3A_65 = arith.constant 0 : i32
    %dma_start3A_66 = tpu.memref_slice %arg8[%dma_start3A_64, %dma_start3A_65] : memref<160x128xi32, #tpu.memory_space<vmem>> -> memref<1x128xi32, #tpu.memory_space<vmem>>
    %dma_start3A_67 = tpu.memref_squeeze %dma_start3A_66 : memref<1x128xi32, #tpu.memory_space<vmem>> -> memref<128xi32, #tpu.memory_space<vmem>>
    %dma_start3A_68 = arith.constant 0 : i32
    %dma_start3A_69 = arith.constant 0 : i32
    %dma_start3A_70 = tpu.memref_slice %arg21[%dma_start3A_68, %dma_start3A_69] : memref<10240x128xbf16, #tpu.memory_space<vmem_shared>> -> memref<10240x128xbf16, #tpu.memory_space<vmem_shared>>
    tpu.enqueue_indirect_dma source(%arg9 : memref<128x128xbf16, #tpu.memory_space<vmem>>) target(%dma_start3A_70 : memref<10240x128xbf16, #tpu.memory_space<vmem_shared>>) offsets(%dma_start3A_67 : memref<128xi32, #tpu.memory_space<vmem>>) semaphore(%arg17 : memref<!tpu.dma_semaphore, #tpu.memory_space<semaphore_mem>>) {add = true}
    %dma_wait3A_71 = arith.constant 157 : i32
    %dma_wait3A_72 = arith.constant 0 : i32
    %dma_wait3A_73 = tpu.memref_slice %arg7[%dma_wait3A_71, %dma_wait3A_72] : memref<160x128xi32, #tpu.memory_space<vmem>> -> memref<1x128xi32, #tpu.memory_space<vmem>>
    %dma_wait3A_74 = tpu.memref_squeeze %dma_wait3A_73 : memref<1x128xi32, #tpu.memory_space<vmem>> -> memref<128xi32, #tpu.memory_space<vmem>>
    %dma_wait3A_75 = arith.constant 0 : i32
    %dma_wait3A_76 = arith.constant 0 : i32
    %dma_wait3A_77 = tpu.memref_slice %arg2[%add3A_5, %dma_wait3A_75, %dma_wait3A_76] : memref<2x10240x128xbf16, #tpu.memory_space<hbm>> -> memref<1x10240x128xbf16, #tpu.memory_space<hbm>>
    %dma_wait3A_78 = tpu.memref_squeeze %dma_wait3A_77 : memref<1x10240x128xbf16, #tpu.memory_space<hbm>> -> memref<10240x128xbf16, #tpu.memory_space<hbm>>
    %dma_wait3A_79 = arith.constant 0 : i32
    %dma_wait3A_80 = arith.constant 0 : i32
    %dma_wait3A_81 = tpu.memref_slice %dma_wait3A_78[%dma_wait3A_79, %dma_wait3A_80] : memref<10240x128xbf16, #tpu.memory_space<hbm>> -> memref<10240x128xbf16, #tpu.memory_space<hbm>>
    tpu.wait_indirect_dma semaphore(%arg14 : memref<!tpu.dma_semaphore, #tpu.memory_space<semaphore_mem>>) src(%dma_wait3A_81 : memref<10240x128xbf16, #tpu.memory_space<hbm>>) dst(%arg10 : memref<128x128xbf16, #tpu.memory_space<vmem>>)
    %dma_start3A_82 = arith.constant 157 : i32
    %dma_start3A_83 = arith.constant 0 : i32
    %dma_start3A_84 = tpu.memref_slice %arg8[%dma_start3A_82, %dma_start3A_83] : memref<160x128xi32, #tpu.memory_space<vmem>> -> memref<1x128xi32, #tpu.memory_space<vmem>>
    %dma_start3A_85 = tpu.memref_squeeze %dma_start3A_84 : memref<1x128xi32, #tpu.memory_space<vmem>> -> memref<128xi32, #tpu.memory_space<vmem>>
    %dma_start3A_86 = arith.constant 0 : i32
    %dma_start3A_87 = arith.constant 0 : i32
    %dma_start3A_88 = tpu.memref_slice %arg21[%dma_start3A_86, %dma_start3A_87] : memref<10240x128xbf16, #tpu.memory_space<vmem_shared>> -> memref<10240x128xbf16, #tpu.memory_space<vmem_shared>>
    tpu.enqueue_indirect_dma source(%arg10 : memref<128x128xbf16, #tpu.memory_space<vmem>>) target(%dma_start3A_88 : memref<10240x128xbf16, #tpu.memory_space<vmem_shared>>) offsets(%dma_start3A_85 : memref<128xi32, #tpu.memory_space<vmem>>) semaphore(%arg18 : memref<!tpu.dma_semaphore, #tpu.memory_space<semaphore_mem>>) {add = true}
    %dma_wait3A_89 = arith.constant 158 : i32
    %dma_wait3A_90 = arith.constant 0 : i32
    %dma_wait3A_91 = tpu.memref_slice %arg7[%dma_wait3A_89, %dma_wait3A_90] : memref<160x128xi32, #tpu.memory_space<vmem>> -> memref<1x128xi32, #tpu.memory_space<vmem>>
    %dma_wait3A_92 = tpu.memref_squeeze %dma_wait3A_91 : memref<1x128xi32, #tpu.memory_space<vmem>> -> memref<128xi32, #tpu.memory_space<vmem>>
    %dma_wait3A_93 = arith.constant 0 : i32
    %dma_wait3A_94 = arith.constant 0 : i32
    %dma_wait3A_95 = tpu.memref_slice %arg2[%add3A_5, %dma_wait3A_93, %dma_wait3A_94] : memref<2x10240x128xbf16, #tpu.memory_space<hbm>> -> memref<1x10240x128xbf16, #tpu.memory_space<hbm>>
    %dma_wait3A_96 = tpu.memref_squeeze %dma_wait3A_95 : memref<1x10240x128xbf16, #tpu.memory_space<hbm>> -> memref<10240x128xbf16, #tpu.memory_space<hbm>>
    %dma_wait3A_97 = arith.constant 0 : i32
    %dma_wait3A_98 = arith.constant 0 : i32
    %dma_wait3A_99 = tpu.memref_slice %dma_wait3A_96[%dma_wait3A_97, %dma_wait3A_98] : memref<10240x128xbf16, #tpu.memory_space<hbm>> -> memref<10240x128xbf16, #tpu.memory_space<hbm>>
    tpu.wait_indirect_dma semaphore(%arg15 : memref<!tpu.dma_semaphore, #tpu.memory_space<semaphore_mem>>) src(%dma_wait3A_99 : memref<10240x128xbf16, #tpu.memory_space<hbm>>) dst(%arg11 : memref<128x128xbf16, #tpu.memory_space<vmem>>)
    %dma_start3A_100 = arith.constant 158 : i32
    %dma_start3A_101 = arith.constant 0 : i32
    %dma_start3A_102 = tpu.memref_slice %arg8[%dma_start3A_100, %dma_start3A_101] : memref<160x128xi32, #tpu.memory_space<vmem>> -> memref<1x128xi32, #tpu.memory_space<vmem>>
    %dma_start3A_103 = tpu.memref_squeeze %dma_start3A_102 : memref<1x128xi32, #tpu.memory_space<vmem>> -> memref<128xi32, #tpu.memory_space<vmem>>
    %dma_start3A_104 = arith.constant 0 : i32
    %dma_start3A_105 = arith.constant 0 : i32
    %dma_start3A_106 = tpu.memref_slice %arg21[%dma_start3A_104, %dma_start3A_105] : memref<10240x128xbf16, #tpu.memory_space<vmem_shared>> -> memref<10240x128xbf16, #tpu.memory_space<vmem_shared>>
    tpu.enqueue_indirect_dma source(%arg11 : memref<128x128xbf16, #tpu.memory_space<vmem>>) target(%dma_start3A_106 : memref<10240x128xbf16, #tpu.memory_space<vmem_shared>>) offsets(%dma_start3A_103 : memref<128xi32, #tpu.memory_space<vmem>>) semaphore(%arg19 : memref<!tpu.dma_semaphore, #tpu.memory_space<semaphore_mem>>) {add = true}
    %dma_wait3A_107 = arith.constant 159 : i32
    %dma_wait3A_108 = arith.constant 0 : i32
    %dma_wait3A_109 = tpu.memref_slice %arg7[%dma_wait3A_107, %dma_wait3A_108] : memref<160x128xi32, #tpu.memory_space<vmem>> -> memref<1x128xi32, #tpu.memory_space<vmem>>
    %dma_wait3A_110 = tpu.memref_squeeze %dma_wait3A_109 : memref<1x128xi32, #tpu.memory_space<vmem>> -> memref<128xi32, #tpu.memory_space<vmem>>
    %dma_wait3A_111 = arith.constant 0 : i32
    %dma_wait3A_112 = arith.constant 0 : i32
    %dma_wait3A_113 = tpu.memref_slice %arg2[%add3A_5, %dma_wait3A_111, %dma_wait3A_112] : memref<2x10240x128xbf16, #tpu.memory_space<hbm>> -> memref<1x10240x128xbf16, #tpu.memory_space<hbm>>
    %dma_wait3A_114 = tpu.memref_squeeze %dma_wait3A_113 : memref<1x10240x128xbf16, #tpu.memory_space<hbm>> -> memref<10240x128xbf16, #tpu.memory_space<hbm>>
    %dma_wait3A_115 = arith.constant 0 : i32
    %dma_wait3A_116 = arith.constant 0 : i32
    %dma_wait3A_117 = tpu.memref_slice %dma_wait3A_114[%dma_wait3A_115, %dma_wait3A_116] : memref<10240x128xbf16, #tpu.memory_space<hbm>> -> memref<10240x128xbf16, #tpu.memory_space<hbm>>
    tpu.wait_indirect_dma semaphore(%arg16 : memref<!tpu.dma_semaphore, #tpu.memory_space<semaphore_mem>>) src(%dma_wait3A_117 : memref<10240x128xbf16, #tpu.memory_space<hbm>>) dst(%arg12 : memref<128x128xbf16, #tpu.memory_space<vmem>>)
    %dma_start3A_118 = arith.constant 159 : i32
    %dma_start3A_119 = arith.constant 0 : i32
    %dma_start3A_120 = tpu.memref_slice %arg8[%dma_start3A_118, %dma_start3A_119] : memref<160x128xi32, #tpu.memory_space<vmem>> -> memref<1x128xi32, #tpu.memory_space<vmem>>
    %dma_start3A_121 = tpu.memref_squeeze %dma_start3A_120 : memref<1x128xi32, #tpu.memory_space<vmem>> -> memref<128xi32, #tpu.memory_space<vmem>>
    %dma_start3A_122 = arith.constant 0 : i32
    %dma_start3A_123 = arith.constant 0 : i32
    %dma_start3A_124 = tpu.memref_slice %arg21[%dma_start3A_122, %dma_start3A_123] : memref<10240x128xbf16, #tpu.memory_space<vmem_shared>> -> memref<10240x128xbf16, #tpu.memory_space<vmem_shared>>
    tpu.enqueue_indirect_dma source(%arg12 : memref<128x128xbf16, #tpu.memory_space<vmem>>) target(%dma_start3A_124 : memref<10240x128xbf16, #tpu.memory_space<vmem_shared>>) offsets(%dma_start3A_121 : memref<128xi32, #tpu.memory_space<vmem>>) semaphore(%arg20 : memref<!tpu.dma_semaphore, #tpu.memory_space<semaphore_mem>>) {add = true}
    %dma_wait3A_125 = arith.constant 156 : i32
    %dma_wait3A_126 = arith.constant 0 : i32
    %dma_wait3A_127 = tpu.memref_slice %arg8[%dma_wait3A_125, %dma_wait3A_126] : memref<160x128xi32, #tpu.memory_space<vmem>> -> memref<1x128xi32, #tpu.memory_space<vmem>>
    %dma_wait3A_128 = tpu.memref_squeeze %dma_wait3A_127 : memref<1x128xi32, #tpu.memory_space<vmem>> -> memref<128xi32, #tpu.memory_space<vmem>>
    %dma_wait3A_129 = arith.constant 0 : i32
    %dma_wait3A_130 = arith.constant 0 : i32
    %dma_wait3A_131 = tpu.memref_slice %arg21[%dma_wait3A_129, %dma_wait3A_130] : memref<10240x128xbf16, #tpu.memory_space<vmem_shared>> -> memref<10240x128xbf16, #tpu.memory_space<vmem_shared>>
    tpu.wait_indirect_dma semaphore(%arg17 : memref<!tpu.dma_semaphore, #tpu.memory_space<semaphore_mem>>) src(%arg9 : memref<128x128xbf16, #tpu.memory_space<vmem>>) dst(%dma_wait3A_131 : memref<10240x128xbf16, #tpu.memory_space<vmem_shared>>)
    %dma_wait3A_132 = arith.constant 157 : i32
    %dma_wait3A_133 = arith.constant 0 : i32
    %dma_wait3A_134 = tpu.memref_slice %arg8[%dma_wait3A_132, %dma_wait3A_133] : memref<160x128xi32, #tpu.memory_space<vmem>> -> memref<1x128xi32, #tpu.memory_space<vmem>>
    %dma_wait3A_135 = tpu.memref_squeeze %dma_wait3A_134 : memref<1x128xi32, #tpu.memory_space<vmem>> -> memref<128xi32, #tpu.memory_space<vmem>>
    %dma_wait3A_136 = arith.constant 0 : i32
    %dma_wait3A_137 = arith.constant 0 : i32
    %dma_wait3A_138 = tpu.memref_slice %arg21[%dma_wait3A_136, %dma_wait3A_137] : memref<10240x128xbf16, #tpu.memory_space<vmem_shared>> -> memref<10240x128xbf16, #tpu.memory_space<vmem_shared>>
    tpu.wait_indirect_dma semaphore(%arg18 : memref<!tpu.dma_semaphore, #tpu.memory_space<semaphore_mem>>) src(%arg10 : memref<128x128xbf16, #tpu.memory_space<vmem>>) dst(%dma_wait3A_138 : memref<10240x128xbf16, #tpu.memory_space<vmem_shared>>)
    %dma_wait3A_139 = arith.constant 158 : i32
    %dma_wait3A_140 = arith.constant 0 : i32
    %dma_wait3A_141 = tpu.memref_slice %arg8[%dma_wait3A_139, %dma_wait3A_140] : memref<160x128xi32, #tpu.memory_space<vmem>> -> memref<1x128xi32, #tpu.memory_space<vmem>>
    %dma_wait3A_142 = tpu.memref_squeeze %dma_wait3A_141 : memref<1x128xi32, #tpu.memory_space<vmem>> -> memref<128xi32, #tpu.memory_space<vmem>>
    %dma_wait3A_143 = arith.constant 0 : i32
    %dma_wait3A_144 = arith.constant 0 : i32
    %dma_wait3A_145 = tpu.memref_slice %arg21[%dma_wait3A_143, %dma_wait3A_144] : memref<10240x128xbf16, #tpu.memory_space<vmem_shared>> -> memref<10240x128xbf16, #tpu.memory_space<vmem_shared>>
    tpu.wait_indirect_dma semaphore(%arg19 : memref<!tpu.dma_semaphore, #tpu.memory_space<semaphore_mem>>) src(%arg11 : memref<128x128xbf16, #tpu.memory_space<vmem>>) dst(%dma_wait3A_145 : memref<10240x128xbf16, #tpu.memory_space<vmem_shared>>)
    %dma_wait3A_146 = arith.constant 159 : i32
    %dma_wait3A_147 = arith.constant 0 : i32
    %dma_wait3A_148 = tpu.memref_slice %arg8[%dma_wait3A_146, %dma_wait3A_147] : memref<160x128xi32, #tpu.memory_space<vmem>> -> memref<1x128xi32, #tpu.memory_space<vmem>>
    %dma_wait3A_149 = tpu.memref_squeeze %dma_wait3A_148 : memref<1x128xi32, #tpu.memory_space<vmem>> -> memref<128xi32, #tpu.memory_space<vmem>>
    %dma_wait3A_150 = arith.constant 0 : i32
    %dma_wait3A_151 = arith.constant 0 : i32
    %dma_wait3A_152 = tpu.memref_slice %arg21[%dma_wait3A_150, %dma_wait3A_151] : memref<10240x128xbf16, #tpu.memory_space<vmem_shared>> -> memref<10240x128xbf16, #tpu.memory_space<vmem_shared>>
    tpu.wait_indirect_dma semaphore(%arg20 : memref<!tpu.dma_semaphore, #tpu.memory_space<semaphore_mem>>) src(%arg12 : memref<128x128xbf16, #tpu.memory_space<vmem>>) dst(%dma_wait3A_152 : memref<10240x128xbf16, #tpu.memory_space<vmem_shared>>)
    %barrier3A_153 = arith.constant 0 : index
    tpu.barrier barrier_id(%barrier3A_153)
    "tpu.region"() ({
      %run_scoped3A = tpu.sem_alloc : memref<!tpu.dma_semaphore, #tpu.memory_space<semaphore_mem>>
      %dma_start3A_154 = arith.constant 0 : i32
      %dma_start3A_155 = arith.constant 0 : i32
      %dma_start3A_156 = tpu.memref_slice %arg6[%add3A_5, %dma_start3A_154, %dma_start3A_155] : memref<2x10240x128xbf16, #tpu.memory_space<hbm>> -> memref<1x10240x128xbf16, #tpu.memory_space<hbm>>
      %dma_start3A_157 = tpu.memref_squeeze %dma_start3A_156 : memref<1x10240x128xbf16, #tpu.memory_space<hbm>> -> memref<10240x128xbf16, #tpu.memory_space<hbm>>
      %dma_start3A_158 = arith.constant 0 : i32
      %dma_start3A_159 = tpu.memref_slice %dma_start3A_157[%mul3A_0, %dma_start3A_158] : memref<10240x128xbf16, #tpu.memory_space<hbm>> -> memref<640x128xbf16, #tpu.memory_space<hbm>>
      %dma_start3A_160 = arith.constant 0 : i32
      %dma_start3A_161 = tpu.memref_slice %arg21[%mul3A_0, %dma_start3A_160] : memref<10240x128xbf16, #tpu.memory_space<vmem_shared>> -> memref<640x128xbf16, #tpu.memory_space<vmem_shared>>
      tpu.enqueue_dma source(%dma_start3A_161 : memref<640x128xbf16, #tpu.memory_space<vmem_shared>>) target(%dma_start3A_159 : memref<640x128xbf16, #tpu.memory_space<hbm>>) target_semaphore(%run_scoped3A : memref<!tpu.dma_semaphore, #tpu.memory_space<semaphore_mem>>)
      %dma_wait3A_162 = arith.constant 0 : i32
      %dma_wait3A_163 = arith.constant 0 : i32
      %dma_wait3A_164 = tpu.memref_slice %arg6[%add3A_5, %dma_wait3A_162, %dma_wait3A_163] : memref<2x10240x128xbf16, #tpu.memory_space<hbm>> -> memref<1x10240x128xbf16, #tpu.memory_space<hbm>>
      %dma_wait3A_165 = tpu.memref_squeeze %dma_wait3A_164 : memref<1x10240x128xbf16, #tpu.memory_space<hbm>> -> memref<10240x128xbf16, #tpu.memory_space<hbm>>
      %dma_wait3A_166 = arith.constant 0 : i32
      %dma_wait3A_167 = tpu.memref_slice %dma_wait3A_165[%mul3A_0, %dma_wait3A_166] : memref<10240x128xbf16, #tpu.memory_space<hbm>> -> memref<640x128xbf16, #tpu.memory_space<hbm>>
      %dma_wait3A_168 = arith.constant 0 : i32
      %dma_wait3A_169 = tpu.memref_slice %arg21[%mul3A_0, %dma_wait3A_168] : memref<10240x128xbf16, #tpu.memory_space<vmem_shared>> -> memref<640x128xbf16, #tpu.memory_space<vmem_shared>>
      tpu.wait_dma2 semaphore(%run_scoped3A : memref<!tpu.dma_semaphore, #tpu.memory_space<semaphore_mem>>) src(%dma_wait3A_169 : memref<640x128xbf16, #tpu.memory_space<vmem_shared>>) dst(%dma_wait3A_167 : memref<640x128xbf16, #tpu.memory_space<hbm>>)
      tpu.yield
    }) : () -> ()
    return
  }
}

#map = affine_map<(d0, d1) -> (0, 0, 0)>
#map1 = affine_map<(d0, d1) -> (0, 0)>
module attributes {stable_mosaic.version = 14 : i64} {
  func.func @agg(%arg0: i32, %arg1: i32, %arg2: memref<1x10240x64xbf16, #tpu.memory_space<hbm>>, %arg3: memref<2560x128xi32, #tpu.memory_space<hbm>>, %arg4: memref<2560x128xi32, #tpu.memory_space<hbm>>, %arg5: memref<10240x64xbf16, #tpu.memory_space<hbm>>, %arg6: memref<2x10240x64xbf16, #tpu.memory_space<hbm>>, %arg7: memref<80x128xi32, #tpu.memory_space<vmem>>, %arg8: memref<80x128xi32, #tpu.memory_space<vmem>>, %arg9: memref<128x64xbf16, #tpu.memory_space<vmem>>, %arg10: memref<128x64xbf16, #tpu.memory_space<vmem>>, %arg11: memref<128x64xbf16, #tpu.memory_space<vmem>>, %arg12: memref<128x64xbf16, #tpu.memory_space<vmem>>, %arg13: memref<128x64xbf16, #tpu.memory_space<vmem>>, %arg14: memref<128x64xbf16, #tpu.memory_space<vmem>>, %arg15: memref<128x64xbf16, #tpu.memory_space<vmem>>, %arg16: memref<128x64xbf16, #tpu.memory_space<vmem>>, %arg17: memref<!tpu.dma_semaphore, #tpu.memory_space<semaphore_mem>>, %arg18: memref<!tpu.dma_semaphore, #tpu.memory_space<semaphore_mem>>, %arg19: memref<!tpu.dma_semaphore, #tpu.memory_space<semaphore_mem>>, %arg20: memref<!tpu.dma_semaphore, #tpu.memory_space<semaphore_mem>>, %arg21: memref<!tpu.dma_semaphore, #tpu.memory_space<semaphore_mem>>, %arg22: memref<!tpu.dma_semaphore, #tpu.memory_space<semaphore_mem>>, %arg23: memref<!tpu.dma_semaphore, #tpu.memory_space<semaphore_mem>>, %arg24: memref<!tpu.dma_semaphore, #tpu.memory_space<semaphore_mem>>, %arg25: memref<!tpu.dma_semaphore, #tpu.memory_space<semaphore_mem>>, %arg26: memref<!tpu.dma_semaphore, #tpu.memory_space<semaphore_mem>>, %arg27: memref<!tpu.dma_semaphore, #tpu.memory_space<semaphore_mem>>, %arg28: memref<!tpu.dma_semaphore, #tpu.memory_space<semaphore_mem>>, %arg29: memref<!tpu.dma_semaphore, #tpu.memory_space<semaphore_mem>>, %arg30: memref<!tpu.dma_semaphore, #tpu.memory_space<semaphore_mem>>, %arg31: memref<!tpu.dma_semaphore, #tpu.memory_space<semaphore_mem>>, %arg32: memref<!tpu.dma_semaphore, #tpu.memory_space<semaphore_mem>>, %arg33: memref<10240x64xbf16, #tpu.memory_space<vmem_shared>>) attributes {dimension_semantics = [#tpu.dimension_semantics<core_parallel>, #tpu.dimension_semantics<subcore_parallel>], iteration_bounds = array<i64: 2, 16>, scalar_prefetch = 0 : i64, scratch_operands = 27 : i64, tpu.core_type = #tpu.core_type<sc_vector_subcore>, window_params = [{transform_indices = #map}, {transform_indices = #map1}, {transform_indices = #map1}, {transform_indices = #map1}, {transform_indices = #map}]} {
    %mul3A = arith.constant 640 : i32
    %mul3A_0 = arith.muli %arg1, %mul3A : i32
    %mul3A_1 = arith.constant 16 : i32
    %mul3A_2 = arith.muli %arg0, %mul3A_1 : i32
    %add3A = arith.addi %mul3A_2, %arg1 : i32
    %mul3A_3 = arith.constant 80 : i32
    %mul3A_4 = arith.muli %add3A, %mul3A_3 : i32
    "tpu.region"() ({
      %run_scoped3A = tpu.sem_alloc : memref<!tpu.dma_semaphore, #tpu.memory_space<semaphore_mem>>
      %dma_start3A_313 = arith.constant 0 : i32
      %dma_start3A_314 = tpu.memref_slice %arg3[%mul3A_4, %dma_start3A_313] : memref<2560x128xi32, #tpu.memory_space<hbm>> -> memref<80x128xi32, #tpu.memory_space<hbm>>
      %dma_start3A_315 = arith.constant 0 : i32
      %dma_start3A_316 = tpu.memref_slice %arg3[%mul3A_4, %dma_start3A_315] : memref<2560x128xi32, #tpu.memory_space<hbm>> -> memref<80x128xi32, #tpu.memory_space<hbm>>
      tpu.enqueue_dma source(%dma_start3A_316 : memref<80x128xi32, #tpu.memory_space<hbm>>) target(%arg7 : memref<80x128xi32, #tpu.memory_space<vmem>>) target_semaphore(%run_scoped3A : memref<!tpu.dma_semaphore, #tpu.memory_space<semaphore_mem>>)
      %dma_wait3A_317 = arith.constant 0 : i32
      %dma_wait3A_318 = tpu.memref_slice %arg3[%mul3A_4, %dma_wait3A_317] : memref<2560x128xi32, #tpu.memory_space<hbm>> -> memref<80x128xi32, #tpu.memory_space<hbm>>
      %dma_wait3A_319 = arith.constant 0 : i32
      %dma_wait3A_320 = tpu.memref_slice %arg3[%mul3A_4, %dma_wait3A_319] : memref<2560x128xi32, #tpu.memory_space<hbm>> -> memref<80x128xi32, #tpu.memory_space<hbm>>
      tpu.wait_dma2 semaphore(%run_scoped3A : memref<!tpu.dma_semaphore, #tpu.memory_space<semaphore_mem>>) src(%dma_wait3A_320 : memref<80x128xi32, #tpu.memory_space<hbm>>) dst(%arg7 : memref<80x128xi32, #tpu.memory_space<vmem>>)
      tpu.yield
    }) : () -> ()
    "tpu.region"() ({
      %run_scoped3A = tpu.sem_alloc : memref<!tpu.dma_semaphore, #tpu.memory_space<semaphore_mem>>
      %dma_start3A_313 = arith.constant 0 : i32
      %dma_start3A_314 = tpu.memref_slice %arg4[%mul3A_4, %dma_start3A_313] : memref<2560x128xi32, #tpu.memory_space<hbm>> -> memref<80x128xi32, #tpu.memory_space<hbm>>
      %dma_start3A_315 = arith.constant 0 : i32
      %dma_start3A_316 = tpu.memref_slice %arg4[%mul3A_4, %dma_start3A_315] : memref<2560x128xi32, #tpu.memory_space<hbm>> -> memref<80x128xi32, #tpu.memory_space<hbm>>
      tpu.enqueue_dma source(%dma_start3A_316 : memref<80x128xi32, #tpu.memory_space<hbm>>) target(%arg8 : memref<80x128xi32, #tpu.memory_space<vmem>>) target_semaphore(%run_scoped3A : memref<!tpu.dma_semaphore, #tpu.memory_space<semaphore_mem>>)
      %dma_wait3A_317 = arith.constant 0 : i32
      %dma_wait3A_318 = tpu.memref_slice %arg4[%mul3A_4, %dma_wait3A_317] : memref<2560x128xi32, #tpu.memory_space<hbm>> -> memref<80x128xi32, #tpu.memory_space<hbm>>
      %dma_wait3A_319 = arith.constant 0 : i32
      %dma_wait3A_320 = tpu.memref_slice %arg4[%mul3A_4, %dma_wait3A_319] : memref<2560x128xi32, #tpu.memory_space<hbm>> -> memref<80x128xi32, #tpu.memory_space<hbm>>
      tpu.wait_dma2 semaphore(%run_scoped3A : memref<!tpu.dma_semaphore, #tpu.memory_space<semaphore_mem>>) src(%dma_wait3A_320 : memref<80x128xi32, #tpu.memory_space<hbm>>) dst(%arg8 : memref<80x128xi32, #tpu.memory_space<vmem>>)
      tpu.yield
    }) : () -> ()
    "tpu.region"() ({
      %run_scoped3A = tpu.sem_alloc : memref<!tpu.dma_semaphore, #tpu.memory_space<semaphore_mem>>
      %dma_start3A_313 = arith.constant 0 : i32
      %dma_start3A_314 = tpu.memref_slice %arg33[%mul3A_0, %dma_start3A_313] : memref<10240x64xbf16, #tpu.memory_space<vmem_shared>> -> memref<640x64xbf16, #tpu.memory_space<vmem_shared>>
      %dma_start3A_315 = arith.constant 0 : i32
      %dma_start3A_316 = tpu.memref_slice %arg5[%mul3A_0, %dma_start3A_315] : memref<10240x64xbf16, #tpu.memory_space<hbm>> -> memref<640x64xbf16, #tpu.memory_space<hbm>>
      tpu.enqueue_dma source(%dma_start3A_316 : memref<640x64xbf16, #tpu.memory_space<hbm>>) target(%dma_start3A_314 : memref<640x64xbf16, #tpu.memory_space<vmem_shared>>) target_semaphore(%run_scoped3A : memref<!tpu.dma_semaphore, #tpu.memory_space<semaphore_mem>>)
      %dma_wait3A_317 = arith.constant 0 : i32
      %dma_wait3A_318 = tpu.memref_slice %arg33[%mul3A_0, %dma_wait3A_317] : memref<10240x64xbf16, #tpu.memory_space<vmem_shared>> -> memref<640x64xbf16, #tpu.memory_space<vmem_shared>>
      %dma_wait3A_319 = arith.constant 0 : i32
      %dma_wait3A_320 = tpu.memref_slice %arg5[%mul3A_0, %dma_wait3A_319] : memref<10240x64xbf16, #tpu.memory_space<hbm>> -> memref<640x64xbf16, #tpu.memory_space<hbm>>
      tpu.wait_dma2 semaphore(%run_scoped3A : memref<!tpu.dma_semaphore, #tpu.memory_space<semaphore_mem>>) src(%dma_wait3A_320 : memref<640x64xbf16, #tpu.memory_space<hbm>>) dst(%dma_wait3A_318 : memref<640x64xbf16, #tpu.memory_space<vmem_shared>>)
      tpu.yield
    }) : () -> ()
    %barrier3A = arith.constant 0 : index
    tpu.barrier barrier_id(%barrier3A)
    %dma_start3A = arith.constant 0 : i32
    %dma_start3A_5 = arith.constant 0 : i32
    %dma_start3A_6 = arith.constant 0 : i32
    %dma_start3A_7 = tpu.memref_slice %arg7[%dma_start3A_5, %dma_start3A_6] : memref<80x128xi32, #tpu.memory_space<vmem>> -> memref<1x128xi32, #tpu.memory_space<vmem>>
    %dma_start3A_8 = tpu.memref_squeeze %dma_start3A_7 : memref<1x128xi32, #tpu.memory_space<vmem>> -> memref<128xi32, #tpu.memory_space<vmem>>
    %dma_start3A_9 = arith.constant 0 : i32
    %dma_start3A_10 = arith.constant 0 : i32
    %dma_start3A_11 = tpu.memref_slice %arg2[%dma_start3A, %dma_start3A_9, %dma_start3A_10] : memref<1x10240x64xbf16, #tpu.memory_space<hbm>> -> memref<1x10240x64xbf16, #tpu.memory_space<hbm>>
    %dma_start3A_12 = tpu.memref_squeeze %dma_start3A_11 : memref<1x10240x64xbf16, #tpu.memory_space<hbm>> -> memref<10240x64xbf16, #tpu.memory_space<hbm>>
    %dma_start3A_13 = arith.constant 0 : i32
    %dma_start3A_14 = arith.constant 0 : i32
    %dma_start3A_15 = tpu.memref_slice %dma_start3A_12[%dma_start3A_13, %dma_start3A_14] : memref<10240x64xbf16, #tpu.memory_space<hbm>> -> memref<10240x64xbf16, #tpu.memory_space<hbm>>
    tpu.enqueue_indirect_dma source(%dma_start3A_15 : memref<10240x64xbf16, #tpu.memory_space<hbm>>) target(%arg9 : memref<128x64xbf16, #tpu.memory_space<vmem>>) offsets(%dma_start3A_8 : memref<128xi32, #tpu.memory_space<vmem>>) semaphore(%arg17 : memref<!tpu.dma_semaphore, #tpu.memory_space<semaphore_mem>>)
    %dma_start3A_16 = arith.constant 0 : i32
    %dma_start3A_17 = arith.constant 1 : i32
    %dma_start3A_18 = arith.constant 0 : i32
    %dma_start3A_19 = tpu.memref_slice %arg7[%dma_start3A_17, %dma_start3A_18] : memref<80x128xi32, #tpu.memory_space<vmem>> -> memref<1x128xi32, #tpu.memory_space<vmem>>
    %dma_start3A_20 = tpu.memref_squeeze %dma_start3A_19 : memref<1x128xi32, #tpu.memory_space<vmem>> -> memref<128xi32, #tpu.memory_space<vmem>>
    %dma_start3A_21 = arith.constant 0 : i32
    %dma_start3A_22 = arith.constant 0 : i32
    %dma_start3A_23 = tpu.memref_slice %arg2[%dma_start3A_16, %dma_start3A_21, %dma_start3A_22] : memref<1x10240x64xbf16, #tpu.memory_space<hbm>> -> memref<1x10240x64xbf16, #tpu.memory_space<hbm>>
    %dma_start3A_24 = tpu.memref_squeeze %dma_start3A_23 : memref<1x10240x64xbf16, #tpu.memory_space<hbm>> -> memref<10240x64xbf16, #tpu.memory_space<hbm>>
    %dma_start3A_25 = arith.constant 0 : i32
    %dma_start3A_26 = arith.constant 0 : i32
    %dma_start3A_27 = tpu.memref_slice %dma_start3A_24[%dma_start3A_25, %dma_start3A_26] : memref<10240x64xbf16, #tpu.memory_space<hbm>> -> memref<10240x64xbf16, #tpu.memory_space<hbm>>
    tpu.enqueue_indirect_dma source(%dma_start3A_27 : memref<10240x64xbf16, #tpu.memory_space<hbm>>) target(%arg10 : memref<128x64xbf16, #tpu.memory_space<vmem>>) offsets(%dma_start3A_20 : memref<128xi32, #tpu.memory_space<vmem>>) semaphore(%arg18 : memref<!tpu.dma_semaphore, #tpu.memory_space<semaphore_mem>>)
    %dma_start3A_28 = arith.constant 0 : i32
    %dma_start3A_29 = arith.constant 2 : i32
    %dma_start3A_30 = arith.constant 0 : i32
    %dma_start3A_31 = tpu.memref_slice %arg7[%dma_start3A_29, %dma_start3A_30] : memref<80x128xi32, #tpu.memory_space<vmem>> -> memref<1x128xi32, #tpu.memory_space<vmem>>
    %dma_start3A_32 = tpu.memref_squeeze %dma_start3A_31 : memref<1x128xi32, #tpu.memory_space<vmem>> -> memref<128xi32, #tpu.memory_space<vmem>>
    %dma_start3A_33 = arith.constant 0 : i32
    %dma_start3A_34 = arith.constant 0 : i32
    %dma_start3A_35 = tpu.memref_slice %arg2[%dma_start3A_28, %dma_start3A_33, %dma_start3A_34] : memref<1x10240x64xbf16, #tpu.memory_space<hbm>> -> memref<1x10240x64xbf16, #tpu.memory_space<hbm>>
    %dma_start3A_36 = tpu.memref_squeeze %dma_start3A_35 : memref<1x10240x64xbf16, #tpu.memory_space<hbm>> -> memref<10240x64xbf16, #tpu.memory_space<hbm>>
    %dma_start3A_37 = arith.constant 0 : i32
    %dma_start3A_38 = arith.constant 0 : i32
    %dma_start3A_39 = tpu.memref_slice %dma_start3A_36[%dma_start3A_37, %dma_start3A_38] : memref<10240x64xbf16, #tpu.memory_space<hbm>> -> memref<10240x64xbf16, #tpu.memory_space<hbm>>
    tpu.enqueue_indirect_dma source(%dma_start3A_39 : memref<10240x64xbf16, #tpu.memory_space<hbm>>) target(%arg11 : memref<128x64xbf16, #tpu.memory_space<vmem>>) offsets(%dma_start3A_32 : memref<128xi32, #tpu.memory_space<vmem>>) semaphore(%arg19 : memref<!tpu.dma_semaphore, #tpu.memory_space<semaphore_mem>>)
    %dma_start3A_40 = arith.constant 0 : i32
    %dma_start3A_41 = arith.constant 3 : i32
    %dma_start3A_42 = arith.constant 0 : i32
    %dma_start3A_43 = tpu.memref_slice %arg7[%dma_start3A_41, %dma_start3A_42] : memref<80x128xi32, #tpu.memory_space<vmem>> -> memref<1x128xi32, #tpu.memory_space<vmem>>
    %dma_start3A_44 = tpu.memref_squeeze %dma_start3A_43 : memref<1x128xi32, #tpu.memory_space<vmem>> -> memref<128xi32, #tpu.memory_space<vmem>>
    %dma_start3A_45 = arith.constant 0 : i32
    %dma_start3A_46 = arith.constant 0 : i32
    %dma_start3A_47 = tpu.memref_slice %arg2[%dma_start3A_40, %dma_start3A_45, %dma_start3A_46] : memref<1x10240x64xbf16, #tpu.memory_space<hbm>> -> memref<1x10240x64xbf16, #tpu.memory_space<hbm>>
    %dma_start3A_48 = tpu.memref_squeeze %dma_start3A_47 : memref<1x10240x64xbf16, #tpu.memory_space<hbm>> -> memref<10240x64xbf16, #tpu.memory_space<hbm>>
    %dma_start3A_49 = arith.constant 0 : i32
    %dma_start3A_50 = arith.constant 0 : i32
    %dma_start3A_51 = tpu.memref_slice %dma_start3A_48[%dma_start3A_49, %dma_start3A_50] : memref<10240x64xbf16, #tpu.memory_space<hbm>> -> memref<10240x64xbf16, #tpu.memory_space<hbm>>
    tpu.enqueue_indirect_dma source(%dma_start3A_51 : memref<10240x64xbf16, #tpu.memory_space<hbm>>) target(%arg12 : memref<128x64xbf16, #tpu.memory_space<vmem>>) offsets(%dma_start3A_44 : memref<128xi32, #tpu.memory_space<vmem>>) semaphore(%arg20 : memref<!tpu.dma_semaphore, #tpu.memory_space<semaphore_mem>>)
    %dma_start3A_52 = arith.constant 0 : i32
    %dma_start3A_53 = arith.constant 4 : i32
    %dma_start3A_54 = arith.constant 0 : i32
    %dma_start3A_55 = tpu.memref_slice %arg7[%dma_start3A_53, %dma_start3A_54] : memref<80x128xi32, #tpu.memory_space<vmem>> -> memref<1x128xi32, #tpu.memory_space<vmem>>
    %dma_start3A_56 = tpu.memref_squeeze %dma_start3A_55 : memref<1x128xi32, #tpu.memory_space<vmem>> -> memref<128xi32, #tpu.memory_space<vmem>>
    %dma_start3A_57 = arith.constant 0 : i32
    %dma_start3A_58 = arith.constant 0 : i32
    %dma_start3A_59 = tpu.memref_slice %arg2[%dma_start3A_52, %dma_start3A_57, %dma_start3A_58] : memref<1x10240x64xbf16, #tpu.memory_space<hbm>> -> memref<1x10240x64xbf16, #tpu.memory_space<hbm>>
    %dma_start3A_60 = tpu.memref_squeeze %dma_start3A_59 : memref<1x10240x64xbf16, #tpu.memory_space<hbm>> -> memref<10240x64xbf16, #tpu.memory_space<hbm>>
    %dma_start3A_61 = arith.constant 0 : i32
    %dma_start3A_62 = arith.constant 0 : i32
    %dma_start3A_63 = tpu.memref_slice %dma_start3A_60[%dma_start3A_61, %dma_start3A_62] : memref<10240x64xbf16, #tpu.memory_space<hbm>> -> memref<10240x64xbf16, #tpu.memory_space<hbm>>
    tpu.enqueue_indirect_dma source(%dma_start3A_63 : memref<10240x64xbf16, #tpu.memory_space<hbm>>) target(%arg13 : memref<128x64xbf16, #tpu.memory_space<vmem>>) offsets(%dma_start3A_56 : memref<128xi32, #tpu.memory_space<vmem>>) semaphore(%arg21 : memref<!tpu.dma_semaphore, #tpu.memory_space<semaphore_mem>>)
    %dma_start3A_64 = arith.constant 0 : i32
    %dma_start3A_65 = arith.constant 5 : i32
    %dma_start3A_66 = arith.constant 0 : i32
    %dma_start3A_67 = tpu.memref_slice %arg7[%dma_start3A_65, %dma_start3A_66] : memref<80x128xi32, #tpu.memory_space<vmem>> -> memref<1x128xi32, #tpu.memory_space<vmem>>
    %dma_start3A_68 = tpu.memref_squeeze %dma_start3A_67 : memref<1x128xi32, #tpu.memory_space<vmem>> -> memref<128xi32, #tpu.memory_space<vmem>>
    %dma_start3A_69 = arith.constant 0 : i32
    %dma_start3A_70 = arith.constant 0 : i32
    %dma_start3A_71 = tpu.memref_slice %arg2[%dma_start3A_64, %dma_start3A_69, %dma_start3A_70] : memref<1x10240x64xbf16, #tpu.memory_space<hbm>> -> memref<1x10240x64xbf16, #tpu.memory_space<hbm>>
    %dma_start3A_72 = tpu.memref_squeeze %dma_start3A_71 : memref<1x10240x64xbf16, #tpu.memory_space<hbm>> -> memref<10240x64xbf16, #tpu.memory_space<hbm>>
    %dma_start3A_73 = arith.constant 0 : i32
    %dma_start3A_74 = arith.constant 0 : i32
    %dma_start3A_75 = tpu.memref_slice %dma_start3A_72[%dma_start3A_73, %dma_start3A_74] : memref<10240x64xbf16, #tpu.memory_space<hbm>> -> memref<10240x64xbf16, #tpu.memory_space<hbm>>
    tpu.enqueue_indirect_dma source(%dma_start3A_75 : memref<10240x64xbf16, #tpu.memory_space<hbm>>) target(%arg14 : memref<128x64xbf16, #tpu.memory_space<vmem>>) offsets(%dma_start3A_68 : memref<128xi32, #tpu.memory_space<vmem>>) semaphore(%arg22 : memref<!tpu.dma_semaphore, #tpu.memory_space<semaphore_mem>>)
    %dma_start3A_76 = arith.constant 0 : i32
    %dma_start3A_77 = arith.constant 6 : i32
    %dma_start3A_78 = arith.constant 0 : i32
    %dma_start3A_79 = tpu.memref_slice %arg7[%dma_start3A_77, %dma_start3A_78] : memref<80x128xi32, #tpu.memory_space<vmem>> -> memref<1x128xi32, #tpu.memory_space<vmem>>
    %dma_start3A_80 = tpu.memref_squeeze %dma_start3A_79 : memref<1x128xi32, #tpu.memory_space<vmem>> -> memref<128xi32, #tpu.memory_space<vmem>>
    %dma_start3A_81 = arith.constant 0 : i32
    %dma_start3A_82 = arith.constant 0 : i32
    %dma_start3A_83 = tpu.memref_slice %arg2[%dma_start3A_76, %dma_start3A_81, %dma_start3A_82] : memref<1x10240x64xbf16, #tpu.memory_space<hbm>> -> memref<1x10240x64xbf16, #tpu.memory_space<hbm>>
    %dma_start3A_84 = tpu.memref_squeeze %dma_start3A_83 : memref<1x10240x64xbf16, #tpu.memory_space<hbm>> -> memref<10240x64xbf16, #tpu.memory_space<hbm>>
    %dma_start3A_85 = arith.constant 0 : i32
    %dma_start3A_86 = arith.constant 0 : i32
    %dma_start3A_87 = tpu.memref_slice %dma_start3A_84[%dma_start3A_85, %dma_start3A_86] : memref<10240x64xbf16, #tpu.memory_space<hbm>> -> memref<10240x64xbf16, #tpu.memory_space<hbm>>
    tpu.enqueue_indirect_dma source(%dma_start3A_87 : memref<10240x64xbf16, #tpu.memory_space<hbm>>) target(%arg15 : memref<128x64xbf16, #tpu.memory_space<vmem>>) offsets(%dma_start3A_80 : memref<128xi32, #tpu.memory_space<vmem>>) semaphore(%arg23 : memref<!tpu.dma_semaphore, #tpu.memory_space<semaphore_mem>>)
    %dma_start3A_88 = arith.constant 0 : i32
    %dma_start3A_89 = arith.constant 7 : i32
    %dma_start3A_90 = arith.constant 0 : i32
    %dma_start3A_91 = tpu.memref_slice %arg7[%dma_start3A_89, %dma_start3A_90] : memref<80x128xi32, #tpu.memory_space<vmem>> -> memref<1x128xi32, #tpu.memory_space<vmem>>
    %dma_start3A_92 = tpu.memref_squeeze %dma_start3A_91 : memref<1x128xi32, #tpu.memory_space<vmem>> -> memref<128xi32, #tpu.memory_space<vmem>>
    %dma_start3A_93 = arith.constant 0 : i32
    %dma_start3A_94 = arith.constant 0 : i32
    %dma_start3A_95 = tpu.memref_slice %arg2[%dma_start3A_88, %dma_start3A_93, %dma_start3A_94] : memref<1x10240x64xbf16, #tpu.memory_space<hbm>> -> memref<1x10240x64xbf16, #tpu.memory_space<hbm>>
    %dma_start3A_96 = tpu.memref_squeeze %dma_start3A_95 : memref<1x10240x64xbf16, #tpu.memory_space<hbm>> -> memref<10240x64xbf16, #tpu.memory_space<hbm>>
    %dma_start3A_97 = arith.constant 0 : i32
    %dma_start3A_98 = arith.constant 0 : i32
    %dma_start3A_99 = tpu.memref_slice %dma_start3A_96[%dma_start3A_97, %dma_start3A_98] : memref<10240x64xbf16, #tpu.memory_space<hbm>> -> memref<10240x64xbf16, #tpu.memory_space<hbm>>
    tpu.enqueue_indirect_dma source(%dma_start3A_99 : memref<10240x64xbf16, #tpu.memory_space<hbm>>) target(%arg16 : memref<128x64xbf16, #tpu.memory_space<vmem>>) offsets(%dma_start3A_92 : memref<128xi32, #tpu.memory_space<vmem>>) semaphore(%arg24 : memref<!tpu.dma_semaphore, #tpu.memory_space<semaphore_mem>>)
    %scan3A = arith.constant 0 : i32
    %scan3A_100 = arith.constant 0 : i32
    %scan3A_101 = arith.constant 9 : i32
    %scan3A_102 = arith.addi %scan3A_100, %scan3A_101 : i32
    %scan3A_103 = arith.constant 1 : i32
    scf.for %scan3A_313 = %scan3A_100 to %scan3A_102 step %scan3A_103  : i32 {
      %mul3A_314 = arith.constant 8 : i32
      %mul3A_315 = arith.muli %scan3A_313, %mul3A_314 : i32
      %add3A_316 = arith.constant 0 : i32
      %add3A_317 = arith.addi %mul3A_315, %add3A_316 : i32
      %dma_wait3A_318 = arith.constant 0 : i32
      %dma_wait3A_319 = arith.constant 0 : i32
      %dma_wait3A_320 = tpu.memref_slice %arg7[%add3A_317, %dma_wait3A_319] : memref<80x128xi32, #tpu.memory_space<vmem>> -> memref<1x128xi32, #tpu.memory_space<vmem>>
      %dma_wait3A_321 = tpu.memref_squeeze %dma_wait3A_320 : memref<1x128xi32, #tpu.memory_space<vmem>> -> memref<128xi32, #tpu.memory_space<vmem>>
      %dma_wait3A_322 = arith.constant 0 : i32
      %dma_wait3A_323 = arith.constant 0 : i32
      %dma_wait3A_324 = tpu.memref_slice %arg2[%dma_wait3A_318, %dma_wait3A_322, %dma_wait3A_323] : memref<1x10240x64xbf16, #tpu.memory_space<hbm>> -> memref<1x10240x64xbf16, #tpu.memory_space<hbm>>
      %dma_wait3A_325 = tpu.memref_squeeze %dma_wait3A_324 : memref<1x10240x64xbf16, #tpu.memory_space<hbm>> -> memref<10240x64xbf16, #tpu.memory_space<hbm>>
      %dma_wait3A_326 = arith.constant 0 : i32
      %dma_wait3A_327 = arith.constant 0 : i32
      %dma_wait3A_328 = tpu.memref_slice %dma_wait3A_325[%dma_wait3A_326, %dma_wait3A_327] : memref<10240x64xbf16, #tpu.memory_space<hbm>> -> memref<10240x64xbf16, #tpu.memory_space<hbm>>
      tpu.wait_indirect_dma semaphore(%arg17 : memref<!tpu.dma_semaphore, #tpu.memory_space<semaphore_mem>>) src(%dma_wait3A_328 : memref<10240x64xbf16, #tpu.memory_space<hbm>>) dst(%arg9 : memref<128x64xbf16, #tpu.memory_space<vmem>>)
      %add3A_329 = arith.constant 0 : i32
      %add3A_330 = arith.addi %mul3A_315, %add3A_329 : i32
      %dma_start3A_331 = arith.constant 0 : i32
      %dma_start3A_332 = tpu.memref_slice %arg8[%add3A_330, %dma_start3A_331] : memref<80x128xi32, #tpu.memory_space<vmem>> -> memref<1x128xi32, #tpu.memory_space<vmem>>
      %dma_start3A_333 = tpu.memref_squeeze %dma_start3A_332 : memref<1x128xi32, #tpu.memory_space<vmem>> -> memref<128xi32, #tpu.memory_space<vmem>>
      %dma_start3A_334 = arith.constant 0 : i32
      %dma_start3A_335 = arith.constant 0 : i32
      %dma_start3A_336 = tpu.memref_slice %arg33[%dma_start3A_334, %dma_start3A_335] : memref<10240x64xbf16, #tpu.memory_space<vmem_shared>> -> memref<10240x64xbf16, #tpu.memory_space<vmem_shared>>
      tpu.enqueue_indirect_dma source(%arg9 : memref<128x64xbf16, #tpu.memory_space<vmem>>) target(%dma_start3A_336 : memref<10240x64xbf16, #tpu.memory_space<vmem_shared>>) offsets(%dma_start3A_333 : memref<128xi32, #tpu.memory_space<vmem>>) semaphore(%arg25 : memref<!tpu.dma_semaphore, #tpu.memory_space<semaphore_mem>>) {add = true}
      %add3A_337 = arith.constant 1 : i32
      %add3A_338 = arith.addi %mul3A_315, %add3A_337 : i32
      %dma_wait3A_339 = arith.constant 0 : i32
      %dma_wait3A_340 = arith.constant 0 : i32
      %dma_wait3A_341 = tpu.memref_slice %arg7[%add3A_338, %dma_wait3A_340] : memref<80x128xi32, #tpu.memory_space<vmem>> -> memref<1x128xi32, #tpu.memory_space<vmem>>
      %dma_wait3A_342 = tpu.memref_squeeze %dma_wait3A_341 : memref<1x128xi32, #tpu.memory_space<vmem>> -> memref<128xi32, #tpu.memory_space<vmem>>
      %dma_wait3A_343 = arith.constant 0 : i32
      %dma_wait3A_344 = arith.constant 0 : i32
      %dma_wait3A_345 = tpu.memref_slice %arg2[%dma_wait3A_339, %dma_wait3A_343, %dma_wait3A_344] : memref<1x10240x64xbf16, #tpu.memory_space<hbm>> -> memref<1x10240x64xbf16, #tpu.memory_space<hbm>>
      %dma_wait3A_346 = tpu.memref_squeeze %dma_wait3A_345 : memref<1x10240x64xbf16, #tpu.memory_space<hbm>> -> memref<10240x64xbf16, #tpu.memory_space<hbm>>
      %dma_wait3A_347 = arith.constant 0 : i32
      %dma_wait3A_348 = arith.constant 0 : i32
      %dma_wait3A_349 = tpu.memref_slice %dma_wait3A_346[%dma_wait3A_347, %dma_wait3A_348] : memref<10240x64xbf16, #tpu.memory_space<hbm>> -> memref<10240x64xbf16, #tpu.memory_space<hbm>>
      tpu.wait_indirect_dma semaphore(%arg18 : memref<!tpu.dma_semaphore, #tpu.memory_space<semaphore_mem>>) src(%dma_wait3A_349 : memref<10240x64xbf16, #tpu.memory_space<hbm>>) dst(%arg10 : memref<128x64xbf16, #tpu.memory_space<vmem>>)
      %add3A_350 = arith.constant 1 : i32
      %add3A_351 = arith.addi %mul3A_315, %add3A_350 : i32
      %dma_start3A_352 = arith.constant 0 : i32
      %dma_start3A_353 = tpu.memref_slice %arg8[%add3A_351, %dma_start3A_352] : memref<80x128xi32, #tpu.memory_space<vmem>> -> memref<1x128xi32, #tpu.memory_space<vmem>>
      %dma_start3A_354 = tpu.memref_squeeze %dma_start3A_353 : memref<1x128xi32, #tpu.memory_space<vmem>> -> memref<128xi32, #tpu.memory_space<vmem>>
      %dma_start3A_355 = arith.constant 0 : i32
      %dma_start3A_356 = arith.constant 0 : i32
      %dma_start3A_357 = tpu.memref_slice %arg33[%dma_start3A_355, %dma_start3A_356] : memref<10240x64xbf16, #tpu.memory_space<vmem_shared>> -> memref<10240x64xbf16, #tpu.memory_space<vmem_shared>>
      tpu.enqueue_indirect_dma source(%arg10 : memref<128x64xbf16, #tpu.memory_space<vmem>>) target(%dma_start3A_357 : memref<10240x64xbf16, #tpu.memory_space<vmem_shared>>) offsets(%dma_start3A_354 : memref<128xi32, #tpu.memory_space<vmem>>) semaphore(%arg26 : memref<!tpu.dma_semaphore, #tpu.memory_space<semaphore_mem>>) {add = true}
      %add3A_358 = arith.constant 2 : i32
      %add3A_359 = arith.addi %mul3A_315, %add3A_358 : i32
      %dma_wait3A_360 = arith.constant 0 : i32
      %dma_wait3A_361 = arith.constant 0 : i32
      %dma_wait3A_362 = tpu.memref_slice %arg7[%add3A_359, %dma_wait3A_361] : memref<80x128xi32, #tpu.memory_space<vmem>> -> memref<1x128xi32, #tpu.memory_space<vmem>>
      %dma_wait3A_363 = tpu.memref_squeeze %dma_wait3A_362 : memref<1x128xi32, #tpu.memory_space<vmem>> -> memref<128xi32, #tpu.memory_space<vmem>>
      %dma_wait3A_364 = arith.constant 0 : i32
      %dma_wait3A_365 = arith.constant 0 : i32
      %dma_wait3A_366 = tpu.memref_slice %arg2[%dma_wait3A_360, %dma_wait3A_364, %dma_wait3A_365] : memref<1x10240x64xbf16, #tpu.memory_space<hbm>> -> memref<1x10240x64xbf16, #tpu.memory_space<hbm>>
      %dma_wait3A_367 = tpu.memref_squeeze %dma_wait3A_366 : memref<1x10240x64xbf16, #tpu.memory_space<hbm>> -> memref<10240x64xbf16, #tpu.memory_space<hbm>>
      %dma_wait3A_368 = arith.constant 0 : i32
      %dma_wait3A_369 = arith.constant 0 : i32
      %dma_wait3A_370 = tpu.memref_slice %dma_wait3A_367[%dma_wait3A_368, %dma_wait3A_369] : memref<10240x64xbf16, #tpu.memory_space<hbm>> -> memref<10240x64xbf16, #tpu.memory_space<hbm>>
      tpu.wait_indirect_dma semaphore(%arg19 : memref<!tpu.dma_semaphore, #tpu.memory_space<semaphore_mem>>) src(%dma_wait3A_370 : memref<10240x64xbf16, #tpu.memory_space<hbm>>) dst(%arg11 : memref<128x64xbf16, #tpu.memory_space<vmem>>)
      %add3A_371 = arith.constant 2 : i32
      %add3A_372 = arith.addi %mul3A_315, %add3A_371 : i32
      %dma_start3A_373 = arith.constant 0 : i32
      %dma_start3A_374 = tpu.memref_slice %arg8[%add3A_372, %dma_start3A_373] : memref<80x128xi32, #tpu.memory_space<vmem>> -> memref<1x128xi32, #tpu.memory_space<vmem>>
      %dma_start3A_375 = tpu.memref_squeeze %dma_start3A_374 : memref<1x128xi32, #tpu.memory_space<vmem>> -> memref<128xi32, #tpu.memory_space<vmem>>
      %dma_start3A_376 = arith.constant 0 : i32
      %dma_start3A_377 = arith.constant 0 : i32
      %dma_start3A_378 = tpu.memref_slice %arg33[%dma_start3A_376, %dma_start3A_377] : memref<10240x64xbf16, #tpu.memory_space<vmem_shared>> -> memref<10240x64xbf16, #tpu.memory_space<vmem_shared>>
      tpu.enqueue_indirect_dma source(%arg11 : memref<128x64xbf16, #tpu.memory_space<vmem>>) target(%dma_start3A_378 : memref<10240x64xbf16, #tpu.memory_space<vmem_shared>>) offsets(%dma_start3A_375 : memref<128xi32, #tpu.memory_space<vmem>>) semaphore(%arg27 : memref<!tpu.dma_semaphore, #tpu.memory_space<semaphore_mem>>) {add = true}
      %add3A_379 = arith.constant 3 : i32
      %add3A_380 = arith.addi %mul3A_315, %add3A_379 : i32
      %dma_wait3A_381 = arith.constant 0 : i32
      %dma_wait3A_382 = arith.constant 0 : i32
      %dma_wait3A_383 = tpu.memref_slice %arg7[%add3A_380, %dma_wait3A_382] : memref<80x128xi32, #tpu.memory_space<vmem>> -> memref<1x128xi32, #tpu.memory_space<vmem>>
      %dma_wait3A_384 = tpu.memref_squeeze %dma_wait3A_383 : memref<1x128xi32, #tpu.memory_space<vmem>> -> memref<128xi32, #tpu.memory_space<vmem>>
      %dma_wait3A_385 = arith.constant 0 : i32
      %dma_wait3A_386 = arith.constant 0 : i32
      %dma_wait3A_387 = tpu.memref_slice %arg2[%dma_wait3A_381, %dma_wait3A_385, %dma_wait3A_386] : memref<1x10240x64xbf16, #tpu.memory_space<hbm>> -> memref<1x10240x64xbf16, #tpu.memory_space<hbm>>
      %dma_wait3A_388 = tpu.memref_squeeze %dma_wait3A_387 : memref<1x10240x64xbf16, #tpu.memory_space<hbm>> -> memref<10240x64xbf16, #tpu.memory_space<hbm>>
      %dma_wait3A_389 = arith.constant 0 : i32
      %dma_wait3A_390 = arith.constant 0 : i32
      %dma_wait3A_391 = tpu.memref_slice %dma_wait3A_388[%dma_wait3A_389, %dma_wait3A_390] : memref<10240x64xbf16, #tpu.memory_space<hbm>> -> memref<10240x64xbf16, #tpu.memory_space<hbm>>
      tpu.wait_indirect_dma semaphore(%arg20 : memref<!tpu.dma_semaphore, #tpu.memory_space<semaphore_mem>>) src(%dma_wait3A_391 : memref<10240x64xbf16, #tpu.memory_space<hbm>>) dst(%arg12 : memref<128x64xbf16, #tpu.memory_space<vmem>>)
      %add3A_392 = arith.constant 3 : i32
      %add3A_393 = arith.addi %mul3A_315, %add3A_392 : i32
      %dma_start3A_394 = arith.constant 0 : i32
      %dma_start3A_395 = tpu.memref_slice %arg8[%add3A_393, %dma_start3A_394] : memref<80x128xi32, #tpu.memory_space<vmem>> -> memref<1x128xi32, #tpu.memory_space<vmem>>
      %dma_start3A_396 = tpu.memref_squeeze %dma_start3A_395 : memref<1x128xi32, #tpu.memory_space<vmem>> -> memref<128xi32, #tpu.memory_space<vmem>>
      %dma_start3A_397 = arith.constant 0 : i32
      %dma_start3A_398 = arith.constant 0 : i32
      %dma_start3A_399 = tpu.memref_slice %arg33[%dma_start3A_397, %dma_start3A_398] : memref<10240x64xbf16, #tpu.memory_space<vmem_shared>> -> memref<10240x64xbf16, #tpu.memory_space<vmem_shared>>
      tpu.enqueue_indirect_dma source(%arg12 : memref<128x64xbf16, #tpu.memory_space<vmem>>) target(%dma_start3A_399 : memref<10240x64xbf16, #tpu.memory_space<vmem_shared>>) offsets(%dma_start3A_396 : memref<128xi32, #tpu.memory_space<vmem>>) semaphore(%arg28 : memref<!tpu.dma_semaphore, #tpu.memory_space<semaphore_mem>>) {add = true}
      %add3A_400 = arith.constant 4 : i32
      %add3A_401 = arith.addi %mul3A_315, %add3A_400 : i32
      %dma_wait3A_402 = arith.constant 0 : i32
      %dma_wait3A_403 = arith.constant 0 : i32
      %dma_wait3A_404 = tpu.memref_slice %arg7[%add3A_401, %dma_wait3A_403] : memref<80x128xi32, #tpu.memory_space<vmem>> -> memref<1x128xi32, #tpu.memory_space<vmem>>
      %dma_wait3A_405 = tpu.memref_squeeze %dma_wait3A_404 : memref<1x128xi32, #tpu.memory_space<vmem>> -> memref<128xi32, #tpu.memory_space<vmem>>
      %dma_wait3A_406 = arith.constant 0 : i32
      %dma_wait3A_407 = arith.constant 0 : i32
      %dma_wait3A_408 = tpu.memref_slice %arg2[%dma_wait3A_402, %dma_wait3A_406, %dma_wait3A_407] : memref<1x10240x64xbf16, #tpu.memory_space<hbm>> -> memref<1x10240x64xbf16, #tpu.memory_space<hbm>>
      %dma_wait3A_409 = tpu.memref_squeeze %dma_wait3A_408 : memref<1x10240x64xbf16, #tpu.memory_space<hbm>> -> memref<10240x64xbf16, #tpu.memory_space<hbm>>
      %dma_wait3A_410 = arith.constant 0 : i32
      %dma_wait3A_411 = arith.constant 0 : i32
      %dma_wait3A_412 = tpu.memref_slice %dma_wait3A_409[%dma_wait3A_410, %dma_wait3A_411] : memref<10240x64xbf16, #tpu.memory_space<hbm>> -> memref<10240x64xbf16, #tpu.memory_space<hbm>>
      tpu.wait_indirect_dma semaphore(%arg21 : memref<!tpu.dma_semaphore, #tpu.memory_space<semaphore_mem>>) src(%dma_wait3A_412 : memref<10240x64xbf16, #tpu.memory_space<hbm>>) dst(%arg13 : memref<128x64xbf16, #tpu.memory_space<vmem>>)
      %add3A_413 = arith.constant 4 : i32
      %add3A_414 = arith.addi %mul3A_315, %add3A_413 : i32
      %dma_start3A_415 = arith.constant 0 : i32
      %dma_start3A_416 = tpu.memref_slice %arg8[%add3A_414, %dma_start3A_415] : memref<80x128xi32, #tpu.memory_space<vmem>> -> memref<1x128xi32, #tpu.memory_space<vmem>>
      %dma_start3A_417 = tpu.memref_squeeze %dma_start3A_416 : memref<1x128xi32, #tpu.memory_space<vmem>> -> memref<128xi32, #tpu.memory_space<vmem>>
      %dma_start3A_418 = arith.constant 0 : i32
      %dma_start3A_419 = arith.constant 0 : i32
      %dma_start3A_420 = tpu.memref_slice %arg33[%dma_start3A_418, %dma_start3A_419] : memref<10240x64xbf16, #tpu.memory_space<vmem_shared>> -> memref<10240x64xbf16, #tpu.memory_space<vmem_shared>>
      tpu.enqueue_indirect_dma source(%arg13 : memref<128x64xbf16, #tpu.memory_space<vmem>>) target(%dma_start3A_420 : memref<10240x64xbf16, #tpu.memory_space<vmem_shared>>) offsets(%dma_start3A_417 : memref<128xi32, #tpu.memory_space<vmem>>) semaphore(%arg29 : memref<!tpu.dma_semaphore, #tpu.memory_space<semaphore_mem>>) {add = true}
      %add3A_421 = arith.constant 5 : i32
      %add3A_422 = arith.addi %mul3A_315, %add3A_421 : i32
      %dma_wait3A_423 = arith.constant 0 : i32
      %dma_wait3A_424 = arith.constant 0 : i32
      %dma_wait3A_425 = tpu.memref_slice %arg7[%add3A_422, %dma_wait3A_424] : memref<80x128xi32, #tpu.memory_space<vmem>> -> memref<1x128xi32, #tpu.memory_space<vmem>>
      %dma_wait3A_426 = tpu.memref_squeeze %dma_wait3A_425 : memref<1x128xi32, #tpu.memory_space<vmem>> -> memref<128xi32, #tpu.memory_space<vmem>>
      %dma_wait3A_427 = arith.constant 0 : i32
      %dma_wait3A_428 = arith.constant 0 : i32
      %dma_wait3A_429 = tpu.memref_slice %arg2[%dma_wait3A_423, %dma_wait3A_427, %dma_wait3A_428] : memref<1x10240x64xbf16, #tpu.memory_space<hbm>> -> memref<1x10240x64xbf16, #tpu.memory_space<hbm>>
      %dma_wait3A_430 = tpu.memref_squeeze %dma_wait3A_429 : memref<1x10240x64xbf16, #tpu.memory_space<hbm>> -> memref<10240x64xbf16, #tpu.memory_space<hbm>>
      %dma_wait3A_431 = arith.constant 0 : i32
      %dma_wait3A_432 = arith.constant 0 : i32
      %dma_wait3A_433 = tpu.memref_slice %dma_wait3A_430[%dma_wait3A_431, %dma_wait3A_432] : memref<10240x64xbf16, #tpu.memory_space<hbm>> -> memref<10240x64xbf16, #tpu.memory_space<hbm>>
      tpu.wait_indirect_dma semaphore(%arg22 : memref<!tpu.dma_semaphore, #tpu.memory_space<semaphore_mem>>) src(%dma_wait3A_433 : memref<10240x64xbf16, #tpu.memory_space<hbm>>) dst(%arg14 : memref<128x64xbf16, #tpu.memory_space<vmem>>)
      %add3A_434 = arith.constant 5 : i32
      %add3A_435 = arith.addi %mul3A_315, %add3A_434 : i32
      %dma_start3A_436 = arith.constant 0 : i32
      %dma_start3A_437 = tpu.memref_slice %arg8[%add3A_435, %dma_start3A_436] : memref<80x128xi32, #tpu.memory_space<vmem>> -> memref<1x128xi32, #tpu.memory_space<vmem>>
      %dma_start3A_438 = tpu.memref_squeeze %dma_start3A_437 : memref<1x128xi32, #tpu.memory_space<vmem>> -> memref<128xi32, #tpu.memory_space<vmem>>
      %dma_start3A_439 = arith.constant 0 : i32
      %dma_start3A_440 = arith.constant 0 : i32
      %dma_start3A_441 = tpu.memref_slice %arg33[%dma_start3A_439, %dma_start3A_440] : memref<10240x64xbf16, #tpu.memory_space<vmem_shared>> -> memref<10240x64xbf16, #tpu.memory_space<vmem_shared>>
      tpu.enqueue_indirect_dma source(%arg14 : memref<128x64xbf16, #tpu.memory_space<vmem>>) target(%dma_start3A_441 : memref<10240x64xbf16, #tpu.memory_space<vmem_shared>>) offsets(%dma_start3A_438 : memref<128xi32, #tpu.memory_space<vmem>>) semaphore(%arg30 : memref<!tpu.dma_semaphore, #tpu.memory_space<semaphore_mem>>) {add = true}
      %add3A_442 = arith.constant 6 : i32
      %add3A_443 = arith.addi %mul3A_315, %add3A_442 : i32
      %dma_wait3A_444 = arith.constant 0 : i32
      %dma_wait3A_445 = arith.constant 0 : i32
      %dma_wait3A_446 = tpu.memref_slice %arg7[%add3A_443, %dma_wait3A_445] : memref<80x128xi32, #tpu.memory_space<vmem>> -> memref<1x128xi32, #tpu.memory_space<vmem>>
      %dma_wait3A_447 = tpu.memref_squeeze %dma_wait3A_446 : memref<1x128xi32, #tpu.memory_space<vmem>> -> memref<128xi32, #tpu.memory_space<vmem>>
      %dma_wait3A_448 = arith.constant 0 : i32
      %dma_wait3A_449 = arith.constant 0 : i32
      %dma_wait3A_450 = tpu.memref_slice %arg2[%dma_wait3A_444, %dma_wait3A_448, %dma_wait3A_449] : memref<1x10240x64xbf16, #tpu.memory_space<hbm>> -> memref<1x10240x64xbf16, #tpu.memory_space<hbm>>
      %dma_wait3A_451 = tpu.memref_squeeze %dma_wait3A_450 : memref<1x10240x64xbf16, #tpu.memory_space<hbm>> -> memref<10240x64xbf16, #tpu.memory_space<hbm>>
      %dma_wait3A_452 = arith.constant 0 : i32
      %dma_wait3A_453 = arith.constant 0 : i32
      %dma_wait3A_454 = tpu.memref_slice %dma_wait3A_451[%dma_wait3A_452, %dma_wait3A_453] : memref<10240x64xbf16, #tpu.memory_space<hbm>> -> memref<10240x64xbf16, #tpu.memory_space<hbm>>
      tpu.wait_indirect_dma semaphore(%arg23 : memref<!tpu.dma_semaphore, #tpu.memory_space<semaphore_mem>>) src(%dma_wait3A_454 : memref<10240x64xbf16, #tpu.memory_space<hbm>>) dst(%arg15 : memref<128x64xbf16, #tpu.memory_space<vmem>>)
      %add3A_455 = arith.constant 6 : i32
      %add3A_456 = arith.addi %mul3A_315, %add3A_455 : i32
      %dma_start3A_457 = arith.constant 0 : i32
      %dma_start3A_458 = tpu.memref_slice %arg8[%add3A_456, %dma_start3A_457] : memref<80x128xi32, #tpu.memory_space<vmem>> -> memref<1x128xi32, #tpu.memory_space<vmem>>
      %dma_start3A_459 = tpu.memref_squeeze %dma_start3A_458 : memref<1x128xi32, #tpu.memory_space<vmem>> -> memref<128xi32, #tpu.memory_space<vmem>>
      %dma_start3A_460 = arith.constant 0 : i32
      %dma_start3A_461 = arith.constant 0 : i32
      %dma_start3A_462 = tpu.memref_slice %arg33[%dma_start3A_460, %dma_start3A_461] : memref<10240x64xbf16, #tpu.memory_space<vmem_shared>> -> memref<10240x64xbf16, #tpu.memory_space<vmem_shared>>
      tpu.enqueue_indirect_dma source(%arg15 : memref<128x64xbf16, #tpu.memory_space<vmem>>) target(%dma_start3A_462 : memref<10240x64xbf16, #tpu.memory_space<vmem_shared>>) offsets(%dma_start3A_459 : memref<128xi32, #tpu.memory_space<vmem>>) semaphore(%arg31 : memref<!tpu.dma_semaphore, #tpu.memory_space<semaphore_mem>>) {add = true}
      %add3A_463 = arith.constant 7 : i32
      %add3A_464 = arith.addi %mul3A_315, %add3A_463 : i32
      %dma_wait3A_465 = arith.constant 0 : i32
      %dma_wait3A_466 = arith.constant 0 : i32
      %dma_wait3A_467 = tpu.memref_slice %arg7[%add3A_464, %dma_wait3A_466] : memref<80x128xi32, #tpu.memory_space<vmem>> -> memref<1x128xi32, #tpu.memory_space<vmem>>
      %dma_wait3A_468 = tpu.memref_squeeze %dma_wait3A_467 : memref<1x128xi32, #tpu.memory_space<vmem>> -> memref<128xi32, #tpu.memory_space<vmem>>
      %dma_wait3A_469 = arith.constant 0 : i32
      %dma_wait3A_470 = arith.constant 0 : i32
      %dma_wait3A_471 = tpu.memref_slice %arg2[%dma_wait3A_465, %dma_wait3A_469, %dma_wait3A_470] : memref<1x10240x64xbf16, #tpu.memory_space<hbm>> -> memref<1x10240x64xbf16, #tpu.memory_space<hbm>>
      %dma_wait3A_472 = tpu.memref_squeeze %dma_wait3A_471 : memref<1x10240x64xbf16, #tpu.memory_space<hbm>> -> memref<10240x64xbf16, #tpu.memory_space<hbm>>
      %dma_wait3A_473 = arith.constant 0 : i32
      %dma_wait3A_474 = arith.constant 0 : i32
      %dma_wait3A_475 = tpu.memref_slice %dma_wait3A_472[%dma_wait3A_473, %dma_wait3A_474] : memref<10240x64xbf16, #tpu.memory_space<hbm>> -> memref<10240x64xbf16, #tpu.memory_space<hbm>>
      tpu.wait_indirect_dma semaphore(%arg24 : memref<!tpu.dma_semaphore, #tpu.memory_space<semaphore_mem>>) src(%dma_wait3A_475 : memref<10240x64xbf16, #tpu.memory_space<hbm>>) dst(%arg16 : memref<128x64xbf16, #tpu.memory_space<vmem>>)
      %add3A_476 = arith.constant 7 : i32
      %add3A_477 = arith.addi %mul3A_315, %add3A_476 : i32
      %dma_start3A_478 = arith.constant 0 : i32
      %dma_start3A_479 = tpu.memref_slice %arg8[%add3A_477, %dma_start3A_478] : memref<80x128xi32, #tpu.memory_space<vmem>> -> memref<1x128xi32, #tpu.memory_space<vmem>>
      %dma_start3A_480 = tpu.memref_squeeze %dma_start3A_479 : memref<1x128xi32, #tpu.memory_space<vmem>> -> memref<128xi32, #tpu.memory_space<vmem>>
      %dma_start3A_481 = arith.constant 0 : i32
      %dma_start3A_482 = arith.constant 0 : i32
      %dma_start3A_483 = tpu.memref_slice %arg33[%dma_start3A_481, %dma_start3A_482] : memref<10240x64xbf16, #tpu.memory_space<vmem_shared>> -> memref<10240x64xbf16, #tpu.memory_space<vmem_shared>>
      tpu.enqueue_indirect_dma source(%arg16 : memref<128x64xbf16, #tpu.memory_space<vmem>>) target(%dma_start3A_483 : memref<10240x64xbf16, #tpu.memory_space<vmem_shared>>) offsets(%dma_start3A_480 : memref<128xi32, #tpu.memory_space<vmem>>) semaphore(%arg32 : memref<!tpu.dma_semaphore, #tpu.memory_space<semaphore_mem>>) {add = true}
      %add3A_484 = arith.constant 0 : i32
      %add3A_485 = arith.addi %mul3A_315, %add3A_484 : i32
      %dma_wait3A_486 = arith.constant 0 : i32
      %dma_wait3A_487 = tpu.memref_slice %arg8[%add3A_485, %dma_wait3A_486] : memref<80x128xi32, #tpu.memory_space<vmem>> -> memref<1x128xi32, #tpu.memory_space<vmem>>
      %dma_wait3A_488 = tpu.memref_squeeze %dma_wait3A_487 : memref<1x128xi32, #tpu.memory_space<vmem>> -> memref<128xi32, #tpu.memory_space<vmem>>
      %dma_wait3A_489 = arith.constant 0 : i32
      %dma_wait3A_490 = arith.constant 0 : i32
      %dma_wait3A_491 = tpu.memref_slice %arg33[%dma_wait3A_489, %dma_wait3A_490] : memref<10240x64xbf16, #tpu.memory_space<vmem_shared>> -> memref<10240x64xbf16, #tpu.memory_space<vmem_shared>>
      tpu.wait_indirect_dma semaphore(%arg25 : memref<!tpu.dma_semaphore, #tpu.memory_space<semaphore_mem>>) src(%arg9 : memref<128x64xbf16, #tpu.memory_space<vmem>>) dst(%dma_wait3A_491 : memref<10240x64xbf16, #tpu.memory_space<vmem_shared>>)
      %add3A_492 = arith.constant 8 : i32
      %add3A_493 = arith.addi %mul3A_315, %add3A_492 : i32
      %add3A_494 = arith.constant 0 : i32
      %add3A_495 = arith.addi %add3A_493, %add3A_494 : i32
      %dma_start3A_496 = arith.constant 0 : i32
      %dma_start3A_497 = arith.constant 0 : i32
      %dma_start3A_498 = tpu.memref_slice %arg7[%add3A_495, %dma_start3A_497] : memref<80x128xi32, #tpu.memory_space<vmem>> -> memref<1x128xi32, #tpu.memory_space<vmem>>
      %dma_start3A_499 = tpu.memref_squeeze %dma_start3A_498 : memref<1x128xi32, #tpu.memory_space<vmem>> -> memref<128xi32, #tpu.memory_space<vmem>>
      %dma_start3A_500 = arith.constant 0 : i32
      %dma_start3A_501 = arith.constant 0 : i32
      %dma_start3A_502 = tpu.memref_slice %arg2[%dma_start3A_496, %dma_start3A_500, %dma_start3A_501] : memref<1x10240x64xbf16, #tpu.memory_space<hbm>> -> memref<1x10240x64xbf16, #tpu.memory_space<hbm>>
      %dma_start3A_503 = tpu.memref_squeeze %dma_start3A_502 : memref<1x10240x64xbf16, #tpu.memory_space<hbm>> -> memref<10240x64xbf16, #tpu.memory_space<hbm>>
      %dma_start3A_504 = arith.constant 0 : i32
      %dma_start3A_505 = arith.constant 0 : i32
      %dma_start3A_506 = tpu.memref_slice %dma_start3A_503[%dma_start3A_504, %dma_start3A_505] : memref<10240x64xbf16, #tpu.memory_space<hbm>> -> memref<10240x64xbf16, #tpu.memory_space<hbm>>
      tpu.enqueue_indirect_dma source(%dma_start3A_506 : memref<10240x64xbf16, #tpu.memory_space<hbm>>) target(%arg9 : memref<128x64xbf16, #tpu.memory_space<vmem>>) offsets(%dma_start3A_499 : memref<128xi32, #tpu.memory_space<vmem>>) semaphore(%arg17 : memref<!tpu.dma_semaphore, #tpu.memory_space<semaphore_mem>>)
      %add3A_507 = arith.constant 1 : i32
      %add3A_508 = arith.addi %mul3A_315, %add3A_507 : i32
      %dma_wait3A_509 = arith.constant 0 : i32
      %dma_wait3A_510 = tpu.memref_slice %arg8[%add3A_508, %dma_wait3A_509] : memref<80x128xi32, #tpu.memory_space<vmem>> -> memref<1x128xi32, #tpu.memory_space<vmem>>
      %dma_wait3A_511 = tpu.memref_squeeze %dma_wait3A_510 : memref<1x128xi32, #tpu.memory_space<vmem>> -> memref<128xi32, #tpu.memory_space<vmem>>
      %dma_wait3A_512 = arith.constant 0 : i32
      %dma_wait3A_513 = arith.constant 0 : i32
      %dma_wait3A_514 = tpu.memref_slice %arg33[%dma_wait3A_512, %dma_wait3A_513] : memref<10240x64xbf16, #tpu.memory_space<vmem_shared>> -> memref<10240x64xbf16, #tpu.memory_space<vmem_shared>>
      tpu.wait_indirect_dma semaphore(%arg26 : memref<!tpu.dma_semaphore, #tpu.memory_space<semaphore_mem>>) src(%arg10 : memref<128x64xbf16, #tpu.memory_space<vmem>>) dst(%dma_wait3A_514 : memref<10240x64xbf16, #tpu.memory_space<vmem_shared>>)
      %add3A_515 = arith.constant 8 : i32
      %add3A_516 = arith.addi %mul3A_315, %add3A_515 : i32
      %add3A_517 = arith.constant 1 : i32
      %add3A_518 = arith.addi %add3A_516, %add3A_517 : i32
      %dma_start3A_519 = arith.constant 0 : i32
      %dma_start3A_520 = arith.constant 0 : i32
      %dma_start3A_521 = tpu.memref_slice %arg7[%add3A_518, %dma_start3A_520] : memref<80x128xi32, #tpu.memory_space<vmem>> -> memref<1x128xi32, #tpu.memory_space<vmem>>
      %dma_start3A_522 = tpu.memref_squeeze %dma_start3A_521 : memref<1x128xi32, #tpu.memory_space<vmem>> -> memref<128xi32, #tpu.memory_space<vmem>>
      %dma_start3A_523 = arith.constant 0 : i32
      %dma_start3A_524 = arith.constant 0 : i32
      %dma_start3A_525 = tpu.memref_slice %arg2[%dma_start3A_519, %dma_start3A_523, %dma_start3A_524] : memref<1x10240x64xbf16, #tpu.memory_space<hbm>> -> memref<1x10240x64xbf16, #tpu.memory_space<hbm>>
      %dma_start3A_526 = tpu.memref_squeeze %dma_start3A_525 : memref<1x10240x64xbf16, #tpu.memory_space<hbm>> -> memref<10240x64xbf16, #tpu.memory_space<hbm>>
      %dma_start3A_527 = arith.constant 0 : i32
      %dma_start3A_528 = arith.constant 0 : i32
      %dma_start3A_529 = tpu.memref_slice %dma_start3A_526[%dma_start3A_527, %dma_start3A_528] : memref<10240x64xbf16, #tpu.memory_space<hbm>> -> memref<10240x64xbf16, #tpu.memory_space<hbm>>
      tpu.enqueue_indirect_dma source(%dma_start3A_529 : memref<10240x64xbf16, #tpu.memory_space<hbm>>) target(%arg10 : memref<128x64xbf16, #tpu.memory_space<vmem>>) offsets(%dma_start3A_522 : memref<128xi32, #tpu.memory_space<vmem>>) semaphore(%arg18 : memref<!tpu.dma_semaphore, #tpu.memory_space<semaphore_mem>>)
      %add3A_530 = arith.constant 2 : i32
      %add3A_531 = arith.addi %mul3A_315, %add3A_530 : i32
      %dma_wait3A_532 = arith.constant 0 : i32
      %dma_wait3A_533 = tpu.memref_slice %arg8[%add3A_531, %dma_wait3A_532] : memref<80x128xi32, #tpu.memory_space<vmem>> -> memref<1x128xi32, #tpu.memory_space<vmem>>
      %dma_wait3A_534 = tpu.memref_squeeze %dma_wait3A_533 : memref<1x128xi32, #tpu.memory_space<vmem>> -> memref<128xi32, #tpu.memory_space<vmem>>
      %dma_wait3A_535 = arith.constant 0 : i32
      %dma_wait3A_536 = arith.constant 0 : i32
      %dma_wait3A_537 = tpu.memref_slice %arg33[%dma_wait3A_535, %dma_wait3A_536] : memref<10240x64xbf16, #tpu.memory_space<vmem_shared>> -> memref<10240x64xbf16, #tpu.memory_space<vmem_shared>>
      tpu.wait_indirect_dma semaphore(%arg27 : memref<!tpu.dma_semaphore, #tpu.memory_space<semaphore_mem>>) src(%arg11 : memref<128x64xbf16, #tpu.memory_space<vmem>>) dst(%dma_wait3A_537 : memref<10240x64xbf16, #tpu.memory_space<vmem_shared>>)
      %add3A_538 = arith.constant 8 : i32
      %add3A_539 = arith.addi %mul3A_315, %add3A_538 : i32
      %add3A_540 = arith.constant 2 : i32
      %add3A_541 = arith.addi %add3A_539, %add3A_540 : i32
      %dma_start3A_542 = arith.constant 0 : i32
      %dma_start3A_543 = arith.constant 0 : i32
      %dma_start3A_544 = tpu.memref_slice %arg7[%add3A_541, %dma_start3A_543] : memref<80x128xi32, #tpu.memory_space<vmem>> -> memref<1x128xi32, #tpu.memory_space<vmem>>
      %dma_start3A_545 = tpu.memref_squeeze %dma_start3A_544 : memref<1x128xi32, #tpu.memory_space<vmem>> -> memref<128xi32, #tpu.memory_space<vmem>>
      %dma_start3A_546 = arith.constant 0 : i32
      %dma_start3A_547 = arith.constant 0 : i32
      %dma_start3A_548 = tpu.memref_slice %arg2[%dma_start3A_542, %dma_start3A_546, %dma_start3A_547] : memref<1x10240x64xbf16, #tpu.memory_space<hbm>> -> memref<1x10240x64xbf16, #tpu.memory_space<hbm>>
      %dma_start3A_549 = tpu.memref_squeeze %dma_start3A_548 : memref<1x10240x64xbf16, #tpu.memory_space<hbm>> -> memref<10240x64xbf16, #tpu.memory_space<hbm>>
      %dma_start3A_550 = arith.constant 0 : i32
      %dma_start3A_551 = arith.constant 0 : i32
      %dma_start3A_552 = tpu.memref_slice %dma_start3A_549[%dma_start3A_550, %dma_start3A_551] : memref<10240x64xbf16, #tpu.memory_space<hbm>> -> memref<10240x64xbf16, #tpu.memory_space<hbm>>
      tpu.enqueue_indirect_dma source(%dma_start3A_552 : memref<10240x64xbf16, #tpu.memory_space<hbm>>) target(%arg11 : memref<128x64xbf16, #tpu.memory_space<vmem>>) offsets(%dma_start3A_545 : memref<128xi32, #tpu.memory_space<vmem>>) semaphore(%arg19 : memref<!tpu.dma_semaphore, #tpu.memory_space<semaphore_mem>>)
      %add3A_553 = arith.constant 3 : i32
      %add3A_554 = arith.addi %mul3A_315, %add3A_553 : i32
      %dma_wait3A_555 = arith.constant 0 : i32
      %dma_wait3A_556 = tpu.memref_slice %arg8[%add3A_554, %dma_wait3A_555] : memref<80x128xi32, #tpu.memory_space<vmem>> -> memref<1x128xi32, #tpu.memory_space<vmem>>
      %dma_wait3A_557 = tpu.memref_squeeze %dma_wait3A_556 : memref<1x128xi32, #tpu.memory_space<vmem>> -> memref<128xi32, #tpu.memory_space<vmem>>
      %dma_wait3A_558 = arith.constant 0 : i32
      %dma_wait3A_559 = arith.constant 0 : i32
      %dma_wait3A_560 = tpu.memref_slice %arg33[%dma_wait3A_558, %dma_wait3A_559] : memref<10240x64xbf16, #tpu.memory_space<vmem_shared>> -> memref<10240x64xbf16, #tpu.memory_space<vmem_shared>>
      tpu.wait_indirect_dma semaphore(%arg28 : memref<!tpu.dma_semaphore, #tpu.memory_space<semaphore_mem>>) src(%arg12 : memref<128x64xbf16, #tpu.memory_space<vmem>>) dst(%dma_wait3A_560 : memref<10240x64xbf16, #tpu.memory_space<vmem_shared>>)
      %add3A_561 = arith.constant 8 : i32
      %add3A_562 = arith.addi %mul3A_315, %add3A_561 : i32
      %add3A_563 = arith.constant 3 : i32
      %add3A_564 = arith.addi %add3A_562, %add3A_563 : i32
      %dma_start3A_565 = arith.constant 0 : i32
      %dma_start3A_566 = arith.constant 0 : i32
      %dma_start3A_567 = tpu.memref_slice %arg7[%add3A_564, %dma_start3A_566] : memref<80x128xi32, #tpu.memory_space<vmem>> -> memref<1x128xi32, #tpu.memory_space<vmem>>
      %dma_start3A_568 = tpu.memref_squeeze %dma_start3A_567 : memref<1x128xi32, #tpu.memory_space<vmem>> -> memref<128xi32, #tpu.memory_space<vmem>>
      %dma_start3A_569 = arith.constant 0 : i32
      %dma_start3A_570 = arith.constant 0 : i32
      %dma_start3A_571 = tpu.memref_slice %arg2[%dma_start3A_565, %dma_start3A_569, %dma_start3A_570] : memref<1x10240x64xbf16, #tpu.memory_space<hbm>> -> memref<1x10240x64xbf16, #tpu.memory_space<hbm>>
      %dma_start3A_572 = tpu.memref_squeeze %dma_start3A_571 : memref<1x10240x64xbf16, #tpu.memory_space<hbm>> -> memref<10240x64xbf16, #tpu.memory_space<hbm>>
      %dma_start3A_573 = arith.constant 0 : i32
      %dma_start3A_574 = arith.constant 0 : i32
      %dma_start3A_575 = tpu.memref_slice %dma_start3A_572[%dma_start3A_573, %dma_start3A_574] : memref<10240x64xbf16, #tpu.memory_space<hbm>> -> memref<10240x64xbf16, #tpu.memory_space<hbm>>
      tpu.enqueue_indirect_dma source(%dma_start3A_575 : memref<10240x64xbf16, #tpu.memory_space<hbm>>) target(%arg12 : memref<128x64xbf16, #tpu.memory_space<vmem>>) offsets(%dma_start3A_568 : memref<128xi32, #tpu.memory_space<vmem>>) semaphore(%arg20 : memref<!tpu.dma_semaphore, #tpu.memory_space<semaphore_mem>>)
      %add3A_576 = arith.constant 4 : i32
      %add3A_577 = arith.addi %mul3A_315, %add3A_576 : i32
      %dma_wait3A_578 = arith.constant 0 : i32
      %dma_wait3A_579 = tpu.memref_slice %arg8[%add3A_577, %dma_wait3A_578] : memref<80x128xi32, #tpu.memory_space<vmem>> -> memref<1x128xi32, #tpu.memory_space<vmem>>
      %dma_wait3A_580 = tpu.memref_squeeze %dma_wait3A_579 : memref<1x128xi32, #tpu.memory_space<vmem>> -> memref<128xi32, #tpu.memory_space<vmem>>
      %dma_wait3A_581 = arith.constant 0 : i32
      %dma_wait3A_582 = arith.constant 0 : i32
      %dma_wait3A_583 = tpu.memref_slice %arg33[%dma_wait3A_581, %dma_wait3A_582] : memref<10240x64xbf16, #tpu.memory_space<vmem_shared>> -> memref<10240x64xbf16, #tpu.memory_space<vmem_shared>>
      tpu.wait_indirect_dma semaphore(%arg29 : memref<!tpu.dma_semaphore, #tpu.memory_space<semaphore_mem>>) src(%arg13 : memref<128x64xbf16, #tpu.memory_space<vmem>>) dst(%dma_wait3A_583 : memref<10240x64xbf16, #tpu.memory_space<vmem_shared>>)
      %add3A_584 = arith.constant 8 : i32
      %add3A_585 = arith.addi %mul3A_315, %add3A_584 : i32
      %add3A_586 = arith.constant 4 : i32
      %add3A_587 = arith.addi %add3A_585, %add3A_586 : i32
      %dma_start3A_588 = arith.constant 0 : i32
      %dma_start3A_589 = arith.constant 0 : i32
      %dma_start3A_590 = tpu.memref_slice %arg7[%add3A_587, %dma_start3A_589] : memref<80x128xi32, #tpu.memory_space<vmem>> -> memref<1x128xi32, #tpu.memory_space<vmem>>
      %dma_start3A_591 = tpu.memref_squeeze %dma_start3A_590 : memref<1x128xi32, #tpu.memory_space<vmem>> -> memref<128xi32, #tpu.memory_space<vmem>>
      %dma_start3A_592 = arith.constant 0 : i32
      %dma_start3A_593 = arith.constant 0 : i32
      %dma_start3A_594 = tpu.memref_slice %arg2[%dma_start3A_588, %dma_start3A_592, %dma_start3A_593] : memref<1x10240x64xbf16, #tpu.memory_space<hbm>> -> memref<1x10240x64xbf16, #tpu.memory_space<hbm>>
      %dma_start3A_595 = tpu.memref_squeeze %dma_start3A_594 : memref<1x10240x64xbf16, #tpu.memory_space<hbm>> -> memref<10240x64xbf16, #tpu.memory_space<hbm>>
      %dma_start3A_596 = arith.constant 0 : i32
      %dma_start3A_597 = arith.constant 0 : i32
      %dma_start3A_598 = tpu.memref_slice %dma_start3A_595[%dma_start3A_596, %dma_start3A_597] : memref<10240x64xbf16, #tpu.memory_space<hbm>> -> memref<10240x64xbf16, #tpu.memory_space<hbm>>
      tpu.enqueue_indirect_dma source(%dma_start3A_598 : memref<10240x64xbf16, #tpu.memory_space<hbm>>) target(%arg13 : memref<128x64xbf16, #tpu.memory_space<vmem>>) offsets(%dma_start3A_591 : memref<128xi32, #tpu.memory_space<vmem>>) semaphore(%arg21 : memref<!tpu.dma_semaphore, #tpu.memory_space<semaphore_mem>>)
      %add3A_599 = arith.constant 5 : i32
      %add3A_600 = arith.addi %mul3A_315, %add3A_599 : i32
      %dma_wait3A_601 = arith.constant 0 : i32
      %dma_wait3A_602 = tpu.memref_slice %arg8[%add3A_600, %dma_wait3A_601] : memref<80x128xi32, #tpu.memory_space<vmem>> -> memref<1x128xi32, #tpu.memory_space<vmem>>
      %dma_wait3A_603 = tpu.memref_squeeze %dma_wait3A_602 : memref<1x128xi32, #tpu.memory_space<vmem>> -> memref<128xi32, #tpu.memory_space<vmem>>
      %dma_wait3A_604 = arith.constant 0 : i32
      %dma_wait3A_605 = arith.constant 0 : i32
      %dma_wait3A_606 = tpu.memref_slice %arg33[%dma_wait3A_604, %dma_wait3A_605] : memref<10240x64xbf16, #tpu.memory_space<vmem_shared>> -> memref<10240x64xbf16, #tpu.memory_space<vmem_shared>>
      tpu.wait_indirect_dma semaphore(%arg30 : memref<!tpu.dma_semaphore, #tpu.memory_space<semaphore_mem>>) src(%arg14 : memref<128x64xbf16, #tpu.memory_space<vmem>>) dst(%dma_wait3A_606 : memref<10240x64xbf16, #tpu.memory_space<vmem_shared>>)
      %add3A_607 = arith.constant 8 : i32
      %add3A_608 = arith.addi %mul3A_315, %add3A_607 : i32
      %add3A_609 = arith.constant 5 : i32
      %add3A_610 = arith.addi %add3A_608, %add3A_609 : i32
      %dma_start3A_611 = arith.constant 0 : i32
      %dma_start3A_612 = arith.constant 0 : i32
      %dma_start3A_613 = tpu.memref_slice %arg7[%add3A_610, %dma_start3A_612] : memref<80x128xi32, #tpu.memory_space<vmem>> -> memref<1x128xi32, #tpu.memory_space<vmem>>
      %dma_start3A_614 = tpu.memref_squeeze %dma_start3A_613 : memref<1x128xi32, #tpu.memory_space<vmem>> -> memref<128xi32, #tpu.memory_space<vmem>>
      %dma_start3A_615 = arith.constant 0 : i32
      %dma_start3A_616 = arith.constant 0 : i32
      %dma_start3A_617 = tpu.memref_slice %arg2[%dma_start3A_611, %dma_start3A_615, %dma_start3A_616] : memref<1x10240x64xbf16, #tpu.memory_space<hbm>> -> memref<1x10240x64xbf16, #tpu.memory_space<hbm>>
      %dma_start3A_618 = tpu.memref_squeeze %dma_start3A_617 : memref<1x10240x64xbf16, #tpu.memory_space<hbm>> -> memref<10240x64xbf16, #tpu.memory_space<hbm>>
      %dma_start3A_619 = arith.constant 0 : i32
      %dma_start3A_620 = arith.constant 0 : i32
      %dma_start3A_621 = tpu.memref_slice %dma_start3A_618[%dma_start3A_619, %dma_start3A_620] : memref<10240x64xbf16, #tpu.memory_space<hbm>> -> memref<10240x64xbf16, #tpu.memory_space<hbm>>
      tpu.enqueue_indirect_dma source(%dma_start3A_621 : memref<10240x64xbf16, #tpu.memory_space<hbm>>) target(%arg14 : memref<128x64xbf16, #tpu.memory_space<vmem>>) offsets(%dma_start3A_614 : memref<128xi32, #tpu.memory_space<vmem>>) semaphore(%arg22 : memref<!tpu.dma_semaphore, #tpu.memory_space<semaphore_mem>>)
      %add3A_622 = arith.constant 6 : i32
      %add3A_623 = arith.addi %mul3A_315, %add3A_622 : i32
      %dma_wait3A_624 = arith.constant 0 : i32
      %dma_wait3A_625 = tpu.memref_slice %arg8[%add3A_623, %dma_wait3A_624] : memref<80x128xi32, #tpu.memory_space<vmem>> -> memref<1x128xi32, #tpu.memory_space<vmem>>
      %dma_wait3A_626 = tpu.memref_squeeze %dma_wait3A_625 : memref<1x128xi32, #tpu.memory_space<vmem>> -> memref<128xi32, #tpu.memory_space<vmem>>
      %dma_wait3A_627 = arith.constant 0 : i32
      %dma_wait3A_628 = arith.constant 0 : i32
      %dma_wait3A_629 = tpu.memref_slice %arg33[%dma_wait3A_627, %dma_wait3A_628] : memref<10240x64xbf16, #tpu.memory_space<vmem_shared>> -> memref<10240x64xbf16, #tpu.memory_space<vmem_shared>>
      tpu.wait_indirect_dma semaphore(%arg31 : memref<!tpu.dma_semaphore, #tpu.memory_space<semaphore_mem>>) src(%arg15 : memref<128x64xbf16, #tpu.memory_space<vmem>>) dst(%dma_wait3A_629 : memref<10240x64xbf16, #tpu.memory_space<vmem_shared>>)
      %add3A_630 = arith.constant 8 : i32
      %add3A_631 = arith.addi %mul3A_315, %add3A_630 : i32
      %add3A_632 = arith.constant 6 : i32
      %add3A_633 = arith.addi %add3A_631, %add3A_632 : i32
      %dma_start3A_634 = arith.constant 0 : i32
      %dma_start3A_635 = arith.constant 0 : i32
      %dma_start3A_636 = tpu.memref_slice %arg7[%add3A_633, %dma_start3A_635] : memref<80x128xi32, #tpu.memory_space<vmem>> -> memref<1x128xi32, #tpu.memory_space<vmem>>
      %dma_start3A_637 = tpu.memref_squeeze %dma_start3A_636 : memref<1x128xi32, #tpu.memory_space<vmem>> -> memref<128xi32, #tpu.memory_space<vmem>>
      %dma_start3A_638 = arith.constant 0 : i32
      %dma_start3A_639 = arith.constant 0 : i32
      %dma_start3A_640 = tpu.memref_slice %arg2[%dma_start3A_634, %dma_start3A_638, %dma_start3A_639] : memref<1x10240x64xbf16, #tpu.memory_space<hbm>> -> memref<1x10240x64xbf16, #tpu.memory_space<hbm>>
      %dma_start3A_641 = tpu.memref_squeeze %dma_start3A_640 : memref<1x10240x64xbf16, #tpu.memory_space<hbm>> -> memref<10240x64xbf16, #tpu.memory_space<hbm>>
      %dma_start3A_642 = arith.constant 0 : i32
      %dma_start3A_643 = arith.constant 0 : i32
      %dma_start3A_644 = tpu.memref_slice %dma_start3A_641[%dma_start3A_642, %dma_start3A_643] : memref<10240x64xbf16, #tpu.memory_space<hbm>> -> memref<10240x64xbf16, #tpu.memory_space<hbm>>
      tpu.enqueue_indirect_dma source(%dma_start3A_644 : memref<10240x64xbf16, #tpu.memory_space<hbm>>) target(%arg15 : memref<128x64xbf16, #tpu.memory_space<vmem>>) offsets(%dma_start3A_637 : memref<128xi32, #tpu.memory_space<vmem>>) semaphore(%arg23 : memref<!tpu.dma_semaphore, #tpu.memory_space<semaphore_mem>>)
      %add3A_645 = arith.constant 7 : i32
      %add3A_646 = arith.addi %mul3A_315, %add3A_645 : i32
      %dma_wait3A_647 = arith.constant 0 : i32
      %dma_wait3A_648 = tpu.memref_slice %arg8[%add3A_646, %dma_wait3A_647] : memref<80x128xi32, #tpu.memory_space<vmem>> -> memref<1x128xi32, #tpu.memory_space<vmem>>
      %dma_wait3A_649 = tpu.memref_squeeze %dma_wait3A_648 : memref<1x128xi32, #tpu.memory_space<vmem>> -> memref<128xi32, #tpu.memory_space<vmem>>
      %dma_wait3A_650 = arith.constant 0 : i32
      %dma_wait3A_651 = arith.constant 0 : i32
      %dma_wait3A_652 = tpu.memref_slice %arg33[%dma_wait3A_650, %dma_wait3A_651] : memref<10240x64xbf16, #tpu.memory_space<vmem_shared>> -> memref<10240x64xbf16, #tpu.memory_space<vmem_shared>>
      tpu.wait_indirect_dma semaphore(%arg32 : memref<!tpu.dma_semaphore, #tpu.memory_space<semaphore_mem>>) src(%arg16 : memref<128x64xbf16, #tpu.memory_space<vmem>>) dst(%dma_wait3A_652 : memref<10240x64xbf16, #tpu.memory_space<vmem_shared>>)
      %add3A_653 = arith.constant 8 : i32
      %add3A_654 = arith.addi %mul3A_315, %add3A_653 : i32
      %add3A_655 = arith.constant 7 : i32
      %add3A_656 = arith.addi %add3A_654, %add3A_655 : i32
      %dma_start3A_657 = arith.constant 0 : i32
      %dma_start3A_658 = arith.constant 0 : i32
      %dma_start3A_659 = tpu.memref_slice %arg7[%add3A_656, %dma_start3A_658] : memref<80x128xi32, #tpu.memory_space<vmem>> -> memref<1x128xi32, #tpu.memory_space<vmem>>
      %dma_start3A_660 = tpu.memref_squeeze %dma_start3A_659 : memref<1x128xi32, #tpu.memory_space<vmem>> -> memref<128xi32, #tpu.memory_space<vmem>>
      %dma_start3A_661 = arith.constant 0 : i32
      %dma_start3A_662 = arith.constant 0 : i32
      %dma_start3A_663 = tpu.memref_slice %arg2[%dma_start3A_657, %dma_start3A_661, %dma_start3A_662] : memref<1x10240x64xbf16, #tpu.memory_space<hbm>> -> memref<1x10240x64xbf16, #tpu.memory_space<hbm>>
      %dma_start3A_664 = tpu.memref_squeeze %dma_start3A_663 : memref<1x10240x64xbf16, #tpu.memory_space<hbm>> -> memref<10240x64xbf16, #tpu.memory_space<hbm>>
      %dma_start3A_665 = arith.constant 0 : i32
      %dma_start3A_666 = arith.constant 0 : i32
      %dma_start3A_667 = tpu.memref_slice %dma_start3A_664[%dma_start3A_665, %dma_start3A_666] : memref<10240x64xbf16, #tpu.memory_space<hbm>> -> memref<10240x64xbf16, #tpu.memory_space<hbm>>
      tpu.enqueue_indirect_dma source(%dma_start3A_667 : memref<10240x64xbf16, #tpu.memory_space<hbm>>) target(%arg16 : memref<128x64xbf16, #tpu.memory_space<vmem>>) offsets(%dma_start3A_660 : memref<128xi32, #tpu.memory_space<vmem>>) semaphore(%arg24 : memref<!tpu.dma_semaphore, #tpu.memory_space<semaphore_mem>>)
    }
    %scan3A_104 = arith.constant 9 : i32
    %dma_wait3A = arith.constant 0 : i32
    %dma_wait3A_105 = arith.constant 72 : i32
    %dma_wait3A_106 = arith.constant 0 : i32
    %dma_wait3A_107 = tpu.memref_slice %arg7[%dma_wait3A_105, %dma_wait3A_106] : memref<80x128xi32, #tpu.memory_space<vmem>> -> memref<1x128xi32, #tpu.memory_space<vmem>>
    %dma_wait3A_108 = tpu.memref_squeeze %dma_wait3A_107 : memref<1x128xi32, #tpu.memory_space<vmem>> -> memref<128xi32, #tpu.memory_space<vmem>>
    %dma_wait3A_109 = arith.constant 0 : i32
    %dma_wait3A_110 = arith.constant 0 : i32
    %dma_wait3A_111 = tpu.memref_slice %arg2[%dma_wait3A, %dma_wait3A_109, %dma_wait3A_110] : memref<1x10240x64xbf16, #tpu.memory_space<hbm>> -> memref<1x10240x64xbf16, #tpu.memory_space<hbm>>
    %dma_wait3A_112 = tpu.memref_squeeze %dma_wait3A_111 : memref<1x10240x64xbf16, #tpu.memory_space<hbm>> -> memref<10240x64xbf16, #tpu.memory_space<hbm>>
    %dma_wait3A_113 = arith.constant 0 : i32
    %dma_wait3A_114 = arith.constant 0 : i32
    %dma_wait3A_115 = tpu.memref_slice %dma_wait3A_112[%dma_wait3A_113, %dma_wait3A_114] : memref<10240x64xbf16, #tpu.memory_space<hbm>> -> memref<10240x64xbf16, #tpu.memory_space<hbm>>
    tpu.wait_indirect_dma semaphore(%arg17 : memref<!tpu.dma_semaphore, #tpu.memory_space<semaphore_mem>>) src(%dma_wait3A_115 : memref<10240x64xbf16, #tpu.memory_space<hbm>>) dst(%arg9 : memref<128x64xbf16, #tpu.memory_space<vmem>>)
    %dma_start3A_116 = arith.constant 72 : i32
    %dma_start3A_117 = arith.constant 0 : i32
    %dma_start3A_118 = tpu.memref_slice %arg8[%dma_start3A_116, %dma_start3A_117] : memref<80x128xi32, #tpu.memory_space<vmem>> -> memref<1x128xi32, #tpu.memory_space<vmem>>
    %dma_start3A_119 = tpu.memref_squeeze %dma_start3A_118 : memref<1x128xi32, #tpu.memory_space<vmem>> -> memref<128xi32, #tpu.memory_space<vmem>>
    %dma_start3A_120 = arith.constant 0 : i32
    %dma_start3A_121 = arith.constant 0 : i32
    %dma_start3A_122 = tpu.memref_slice %arg33[%dma_start3A_120, %dma_start3A_121] : memref<10240x64xbf16, #tpu.memory_space<vmem_shared>> -> memref<10240x64xbf16, #tpu.memory_space<vmem_shared>>
    tpu.enqueue_indirect_dma source(%arg9 : memref<128x64xbf16, #tpu.memory_space<vmem>>) target(%dma_start3A_122 : memref<10240x64xbf16, #tpu.memory_space<vmem_shared>>) offsets(%dma_start3A_119 : memref<128xi32, #tpu.memory_space<vmem>>) semaphore(%arg25 : memref<!tpu.dma_semaphore, #tpu.memory_space<semaphore_mem>>) {add = true}
    %dma_wait3A_123 = arith.constant 0 : i32
    %dma_wait3A_124 = arith.constant 73 : i32
    %dma_wait3A_125 = arith.constant 0 : i32
    %dma_wait3A_126 = tpu.memref_slice %arg7[%dma_wait3A_124, %dma_wait3A_125] : memref<80x128xi32, #tpu.memory_space<vmem>> -> memref<1x128xi32, #tpu.memory_space<vmem>>
    %dma_wait3A_127 = tpu.memref_squeeze %dma_wait3A_126 : memref<1x128xi32, #tpu.memory_space<vmem>> -> memref<128xi32, #tpu.memory_space<vmem>>
    %dma_wait3A_128 = arith.constant 0 : i32
    %dma_wait3A_129 = arith.constant 0 : i32
    %dma_wait3A_130 = tpu.memref_slice %arg2[%dma_wait3A_123, %dma_wait3A_128, %dma_wait3A_129] : memref<1x10240x64xbf16, #tpu.memory_space<hbm>> -> memref<1x10240x64xbf16, #tpu.memory_space<hbm>>
    %dma_wait3A_131 = tpu.memref_squeeze %dma_wait3A_130 : memref<1x10240x64xbf16, #tpu.memory_space<hbm>> -> memref<10240x64xbf16, #tpu.memory_space<hbm>>
    %dma_wait3A_132 = arith.constant 0 : i32
    %dma_wait3A_133 = arith.constant 0 : i32
    %dma_wait3A_134 = tpu.memref_slice %dma_wait3A_131[%dma_wait3A_132, %dma_wait3A_133] : memref<10240x64xbf16, #tpu.memory_space<hbm>> -> memref<10240x64xbf16, #tpu.memory_space<hbm>>
    tpu.wait_indirect_dma semaphore(%arg18 : memref<!tpu.dma_semaphore, #tpu.memory_space<semaphore_mem>>) src(%dma_wait3A_134 : memref<10240x64xbf16, #tpu.memory_space<hbm>>) dst(%arg10 : memref<128x64xbf16, #tpu.memory_space<vmem>>)
    %dma_start3A_135 = arith.constant 73 : i32
    %dma_start3A_136 = arith.constant 0 : i32
    %dma_start3A_137 = tpu.memref_slice %arg8[%dma_start3A_135, %dma_start3A_136] : memref<80x128xi32, #tpu.memory_space<vmem>> -> memref<1x128xi32, #tpu.memory_space<vmem>>
    %dma_start3A_138 = tpu.memref_squeeze %dma_start3A_137 : memref<1x128xi32, #tpu.memory_space<vmem>> -> memref<128xi32, #tpu.memory_space<vmem>>
    %dma_start3A_139 = arith.constant 0 : i32
    %dma_start3A_140 = arith.constant 0 : i32
    %dma_start3A_141 = tpu.memref_slice %arg33[%dma_start3A_139, %dma_start3A_140] : memref<10240x64xbf16, #tpu.memory_space<vmem_shared>> -> memref<10240x64xbf16, #tpu.memory_space<vmem_shared>>
    tpu.enqueue_indirect_dma source(%arg10 : memref<128x64xbf16, #tpu.memory_space<vmem>>) target(%dma_start3A_141 : memref<10240x64xbf16, #tpu.memory_space<vmem_shared>>) offsets(%dma_start3A_138 : memref<128xi32, #tpu.memory_space<vmem>>) semaphore(%arg26 : memref<!tpu.dma_semaphore, #tpu.memory_space<semaphore_mem>>) {add = true}
    %dma_wait3A_142 = arith.constant 0 : i32
    %dma_wait3A_143 = arith.constant 74 : i32
    %dma_wait3A_144 = arith.constant 0 : i32
    %dma_wait3A_145 = tpu.memref_slice %arg7[%dma_wait3A_143, %dma_wait3A_144] : memref<80x128xi32, #tpu.memory_space<vmem>> -> memref<1x128xi32, #tpu.memory_space<vmem>>
    %dma_wait3A_146 = tpu.memref_squeeze %dma_wait3A_145 : memref<1x128xi32, #tpu.memory_space<vmem>> -> memref<128xi32, #tpu.memory_space<vmem>>
    %dma_wait3A_147 = arith.constant 0 : i32
    %dma_wait3A_148 = arith.constant 0 : i32
    %dma_wait3A_149 = tpu.memref_slice %arg2[%dma_wait3A_142, %dma_wait3A_147, %dma_wait3A_148] : memref<1x10240x64xbf16, #tpu.memory_space<hbm>> -> memref<1x10240x64xbf16, #tpu.memory_space<hbm>>
    %dma_wait3A_150 = tpu.memref_squeeze %dma_wait3A_149 : memref<1x10240x64xbf16, #tpu.memory_space<hbm>> -> memref<10240x64xbf16, #tpu.memory_space<hbm>>
    %dma_wait3A_151 = arith.constant 0 : i32
    %dma_wait3A_152 = arith.constant 0 : i32
    %dma_wait3A_153 = tpu.memref_slice %dma_wait3A_150[%dma_wait3A_151, %dma_wait3A_152] : memref<10240x64xbf16, #tpu.memory_space<hbm>> -> memref<10240x64xbf16, #tpu.memory_space<hbm>>
    tpu.wait_indirect_dma semaphore(%arg19 : memref<!tpu.dma_semaphore, #tpu.memory_space<semaphore_mem>>) src(%dma_wait3A_153 : memref<10240x64xbf16, #tpu.memory_space<hbm>>) dst(%arg11 : memref<128x64xbf16, #tpu.memory_space<vmem>>)
    %dma_start3A_154 = arith.constant 74 : i32
    %dma_start3A_155 = arith.constant 0 : i32
    %dma_start3A_156 = tpu.memref_slice %arg8[%dma_start3A_154, %dma_start3A_155] : memref<80x128xi32, #tpu.memory_space<vmem>> -> memref<1x128xi32, #tpu.memory_space<vmem>>
    %dma_start3A_157 = tpu.memref_squeeze %dma_start3A_156 : memref<1x128xi32, #tpu.memory_space<vmem>> -> memref<128xi32, #tpu.memory_space<vmem>>
    %dma_start3A_158 = arith.constant 0 : i32
    %dma_start3A_159 = arith.constant 0 : i32
    %dma_start3A_160 = tpu.memref_slice %arg33[%dma_start3A_158, %dma_start3A_159] : memref<10240x64xbf16, #tpu.memory_space<vmem_shared>> -> memref<10240x64xbf16, #tpu.memory_space<vmem_shared>>
    tpu.enqueue_indirect_dma source(%arg11 : memref<128x64xbf16, #tpu.memory_space<vmem>>) target(%dma_start3A_160 : memref<10240x64xbf16, #tpu.memory_space<vmem_shared>>) offsets(%dma_start3A_157 : memref<128xi32, #tpu.memory_space<vmem>>) semaphore(%arg27 : memref<!tpu.dma_semaphore, #tpu.memory_space<semaphore_mem>>) {add = true}
    %dma_wait3A_161 = arith.constant 0 : i32
    %dma_wait3A_162 = arith.constant 75 : i32
    %dma_wait3A_163 = arith.constant 0 : i32
    %dma_wait3A_164 = tpu.memref_slice %arg7[%dma_wait3A_162, %dma_wait3A_163] : memref<80x128xi32, #tpu.memory_space<vmem>> -> memref<1x128xi32, #tpu.memory_space<vmem>>
    %dma_wait3A_165 = tpu.memref_squeeze %dma_wait3A_164 : memref<1x128xi32, #tpu.memory_space<vmem>> -> memref<128xi32, #tpu.memory_space<vmem>>
    %dma_wait3A_166 = arith.constant 0 : i32
    %dma_wait3A_167 = arith.constant 0 : i32
    %dma_wait3A_168 = tpu.memref_slice %arg2[%dma_wait3A_161, %dma_wait3A_166, %dma_wait3A_167] : memref<1x10240x64xbf16, #tpu.memory_space<hbm>> -> memref<1x10240x64xbf16, #tpu.memory_space<hbm>>
    %dma_wait3A_169 = tpu.memref_squeeze %dma_wait3A_168 : memref<1x10240x64xbf16, #tpu.memory_space<hbm>> -> memref<10240x64xbf16, #tpu.memory_space<hbm>>
    %dma_wait3A_170 = arith.constant 0 : i32
    %dma_wait3A_171 = arith.constant 0 : i32
    %dma_wait3A_172 = tpu.memref_slice %dma_wait3A_169[%dma_wait3A_170, %dma_wait3A_171] : memref<10240x64xbf16, #tpu.memory_space<hbm>> -> memref<10240x64xbf16, #tpu.memory_space<hbm>>
    tpu.wait_indirect_dma semaphore(%arg20 : memref<!tpu.dma_semaphore, #tpu.memory_space<semaphore_mem>>) src(%dma_wait3A_172 : memref<10240x64xbf16, #tpu.memory_space<hbm>>) dst(%arg12 : memref<128x64xbf16, #tpu.memory_space<vmem>>)
    %dma_start3A_173 = arith.constant 75 : i32
    %dma_start3A_174 = arith.constant 0 : i32
    %dma_start3A_175 = tpu.memref_slice %arg8[%dma_start3A_173, %dma_start3A_174] : memref<80x128xi32, #tpu.memory_space<vmem>> -> memref<1x128xi32, #tpu.memory_space<vmem>>
    %dma_start3A_176 = tpu.memref_squeeze %dma_start3A_175 : memref<1x128xi32, #tpu.memory_space<vmem>> -> memref<128xi32, #tpu.memory_space<vmem>>
    %dma_start3A_177 = arith.constant 0 : i32
    %dma_start3A_178 = arith.constant 0 : i32
    %dma_start3A_179 = tpu.memref_slice %arg33[%dma_start3A_177, %dma_start3A_178] : memref<10240x64xbf16, #tpu.memory_space<vmem_shared>> -> memref<10240x64xbf16, #tpu.memory_space<vmem_shared>>
    tpu.enqueue_indirect_dma source(%arg12 : memref<128x64xbf16, #tpu.memory_space<vmem>>) target(%dma_start3A_179 : memref<10240x64xbf16, #tpu.memory_space<vmem_shared>>) offsets(%dma_start3A_176 : memref<128xi32, #tpu.memory_space<vmem>>) semaphore(%arg28 : memref<!tpu.dma_semaphore, #tpu.memory_space<semaphore_mem>>) {add = true}
    %dma_wait3A_180 = arith.constant 0 : i32
    %dma_wait3A_181 = arith.constant 76 : i32
    %dma_wait3A_182 = arith.constant 0 : i32
    %dma_wait3A_183 = tpu.memref_slice %arg7[%dma_wait3A_181, %dma_wait3A_182] : memref<80x128xi32, #tpu.memory_space<vmem>> -> memref<1x128xi32, #tpu.memory_space<vmem>>
    %dma_wait3A_184 = tpu.memref_squeeze %dma_wait3A_183 : memref<1x128xi32, #tpu.memory_space<vmem>> -> memref<128xi32, #tpu.memory_space<vmem>>
    %dma_wait3A_185 = arith.constant 0 : i32
    %dma_wait3A_186 = arith.constant 0 : i32
    %dma_wait3A_187 = tpu.memref_slice %arg2[%dma_wait3A_180, %dma_wait3A_185, %dma_wait3A_186] : memref<1x10240x64xbf16, #tpu.memory_space<hbm>> -> memref<1x10240x64xbf16, #tpu.memory_space<hbm>>
    %dma_wait3A_188 = tpu.memref_squeeze %dma_wait3A_187 : memref<1x10240x64xbf16, #tpu.memory_space<hbm>> -> memref<10240x64xbf16, #tpu.memory_space<hbm>>
    %dma_wait3A_189 = arith.constant 0 : i32
    %dma_wait3A_190 = arith.constant 0 : i32
    %dma_wait3A_191 = tpu.memref_slice %dma_wait3A_188[%dma_wait3A_189, %dma_wait3A_190] : memref<10240x64xbf16, #tpu.memory_space<hbm>> -> memref<10240x64xbf16, #tpu.memory_space<hbm>>
    tpu.wait_indirect_dma semaphore(%arg21 : memref<!tpu.dma_semaphore, #tpu.memory_space<semaphore_mem>>) src(%dma_wait3A_191 : memref<10240x64xbf16, #tpu.memory_space<hbm>>) dst(%arg13 : memref<128x64xbf16, #tpu.memory_space<vmem>>)
    %dma_start3A_192 = arith.constant 76 : i32
    %dma_start3A_193 = arith.constant 0 : i32
    %dma_start3A_194 = tpu.memref_slice %arg8[%dma_start3A_192, %dma_start3A_193] : memref<80x128xi32, #tpu.memory_space<vmem>> -> memref<1x128xi32, #tpu.memory_space<vmem>>
    %dma_start3A_195 = tpu.memref_squeeze %dma_start3A_194 : memref<1x128xi32, #tpu.memory_space<vmem>> -> memref<128xi32, #tpu.memory_space<vmem>>
    %dma_start3A_196 = arith.constant 0 : i32
    %dma_start3A_197 = arith.constant 0 : i32
    %dma_start3A_198 = tpu.memref_slice %arg33[%dma_start3A_196, %dma_start3A_197] : memref<10240x64xbf16, #tpu.memory_space<vmem_shared>> -> memref<10240x64xbf16, #tpu.memory_space<vmem_shared>>
    tpu.enqueue_indirect_dma source(%arg13 : memref<128x64xbf16, #tpu.memory_space<vmem>>) target(%dma_start3A_198 : memref<10240x64xbf16, #tpu.memory_space<vmem_shared>>) offsets(%dma_start3A_195 : memref<128xi32, #tpu.memory_space<vmem>>) semaphore(%arg29 : memref<!tpu.dma_semaphore, #tpu.memory_space<semaphore_mem>>) {add = true}
    %dma_wait3A_199 = arith.constant 0 : i32
    %dma_wait3A_200 = arith.constant 77 : i32
    %dma_wait3A_201 = arith.constant 0 : i32
    %dma_wait3A_202 = tpu.memref_slice %arg7[%dma_wait3A_200, %dma_wait3A_201] : memref<80x128xi32, #tpu.memory_space<vmem>> -> memref<1x128xi32, #tpu.memory_space<vmem>>
    %dma_wait3A_203 = tpu.memref_squeeze %dma_wait3A_202 : memref<1x128xi32, #tpu.memory_space<vmem>> -> memref<128xi32, #tpu.memory_space<vmem>>
    %dma_wait3A_204 = arith.constant 0 : i32
    %dma_wait3A_205 = arith.constant 0 : i32
    %dma_wait3A_206 = tpu.memref_slice %arg2[%dma_wait3A_199, %dma_wait3A_204, %dma_wait3A_205] : memref<1x10240x64xbf16, #tpu.memory_space<hbm>> -> memref<1x10240x64xbf16, #tpu.memory_space<hbm>>
    %dma_wait3A_207 = tpu.memref_squeeze %dma_wait3A_206 : memref<1x10240x64xbf16, #tpu.memory_space<hbm>> -> memref<10240x64xbf16, #tpu.memory_space<hbm>>
    %dma_wait3A_208 = arith.constant 0 : i32
    %dma_wait3A_209 = arith.constant 0 : i32
    %dma_wait3A_210 = tpu.memref_slice %dma_wait3A_207[%dma_wait3A_208, %dma_wait3A_209] : memref<10240x64xbf16, #tpu.memory_space<hbm>> -> memref<10240x64xbf16, #tpu.memory_space<hbm>>
    tpu.wait_indirect_dma semaphore(%arg22 : memref<!tpu.dma_semaphore, #tpu.memory_space<semaphore_mem>>) src(%dma_wait3A_210 : memref<10240x64xbf16, #tpu.memory_space<hbm>>) dst(%arg14 : memref<128x64xbf16, #tpu.memory_space<vmem>>)
    %dma_start3A_211 = arith.constant 77 : i32
    %dma_start3A_212 = arith.constant 0 : i32
    %dma_start3A_213 = tpu.memref_slice %arg8[%dma_start3A_211, %dma_start3A_212] : memref<80x128xi32, #tpu.memory_space<vmem>> -> memref<1x128xi32, #tpu.memory_space<vmem>>
    %dma_start3A_214 = tpu.memref_squeeze %dma_start3A_213 : memref<1x128xi32, #tpu.memory_space<vmem>> -> memref<128xi32, #tpu.memory_space<vmem>>
    %dma_start3A_215 = arith.constant 0 : i32
    %dma_start3A_216 = arith.constant 0 : i32
    %dma_start3A_217 = tpu.memref_slice %arg33[%dma_start3A_215, %dma_start3A_216] : memref<10240x64xbf16, #tpu.memory_space<vmem_shared>> -> memref<10240x64xbf16, #tpu.memory_space<vmem_shared>>
    tpu.enqueue_indirect_dma source(%arg14 : memref<128x64xbf16, #tpu.memory_space<vmem>>) target(%dma_start3A_217 : memref<10240x64xbf16, #tpu.memory_space<vmem_shared>>) offsets(%dma_start3A_214 : memref<128xi32, #tpu.memory_space<vmem>>) semaphore(%arg30 : memref<!tpu.dma_semaphore, #tpu.memory_space<semaphore_mem>>) {add = true}
    %dma_wait3A_218 = arith.constant 0 : i32
    %dma_wait3A_219 = arith.constant 78 : i32
    %dma_wait3A_220 = arith.constant 0 : i32
    %dma_wait3A_221 = tpu.memref_slice %arg7[%dma_wait3A_219, %dma_wait3A_220] : memref<80x128xi32, #tpu.memory_space<vmem>> -> memref<1x128xi32, #tpu.memory_space<vmem>>
    %dma_wait3A_222 = tpu.memref_squeeze %dma_wait3A_221 : memref<1x128xi32, #tpu.memory_space<vmem>> -> memref<128xi32, #tpu.memory_space<vmem>>
    %dma_wait3A_223 = arith.constant 0 : i32
    %dma_wait3A_224 = arith.constant 0 : i32
    %dma_wait3A_225 = tpu.memref_slice %arg2[%dma_wait3A_218, %dma_wait3A_223, %dma_wait3A_224] : memref<1x10240x64xbf16, #tpu.memory_space<hbm>> -> memref<1x10240x64xbf16, #tpu.memory_space<hbm>>
    %dma_wait3A_226 = tpu.memref_squeeze %dma_wait3A_225 : memref<1x10240x64xbf16, #tpu.memory_space<hbm>> -> memref<10240x64xbf16, #tpu.memory_space<hbm>>
    %dma_wait3A_227 = arith.constant 0 : i32
    %dma_wait3A_228 = arith.constant 0 : i32
    %dma_wait3A_229 = tpu.memref_slice %dma_wait3A_226[%dma_wait3A_227, %dma_wait3A_228] : memref<10240x64xbf16, #tpu.memory_space<hbm>> -> memref<10240x64xbf16, #tpu.memory_space<hbm>>
    tpu.wait_indirect_dma semaphore(%arg23 : memref<!tpu.dma_semaphore, #tpu.memory_space<semaphore_mem>>) src(%dma_wait3A_229 : memref<10240x64xbf16, #tpu.memory_space<hbm>>) dst(%arg15 : memref<128x64xbf16, #tpu.memory_space<vmem>>)
    %dma_start3A_230 = arith.constant 78 : i32
    %dma_start3A_231 = arith.constant 0 : i32
    %dma_start3A_232 = tpu.memref_slice %arg8[%dma_start3A_230, %dma_start3A_231] : memref<80x128xi32, #tpu.memory_space<vmem>> -> memref<1x128xi32, #tpu.memory_space<vmem>>
    %dma_start3A_233 = tpu.memref_squeeze %dma_start3A_232 : memref<1x128xi32, #tpu.memory_space<vmem>> -> memref<128xi32, #tpu.memory_space<vmem>>
    %dma_start3A_234 = arith.constant 0 : i32
    %dma_start3A_235 = arith.constant 0 : i32
    %dma_start3A_236 = tpu.memref_slice %arg33[%dma_start3A_234, %dma_start3A_235] : memref<10240x64xbf16, #tpu.memory_space<vmem_shared>> -> memref<10240x64xbf16, #tpu.memory_space<vmem_shared>>
    tpu.enqueue_indirect_dma source(%arg15 : memref<128x64xbf16, #tpu.memory_space<vmem>>) target(%dma_start3A_236 : memref<10240x64xbf16, #tpu.memory_space<vmem_shared>>) offsets(%dma_start3A_233 : memref<128xi32, #tpu.memory_space<vmem>>) semaphore(%arg31 : memref<!tpu.dma_semaphore, #tpu.memory_space<semaphore_mem>>) {add = true}
    %dma_wait3A_237 = arith.constant 0 : i32
    %dma_wait3A_238 = arith.constant 79 : i32
    %dma_wait3A_239 = arith.constant 0 : i32
    %dma_wait3A_240 = tpu.memref_slice %arg7[%dma_wait3A_238, %dma_wait3A_239] : memref<80x128xi32, #tpu.memory_space<vmem>> -> memref<1x128xi32, #tpu.memory_space<vmem>>
    %dma_wait3A_241 = tpu.memref_squeeze %dma_wait3A_240 : memref<1x128xi32, #tpu.memory_space<vmem>> -> memref<128xi32, #tpu.memory_space<vmem>>
    %dma_wait3A_242 = arith.constant 0 : i32
    %dma_wait3A_243 = arith.constant 0 : i32
    %dma_wait3A_244 = tpu.memref_slice %arg2[%dma_wait3A_237, %dma_wait3A_242, %dma_wait3A_243] : memref<1x10240x64xbf16, #tpu.memory_space<hbm>> -> memref<1x10240x64xbf16, #tpu.memory_space<hbm>>
    %dma_wait3A_245 = tpu.memref_squeeze %dma_wait3A_244 : memref<1x10240x64xbf16, #tpu.memory_space<hbm>> -> memref<10240x64xbf16, #tpu.memory_space<hbm>>
    %dma_wait3A_246 = arith.constant 0 : i32
    %dma_wait3A_247 = arith.constant 0 : i32
    %dma_wait3A_248 = tpu.memref_slice %dma_wait3A_245[%dma_wait3A_246, %dma_wait3A_247] : memref<10240x64xbf16, #tpu.memory_space<hbm>> -> memref<10240x64xbf16, #tpu.memory_space<hbm>>
    tpu.wait_indirect_dma semaphore(%arg24 : memref<!tpu.dma_semaphore, #tpu.memory_space<semaphore_mem>>) src(%dma_wait3A_248 : memref<10240x64xbf16, #tpu.memory_space<hbm>>) dst(%arg16 : memref<128x64xbf16, #tpu.memory_space<vmem>>)
    %dma_start3A_249 = arith.constant 79 : i32
    %dma_start3A_250 = arith.constant 0 : i32
    %dma_start3A_251 = tpu.memref_slice %arg8[%dma_start3A_249, %dma_start3A_250] : memref<80x128xi32, #tpu.memory_space<vmem>> -> memref<1x128xi32, #tpu.memory_space<vmem>>
    %dma_start3A_252 = tpu.memref_squeeze %dma_start3A_251 : memref<1x128xi32, #tpu.memory_space<vmem>> -> memref<128xi32, #tpu.memory_space<vmem>>
    %dma_start3A_253 = arith.constant 0 : i32
    %dma_start3A_254 = arith.constant 0 : i32
    %dma_start3A_255 = tpu.memref_slice %arg33[%dma_start3A_253, %dma_start3A_254] : memref<10240x64xbf16, #tpu.memory_space<vmem_shared>> -> memref<10240x64xbf16, #tpu.memory_space<vmem_shared>>
    tpu.enqueue_indirect_dma source(%arg16 : memref<128x64xbf16, #tpu.memory_space<vmem>>) target(%dma_start3A_255 : memref<10240x64xbf16, #tpu.memory_space<vmem_shared>>) offsets(%dma_start3A_252 : memref<128xi32, #tpu.memory_space<vmem>>) semaphore(%arg32 : memref<!tpu.dma_semaphore, #tpu.memory_space<semaphore_mem>>) {add = true}
    %dma_wait3A_256 = arith.constant 72 : i32
    %dma_wait3A_257 = arith.constant 0 : i32
    %dma_wait3A_258 = tpu.memref_slice %arg8[%dma_wait3A_256, %dma_wait3A_257] : memref<80x128xi32, #tpu.memory_space<vmem>> -> memref<1x128xi32, #tpu.memory_space<vmem>>
    %dma_wait3A_259 = tpu.memref_squeeze %dma_wait3A_258 : memref<1x128xi32, #tpu.memory_space<vmem>> -> memref<128xi32, #tpu.memory_space<vmem>>
    %dma_wait3A_260 = arith.constant 0 : i32
    %dma_wait3A_261 = arith.constant 0 : i32
    %dma_wait3A_262 = tpu.memref_slice %arg33[%dma_wait3A_260, %dma_wait3A_261] : memref<10240x64xbf16, #tpu.memory_space<vmem_shared>> -> memref<10240x64xbf16, #tpu.memory_space<vmem_shared>>
    tpu.wait_indirect_dma semaphore(%arg25 : memref<!tpu.dma_semaphore, #tpu.memory_space<semaphore_mem>>) src(%arg9 : memref<128x64xbf16, #tpu.memory_space<vmem>>) dst(%dma_wait3A_262 : memref<10240x64xbf16, #tpu.memory_space<vmem_shared>>)
    %dma_wait3A_263 = arith.constant 73 : i32
    %dma_wait3A_264 = arith.constant 0 : i32
    %dma_wait3A_265 = tpu.memref_slice %arg8[%dma_wait3A_263, %dma_wait3A_264] : memref<80x128xi32, #tpu.memory_space<vmem>> -> memref<1x128xi32, #tpu.memory_space<vmem>>
    %dma_wait3A_266 = tpu.memref_squeeze %dma_wait3A_265 : memref<1x128xi32, #tpu.memory_space<vmem>> -> memref<128xi32, #tpu.memory_space<vmem>>
    %dma_wait3A_267 = arith.constant 0 : i32
    %dma_wait3A_268 = arith.constant 0 : i32
    %dma_wait3A_269 = tpu.memref_slice %arg33[%dma_wait3A_267, %dma_wait3A_268] : memref<10240x64xbf16, #tpu.memory_space<vmem_shared>> -> memref<10240x64xbf16, #tpu.memory_space<vmem_shared>>
    tpu.wait_indirect_dma semaphore(%arg26 : memref<!tpu.dma_semaphore, #tpu.memory_space<semaphore_mem>>) src(%arg10 : memref<128x64xbf16, #tpu.memory_space<vmem>>) dst(%dma_wait3A_269 : memref<10240x64xbf16, #tpu.memory_space<vmem_shared>>)
    %dma_wait3A_270 = arith.constant 74 : i32
    %dma_wait3A_271 = arith.constant 0 : i32
    %dma_wait3A_272 = tpu.memref_slice %arg8[%dma_wait3A_270, %dma_wait3A_271] : memref<80x128xi32, #tpu.memory_space<vmem>> -> memref<1x128xi32, #tpu.memory_space<vmem>>
    %dma_wait3A_273 = tpu.memref_squeeze %dma_wait3A_272 : memref<1x128xi32, #tpu.memory_space<vmem>> -> memref<128xi32, #tpu.memory_space<vmem>>
    %dma_wait3A_274 = arith.constant 0 : i32
    %dma_wait3A_275 = arith.constant 0 : i32
    %dma_wait3A_276 = tpu.memref_slice %arg33[%dma_wait3A_274, %dma_wait3A_275] : memref<10240x64xbf16, #tpu.memory_space<vmem_shared>> -> memref<10240x64xbf16, #tpu.memory_space<vmem_shared>>
    tpu.wait_indirect_dma semaphore(%arg27 : memref<!tpu.dma_semaphore, #tpu.memory_space<semaphore_mem>>) src(%arg11 : memref<128x64xbf16, #tpu.memory_space<vmem>>) dst(%dma_wait3A_276 : memref<10240x64xbf16, #tpu.memory_space<vmem_shared>>)
    %dma_wait3A_277 = arith.constant 75 : i32
    %dma_wait3A_278 = arith.constant 0 : i32
    %dma_wait3A_279 = tpu.memref_slice %arg8[%dma_wait3A_277, %dma_wait3A_278] : memref<80x128xi32, #tpu.memory_space<vmem>> -> memref<1x128xi32, #tpu.memory_space<vmem>>
    %dma_wait3A_280 = tpu.memref_squeeze %dma_wait3A_279 : memref<1x128xi32, #tpu.memory_space<vmem>> -> memref<128xi32, #tpu.memory_space<vmem>>
    %dma_wait3A_281 = arith.constant 0 : i32
    %dma_wait3A_282 = arith.constant 0 : i32
    %dma_wait3A_283 = tpu.memref_slice %arg33[%dma_wait3A_281, %dma_wait3A_282] : memref<10240x64xbf16, #tpu.memory_space<vmem_shared>> -> memref<10240x64xbf16, #tpu.memory_space<vmem_shared>>
    tpu.wait_indirect_dma semaphore(%arg28 : memref<!tpu.dma_semaphore, #tpu.memory_space<semaphore_mem>>) src(%arg12 : memref<128x64xbf16, #tpu.memory_space<vmem>>) dst(%dma_wait3A_283 : memref<10240x64xbf16, #tpu.memory_space<vmem_shared>>)
    %dma_wait3A_284 = arith.constant 76 : i32
    %dma_wait3A_285 = arith.constant 0 : i32
    %dma_wait3A_286 = tpu.memref_slice %arg8[%dma_wait3A_284, %dma_wait3A_285] : memref<80x128xi32, #tpu.memory_space<vmem>> -> memref<1x128xi32, #tpu.memory_space<vmem>>
    %dma_wait3A_287 = tpu.memref_squeeze %dma_wait3A_286 : memref<1x128xi32, #tpu.memory_space<vmem>> -> memref<128xi32, #tpu.memory_space<vmem>>
    %dma_wait3A_288 = arith.constant 0 : i32
    %dma_wait3A_289 = arith.constant 0 : i32
    %dma_wait3A_290 = tpu.memref_slice %arg33[%dma_wait3A_288, %dma_wait3A_289] : memref<10240x64xbf16, #tpu.memory_space<vmem_shared>> -> memref<10240x64xbf16, #tpu.memory_space<vmem_shared>>
    tpu.wait_indirect_dma semaphore(%arg29 : memref<!tpu.dma_semaphore, #tpu.memory_space<semaphore_mem>>) src(%arg13 : memref<128x64xbf16, #tpu.memory_space<vmem>>) dst(%dma_wait3A_290 : memref<10240x64xbf16, #tpu.memory_space<vmem_shared>>)
    %dma_wait3A_291 = arith.constant 77 : i32
    %dma_wait3A_292 = arith.constant 0 : i32
    %dma_wait3A_293 = tpu.memref_slice %arg8[%dma_wait3A_291, %dma_wait3A_292] : memref<80x128xi32, #tpu.memory_space<vmem>> -> memref<1x128xi32, #tpu.memory_space<vmem>>
    %dma_wait3A_294 = tpu.memref_squeeze %dma_wait3A_293 : memref<1x128xi32, #tpu.memory_space<vmem>> -> memref<128xi32, #tpu.memory_space<vmem>>
    %dma_wait3A_295 = arith.constant 0 : i32
    %dma_wait3A_296 = arith.constant 0 : i32
    %dma_wait3A_297 = tpu.memref_slice %arg33[%dma_wait3A_295, %dma_wait3A_296] : memref<10240x64xbf16, #tpu.memory_space<vmem_shared>> -> memref<10240x64xbf16, #tpu.memory_space<vmem_shared>>
    tpu.wait_indirect_dma semaphore(%arg30 : memref<!tpu.dma_semaphore, #tpu.memory_space<semaphore_mem>>) src(%arg14 : memref<128x64xbf16, #tpu.memory_space<vmem>>) dst(%dma_wait3A_297 : memref<10240x64xbf16, #tpu.memory_space<vmem_shared>>)
    %dma_wait3A_298 = arith.constant 78 : i32
    %dma_wait3A_299 = arith.constant 0 : i32
    %dma_wait3A_300 = tpu.memref_slice %arg8[%dma_wait3A_298, %dma_wait3A_299] : memref<80x128xi32, #tpu.memory_space<vmem>> -> memref<1x128xi32, #tpu.memory_space<vmem>>
    %dma_wait3A_301 = tpu.memref_squeeze %dma_wait3A_300 : memref<1x128xi32, #tpu.memory_space<vmem>> -> memref<128xi32, #tpu.memory_space<vmem>>
    %dma_wait3A_302 = arith.constant 0 : i32
    %dma_wait3A_303 = arith.constant 0 : i32
    %dma_wait3A_304 = tpu.memref_slice %arg33[%dma_wait3A_302, %dma_wait3A_303] : memref<10240x64xbf16, #tpu.memory_space<vmem_shared>> -> memref<10240x64xbf16, #tpu.memory_space<vmem_shared>>
    tpu.wait_indirect_dma semaphore(%arg31 : memref<!tpu.dma_semaphore, #tpu.memory_space<semaphore_mem>>) src(%arg15 : memref<128x64xbf16, #tpu.memory_space<vmem>>) dst(%dma_wait3A_304 : memref<10240x64xbf16, #tpu.memory_space<vmem_shared>>)
    %dma_wait3A_305 = arith.constant 79 : i32
    %dma_wait3A_306 = arith.constant 0 : i32
    %dma_wait3A_307 = tpu.memref_slice %arg8[%dma_wait3A_305, %dma_wait3A_306] : memref<80x128xi32, #tpu.memory_space<vmem>> -> memref<1x128xi32, #tpu.memory_space<vmem>>
    %dma_wait3A_308 = tpu.memref_squeeze %dma_wait3A_307 : memref<1x128xi32, #tpu.memory_space<vmem>> -> memref<128xi32, #tpu.memory_space<vmem>>
    %dma_wait3A_309 = arith.constant 0 : i32
    %dma_wait3A_310 = arith.constant 0 : i32
    %dma_wait3A_311 = tpu.memref_slice %arg33[%dma_wait3A_309, %dma_wait3A_310] : memref<10240x64xbf16, #tpu.memory_space<vmem_shared>> -> memref<10240x64xbf16, #tpu.memory_space<vmem_shared>>
    tpu.wait_indirect_dma semaphore(%arg32 : memref<!tpu.dma_semaphore, #tpu.memory_space<semaphore_mem>>) src(%arg16 : memref<128x64xbf16, #tpu.memory_space<vmem>>) dst(%dma_wait3A_311 : memref<10240x64xbf16, #tpu.memory_space<vmem_shared>>)
    %barrier3A_312 = arith.constant 0 : index
    tpu.barrier barrier_id(%barrier3A_312)
    "tpu.region"() ({
      %run_scoped3A = tpu.sem_alloc : memref<!tpu.dma_semaphore, #tpu.memory_space<semaphore_mem>>
      %dma_start3A_313 = arith.constant 0 : i32
      %dma_start3A_314 = arith.constant 0 : i32
      %dma_start3A_315 = tpu.memref_slice %arg6[%arg0, %dma_start3A_313, %dma_start3A_314] : memref<2x10240x64xbf16, #tpu.memory_space<hbm>> -> memref<1x10240x64xbf16, #tpu.memory_space<hbm>>
      %dma_start3A_316 = tpu.memref_squeeze %dma_start3A_315 : memref<1x10240x64xbf16, #tpu.memory_space<hbm>> -> memref<10240x64xbf16, #tpu.memory_space<hbm>>
      %dma_start3A_317 = arith.constant 0 : i32
      %dma_start3A_318 = tpu.memref_slice %dma_start3A_316[%mul3A_0, %dma_start3A_317] : memref<10240x64xbf16, #tpu.memory_space<hbm>> -> memref<640x64xbf16, #tpu.memory_space<hbm>>
      %dma_start3A_319 = arith.constant 0 : i32
      %dma_start3A_320 = tpu.memref_slice %arg33[%mul3A_0, %dma_start3A_319] : memref<10240x64xbf16, #tpu.memory_space<vmem_shared>> -> memref<640x64xbf16, #tpu.memory_space<vmem_shared>>
      tpu.enqueue_dma source(%dma_start3A_320 : memref<640x64xbf16, #tpu.memory_space<vmem_shared>>) target(%dma_start3A_318 : memref<640x64xbf16, #tpu.memory_space<hbm>>) target_semaphore(%run_scoped3A : memref<!tpu.dma_semaphore, #tpu.memory_space<semaphore_mem>>)
      %dma_wait3A_321 = arith.constant 0 : i32
      %dma_wait3A_322 = arith.constant 0 : i32
      %dma_wait3A_323 = tpu.memref_slice %arg6[%arg0, %dma_wait3A_321, %dma_wait3A_322] : memref<2x10240x64xbf16, #tpu.memory_space<hbm>> -> memref<1x10240x64xbf16, #tpu.memory_space<hbm>>
      %dma_wait3A_324 = tpu.memref_squeeze %dma_wait3A_323 : memref<1x10240x64xbf16, #tpu.memory_space<hbm>> -> memref<10240x64xbf16, #tpu.memory_space<hbm>>
      %dma_wait3A_325 = arith.constant 0 : i32
      %dma_wait3A_326 = tpu.memref_slice %dma_wait3A_324[%mul3A_0, %dma_wait3A_325] : memref<10240x64xbf16, #tpu.memory_space<hbm>> -> memref<640x64xbf16, #tpu.memory_space<hbm>>
      %dma_wait3A_327 = arith.constant 0 : i32
      %dma_wait3A_328 = tpu.memref_slice %arg33[%mul3A_0, %dma_wait3A_327] : memref<10240x64xbf16, #tpu.memory_space<vmem_shared>> -> memref<640x64xbf16, #tpu.memory_space<vmem_shared>>
      tpu.wait_dma2 semaphore(%run_scoped3A : memref<!tpu.dma_semaphore, #tpu.memory_space<semaphore_mem>>) src(%dma_wait3A_328 : memref<640x64xbf16, #tpu.memory_space<vmem_shared>>) dst(%dma_wait3A_326 : memref<640x64xbf16, #tpu.memory_space<hbm>>)
      tpu.yield
    }) : () -> ()
    return
  }
}

module attributes {stable_mosaic.version = 14 : i64} {
  func.func @_tc_a(%arg0: i32, %arg1: memref<1024x128xf32, #tpu.memory_space<vmem>>, %arg2: memref<128x256xf32, #tpu.memory_space<vmem>>, %arg3: memref<2x1024x16xf32, #tpu.memory_space<vmem>>, %arg4: memref<2x1024x128xbf16, #tpu.memory_space<vmem>>, %arg5: memref<1024x1xf32, #tpu.memory_space<vmem>>) attributes {dimension_semantics = [#tpu.dimension_semantics<arbitrary>], iteration_bounds = array<i64: 10>, scalar_prefetch = 0 : i64, scratch_operands = 0 : i64, tpu.core_type = #tpu.core_type<tc>, window_params = [{transform_indices = @transform_0, window_bounds = array<i64: 1024, 128>}, {pipeline_mode = #tpu.pipeline_mode<synchronous>, transform_indices = @transform_1, window_bounds = array<i64: 128, 256>}, {transform_indices = @transform_2, window_bounds = array<i64: 2, 1024, 16>}, {transform_indices = @transform_3, window_bounds = array<i64: 2, 1024, 128>}, {transform_indices = @transform_4, window_bounds = array<i64: 1024, 1>}]} {
    %get3A = arith.constant 0 : index
    %get3A_0 = arith.constant 0 : index
    %get3A_1 = arith.constant 0 : index
    %get3A_2 = vector.load %arg3[%get3A, %get3A_0, %get3A_1] : memref<2x1024x16xf32, #tpu.memory_space<vmem>>, vector<1x1024x16xf32>
    %get3A_3 = vector.shape_cast %get3A_2 : vector<1x1024x16xf32> to vector<1024x16xf32>
    %slice3A = vector.extract_strided_slice %get3A_3 {offsets = [0, 0], sizes = [1024, 1], strides = [1, 1]} : vector<1024x16xf32> to vector<1024x1xf32>
    %get3A_4 = arith.constant 1 : index
    %get3A_5 = arith.constant 0 : index
    %get3A_6 = arith.constant 0 : index
    %get3A_7 = vector.load %arg3[%get3A_4, %get3A_5, %get3A_6] : memref<2x1024x16xf32, #tpu.memory_space<vmem>>, vector<1x1024x16xf32>
    %get3A_8 = vector.shape_cast %get3A_7 : vector<1x1024x16xf32> to vector<1024x16xf32>
    %slice3A_9 = vector.extract_strided_slice %get3A_8 {offsets = [0, 0], sizes = [1024, 1], strides = [1, 1]} : vector<1024x16xf32> to vector<1024x1xf32>
    %add3A = arith.addf %slice3A, %slice3A_9 : vector<1024x1xf32>
    %add3A_10 = arith.constant 1.000000e+00 : f32
    %add3A_11 = vector.broadcast %add3A_10 : f32 to vector<1024x1xf32>
    %add3A_12 = arith.addf %add3A, %add3A_11 : vector<1024x1xf32>
    %rsqrt3A = math.rsqrt %add3A_12 : vector<1024x1xf32>
    %get3A_13 = arith.constant 0 : index
    %get3A_14 = arith.constant 0 : index
    %get3A_15 = vector.load %arg1[%get3A_13, %get3A_14] : memref<1024x128xf32, #tpu.memory_space<vmem>>, vector<1024x128xf32>
    %get3A_16 = arith.constant 0 : index
    %get3A_17 = arith.constant 0 : index
    %get3A_18 = vector.load %arg2[%get3A_16, %get3A_17] : memref<128x256xf32, #tpu.memory_space<vmem>>, vector<128x256xf32>
    %dot_general3A = arith.constant dense<0.000000e+00> : vector<1024x256xf32>
    %dot_general3A_19 = tpu.matmul %get3A_15, %get3A_18, %dot_general3A {dimension_numbers = #tpu.dot_dimension_numbers<[1], [0], [0], [1], [0, 0, 1, 1], [], []>, transpose_lhs_hint = false} : vector<1024x128xf32>, vector<128x256xf32>, vector<1024x256xf32> -> vector<1024x256xf32>
    %mul3A = vector.broadcast %rsqrt3A : vector<1024x1xf32> to vector<1024x256xf32>
    %mul3A_20 = arith.mulf %dot_general3A_19, %mul3A : vector<1024x256xf32>
    %convert_element_type3A = arith.truncf %mul3A_20 : vector<1024x256xf32> to vector<1024x256xbf16>
    %slice3A_21 = vector.extract_strided_slice %convert_element_type3A {offsets = [0, 0], sizes = [1024, 128], strides = [1, 1]} : vector<1024x256xbf16> to vector<1024x128xbf16>
    %swap3A = arith.constant 0 : index
    %swap3A_22 = arith.constant 0 : index
    %swap3A_23 = arith.constant 0 : index
    %swap3A_24 = vector.load %arg4[%swap3A, %swap3A_22, %swap3A_23] : memref<2x1024x128xbf16, #tpu.memory_space<vmem>>, vector<1x1024x128xbf16>
    %swap3A_25 = vector.shape_cast %swap3A_24 : vector<1x1024x128xbf16> to vector<1024x128xbf16>
    %swap3A_26 = vector.shape_cast %slice3A_21 : vector<1024x128xbf16> to vector<1x1024x128xbf16>
    tpu.vector_store %arg4[%swap3A, %swap3A_22, %swap3A_23], %swap3A_26 {strides = array<i32>} : memref<2x1024x128xbf16, #tpu.memory_space<vmem>>, vector<1x1024x128xbf16>,
    %slice3A_27 = vector.extract_strided_slice %convert_element_type3A {offsets = [0, 128], sizes = [1024, 128], strides = [1, 1]} : vector<1024x256xbf16> to vector<1024x128xbf16>
    %swap3A_28 = arith.constant 1 : index
    %swap3A_29 = arith.constant 0 : index
    %swap3A_30 = arith.constant 0 : index
    %swap3A_31 = vector.load %arg4[%swap3A_28, %swap3A_29, %swap3A_30] : memref<2x1024x128xbf16, #tpu.memory_space<vmem>>, vector<1x1024x128xbf16>
    %swap3A_32 = vector.shape_cast %swap3A_31 : vector<1x1024x128xbf16> to vector<1024x128xbf16>
    %swap3A_33 = vector.shape_cast %slice3A_27 : vector<1024x128xbf16> to vector<1x1024x128xbf16>
    tpu.vector_store %arg4[%swap3A_28, %swap3A_29, %swap3A_30], %swap3A_33 {strides = array<i32>} : memref<2x1024x128xbf16, #tpu.memory_space<vmem>>, vector<1x1024x128xbf16>,
    %swap3A_34 = arith.constant 0 : index
    %swap3A_35 = arith.constant 0 : index
    %swap3A_36 = vector.load %arg5[%swap3A_34, %swap3A_35] : memref<1024x1xf32, #tpu.memory_space<vmem>>, vector<1024x1xf32>
    tpu.vector_store %arg5[%swap3A_34, %swap3A_35], %rsqrt3A {strides = array<i32>} : memref<1024x1xf32, #tpu.memory_space<vmem>>, vector<1024x1xf32>,
    return
  }
  func.func @transform_0(%arg0: i32) -> (i32, i32) {
    %c0_i32 = arith.constant 0 : i32
    %c0_i32_0 = arith.constant 0 : i32
    return %arg0, %c0_i32 : i32, i32
  }
  func.func @transform_1(%arg0: i32) -> (i32, i32) {
    %c0_i32 = arith.constant 0 : i32
    %c0_i32_0 = arith.constant 0 : i32
    %c0_i32_1 = arith.constant 0 : i32
    return %c0_i32, %c0_i32_0 : i32, i32
  }
  func.func @transform_2(%arg0: i32) -> (i32, i32, i32) {
    %c0_i32 = arith.constant 0 : i32
    %c0_i32_0 = arith.constant 0 : i32
    %c0_i32_1 = arith.constant 0 : i32
    return %c0_i32, %arg0, %c0_i32_0 : i32, i32, i32
  }
  func.func @transform_3(%arg0: i32) -> (i32, i32, i32) {
    %c0_i32 = arith.constant 0 : i32
    %c0_i32_0 = arith.constant 0 : i32
    %c0_i32_1 = arith.constant 0 : i32
    return %c0_i32, %arg0, %c0_i32_0 : i32, i32, i32
  }
  func.func @transform_4(%arg0: i32) -> (i32, i32) {
    %c0_i32 = arith.constant 0 : i32
    %c0_i32_0 = arith.constant 0 : i32
    return %arg0, %c0_i32 : i32, i32
  }
}

module attributes {stable_mosaic.version = 14 : i64} {
  func.func @_tc_b(%arg0: i32, %arg1: memref<2x1024x128xbf16, #tpu.memory_space<vmem>>, %arg2: memref<2x1024x128xbf16, #tpu.memory_space<vmem>>, %arg3: memref<1024x1xf32, #tpu.memory_space<vmem>>, %arg4: memref<1x256xf32, #tpu.memory_space<vmem>>, %arg5: memref<256x64xf32, #tpu.memory_space<vmem>>, %arg6: memref<1024x64xbf16, #tpu.memory_space<vmem>>) attributes {dimension_semantics = [#tpu.dimension_semantics<arbitrary>], iteration_bounds = array<i64: 10>, scalar_prefetch = 0 : i64, scratch_operands = 0 : i64, tpu.core_type = #tpu.core_type<tc>, window_params = [{transform_indices = @transform_0, window_bounds = array<i64: 2, 1024, 128>}, {transform_indices = @transform_1, window_bounds = array<i64: 2, 1024, 128>}, {transform_indices = @transform_2, window_bounds = array<i64: 1024, 1>}, {pipeline_mode = #tpu.pipeline_mode<synchronous>, transform_indices = @transform_3, window_bounds = array<i64: 1, 256>}, {pipeline_mode = #tpu.pipeline_mode<synchronous>, transform_indices = @transform_4, window_bounds = array<i64: 256, 64>}, {transform_indices = @transform_5, window_bounds = array<i64: 1024, 64>}]} {
    %get3A = arith.constant 0 : index
    %get3A_0 = arith.constant 0 : index
    %get3A_1 = vector.load %arg3[%get3A, %get3A_0] : memref<1024x1xf32, #tpu.memory_space<vmem>>, vector<1024x1xf32>
    %get3A_2 = arith.constant 0 : index
    %get3A_3 = arith.constant 0 : index
    %get3A_4 = arith.constant 0 : index
    %get3A_5 = vector.load %arg1[%get3A_2, %get3A_3, %get3A_4] : memref<2x1024x128xbf16, #tpu.memory_space<vmem>>, vector<1x1024x128xbf16>
    %get3A_6 = vector.shape_cast %get3A_5 : vector<1x1024x128xbf16> to vector<1024x128xbf16>
    %convert_element_type3A = arith.extf %get3A_6 : vector<1024x128xbf16> to vector<1024x128xf32>
    %get3A_7 = arith.constant 0 : index
    %get3A_8 = arith.constant 0 : index
    %get3A_9 = arith.constant 0 : index
    %get3A_10 = vector.load %arg2[%get3A_7, %get3A_8, %get3A_9] : memref<2x1024x128xbf16, #tpu.memory_space<vmem>>, vector<1x1024x128xbf16>
    %get3A_11 = vector.shape_cast %get3A_10 : vector<1x1024x128xbf16> to vector<1024x128xbf16>
    %convert_element_type3A_12 = arith.extf %get3A_11 : vector<1024x128xbf16> to vector<1024x128xf32>
    %add3A = arith.addf %convert_element_type3A, %convert_element_type3A_12 : vector<1024x128xf32>
    %get3A_13 = arith.constant 1 : index
    %get3A_14 = arith.constant 0 : index
    %get3A_15 = arith.constant 0 : index
    %get3A_16 = vector.load %arg1[%get3A_13, %get3A_14, %get3A_15] : memref<2x1024x128xbf16, #tpu.memory_space<vmem>>, vector<1x1024x128xbf16>
    %get3A_17 = vector.shape_cast %get3A_16 : vector<1x1024x128xbf16> to vector<1024x128xbf16>
    %convert_element_type3A_18 = arith.extf %get3A_17 : vector<1024x128xbf16> to vector<1024x128xf32>
    %get3A_19 = arith.constant 1 : index
    %get3A_20 = arith.constant 0 : index
    %get3A_21 = arith.constant 0 : index
    %get3A_22 = vector.load %arg2[%get3A_19, %get3A_20, %get3A_21] : memref<2x1024x128xbf16, #tpu.memory_space<vmem>>, vector<1x1024x128xbf16>
    %get3A_23 = vector.shape_cast %get3A_22 : vector<1x1024x128xbf16> to vector<1024x128xbf16>
    %convert_element_type3A_24 = arith.extf %get3A_23 : vector<1024x128xbf16> to vector<1024x128xf32>
    %add3A_25 = arith.addf %convert_element_type3A_18, %convert_element_type3A_24 : vector<1024x128xf32>
    %concatenate3A = tpu.concatenate %add3A, %add3A_25 in 1 : vector<1024x128xf32>, vector<1024x128xf32> -> vector<1024x256xf32>
    %mul3A = vector.broadcast %get3A_1 : vector<1024x1xf32> to vector<1024x256xf32>
    %mul3A_26 = arith.mulf %concatenate3A, %mul3A : vector<1024x256xf32>
    %get3A_27 = arith.constant 0 : index
    %get3A_28 = arith.constant 0 : index
    %get3A_29 = vector.load %arg4[%get3A_27, %get3A_28] : memref<1x256xf32, #tpu.memory_space<vmem>>, vector<1x256xf32>
    %add3A_30 = vector.broadcast %get3A_29 : vector<1x256xf32> to vector<1024x256xf32>
    %add3A_31 = arith.addf %mul3A_26, %add3A_30 : vector<1024x256xf32>
    %max3A = arith.constant 0.000000e+00 : f32
    %max3A_32 = vector.broadcast %max3A : f32 to vector<1024x256xf32>
    %max3A_33 = arith.maximumf %add3A_31, %max3A_32 : vector<1024x256xf32>
    %get3A_34 = arith.constant 0 : index
    %get3A_35 = arith.constant 0 : index
    %get3A_36 = vector.load %arg5[%get3A_34, %get3A_35] : memref<256x64xf32, #tpu.memory_space<vmem>>, vector<256x64xf32>
    %dot_general3A = arith.constant dense<0.000000e+00> : vector<1024x64xf32>
    %dot_general3A_37 = tpu.matmul %max3A_33, %get3A_36, %dot_general3A {dimension_numbers = #tpu.dot_dimension_numbers<[1], [0], [0], [1], [0, 0, 1, 1], [], []>, transpose_lhs_hint = false} : vector<1024x256xf32>, vector<256x64xf32>, vector<1024x64xf32> -> vector<1024x64xf32>
    %mul3A_38 = vector.broadcast %get3A_1 : vector<1024x1xf32> to vector<1024x64xf32>
    %mul3A_39 = arith.mulf %dot_general3A_37, %mul3A_38 : vector<1024x64xf32>
    %convert_element_type3A_40 = arith.truncf %mul3A_39 : vector<1024x64xf32> to vector<1024x64xbf16>
    %swap3A = arith.constant 0 : index
    %swap3A_41 = arith.constant 0 : index
    %swap3A_42 = vector.load %arg6[%swap3A, %swap3A_41] : memref<1024x64xbf16, #tpu.memory_space<vmem>>, vector<1024x64xbf16>
    tpu.vector_store %arg6[%swap3A, %swap3A_41], %convert_element_type3A_40 {strides = array<i32>} : memref<1024x64xbf16, #tpu.memory_space<vmem>>, vector<1024x64xbf16>,
    return
  }
  func.func @transform_0(%arg0: i32) -> (i32, i32, i32) {
    %c0_i32 = arith.constant 0 : i32
    %c0_i32_0 = arith.constant 0 : i32
    %c0_i32_1 = arith.constant 0 : i32
    return %c0_i32, %arg0, %c0_i32_0 : i32, i32, i32
  }
  func.func @transform_1(%arg0: i32) -> (i32, i32, i32) {
    %c0_i32 = arith.constant 0 : i32
    %c0_i32_0 = arith.constant 0 : i32
    %c0_i32_1 = arith.constant 0 : i32
    return %c0_i32, %arg0, %c0_i32_0 : i32, i32, i32
  }
  func.func @transform_2(%arg0: i32) -> (i32, i32) {
    %c0_i32 = arith.constant 0 : i32
    %c0_i32_0 = arith.constant 0 : i32
    return %arg0, %c0_i32 : i32, i32
  }
  func.func @transform_3(%arg0: i32) -> (i32, i32) {
    %c0_i32 = arith.constant 0 : i32
    %c0_i32_0 = arith.constant 0 : i32
    %c0_i32_1 = arith.constant 0 : i32
    return %c0_i32, %c0_i32_0 : i32, i32
  }
  func.func @transform_4(%arg0: i32) -> (i32, i32) {
    %c0_i32 = arith.constant 0 : i32
    %c0_i32_0 = arith.constant 0 : i32
    %c0_i32_1 = arith.constant 0 : i32
    return %c0_i32, %c0_i32_0 : i32, i32
  }
  func.func @transform_5(%arg0: i32) -> (i32, i32) {
    %c0_i32 = arith.constant 0 : i32
    %c0_i32_0 = arith.constant 0 : i32
    return %arg0, %c0_i32 : i32, i32
  }
}

module attributes {stable_mosaic.version = 14 : i64} {
  func.func @_tc_c(%arg0: i32, %arg1: memref<2x1024x64xbf16, #tpu.memory_space<vmem>>, %arg2: memref<1024x64xbf16, #tpu.memory_space<vmem>>, %arg3: memref<1024x1xf32, #tpu.memory_space<vmem>>, %arg4: memref<1x64xf32, #tpu.memory_space<vmem>>, %arg5: memref<1024x64xf32, #tpu.memory_space<vmem>>) attributes {dimension_semantics = [#tpu.dimension_semantics<arbitrary>], iteration_bounds = array<i64: 10>, scalar_prefetch = 0 : i64, scratch_operands = 0 : i64, tpu.core_type = #tpu.core_type<tc>, window_params = [{transform_indices = @transform_0, window_bounds = array<i64: 2, 1024, 64>}, {transform_indices = @transform_1, window_bounds = array<i64: 1024, 64>}, {transform_indices = @transform_2, window_bounds = array<i64: 1024, 1>}, {pipeline_mode = #tpu.pipeline_mode<synchronous>, transform_indices = @transform_3, window_bounds = array<i64: 1, 64>}, {transform_indices = @transform_4, window_bounds = array<i64: 1024, 64>}]} {
    %get3A = arith.constant 0 : index
    %get3A_0 = arith.constant 0 : index
    %get3A_1 = arith.constant 0 : index
    %get3A_2 = vector.load %arg1[%get3A, %get3A_0, %get3A_1] : memref<2x1024x64xbf16, #tpu.memory_space<vmem>>, vector<1x1024x64xbf16>
    %get3A_3 = vector.shape_cast %get3A_2 : vector<1x1024x64xbf16> to vector<1024x64xbf16>
    %convert_element_type3A = arith.extf %get3A_3 : vector<1024x64xbf16> to vector<1024x64xf32>
    %get3A_4 = arith.constant 1 : index
    %get3A_5 = arith.constant 0 : index
    %get3A_6 = arith.constant 0 : index
    %get3A_7 = vector.load %arg1[%get3A_4, %get3A_5, %get3A_6] : memref<2x1024x64xbf16, #tpu.memory_space<vmem>>, vector<1x1024x64xbf16>
    %get3A_8 = vector.shape_cast %get3A_7 : vector<1x1024x64xbf16> to vector<1024x64xbf16>
    %convert_element_type3A_9 = arith.extf %get3A_8 : vector<1024x64xbf16> to vector<1024x64xf32>
    %add3A = arith.addf %convert_element_type3A, %convert_element_type3A_9 : vector<1024x64xf32>
    %get3A_10 = arith.constant 0 : index
    %get3A_11 = arith.constant 0 : index
    %get3A_12 = vector.load %arg2[%get3A_10, %get3A_11] : memref<1024x64xbf16, #tpu.memory_space<vmem>>, vector<1024x64xbf16>
    %convert_element_type3A_13 = arith.extf %get3A_12 : vector<1024x64xbf16> to vector<1024x64xf32>
    %add3A_14 = arith.addf %add3A, %convert_element_type3A_13 : vector<1024x64xf32>
    %get3A_15 = arith.constant 0 : index
    %get3A_16 = arith.constant 0 : index
    %get3A_17 = vector.load %arg3[%get3A_15, %get3A_16] : memref<1024x1xf32, #tpu.memory_space<vmem>>, vector<1024x1xf32>
    %mul3A = vector.broadcast %get3A_17 : vector<1024x1xf32> to vector<1024x64xf32>
    %mul3A_18 = arith.mulf %add3A_14, %mul3A : vector<1024x64xf32>
    %get3A_19 = arith.constant 0 : index
    %get3A_20 = arith.constant 0 : index
    %get3A_21 = vector.load %arg4[%get3A_19, %get3A_20] : memref<1x64xf32, #tpu.memory_space<vmem>>, vector<1x64xf32>
    %add3A_22 = vector.broadcast %get3A_21 : vector<1x64xf32> to vector<1024x64xf32>
    %add3A_23 = arith.addf %mul3A_18, %add3A_22 : vector<1024x64xf32>
    %iota3A = tpu.iota {dimensions = array<i32: 1>} : vector<1x64xi32>
    %lt3A = arith.constant 40 : i32
    %lt3A_24 = vector.broadcast %lt3A : i32 to vector<1x64xi32>
    %lt3A_25 = arith.cmpi slt, %iota3A, %lt3A_24 : vector<1x64xi32>
    %jit3A = arith.constant 0xFF800000 : f32
    %broadcast_in_dim3A = vector.shape_cast %lt3A_25 : vector<1x64xi1> to vector<1x64xi1>
    %broadcast_in_dim3A_26 = vector.broadcast %broadcast_in_dim3A : vector<1x64xi1> to vector<1024x64xi1>
    %broadcast_in_dim3A_27 = vector.broadcast %jit3A : f32 to vector<1024x64xf32>
    %select_n3A = arith.select %broadcast_in_dim3A_26, %add3A_23, %broadcast_in_dim3A_27 : vector<1024x64xi1>, vector<1024x64xf32>
    %reduce_max3A = arith.constant dense<0xFF800000> : vector<1024xf32>
    %reduce_max3A_28 = vector.multi_reduction <maximumf>, %select_n3A, %reduce_max3A [1] : vector<1024x64xf32> to vector<1024xf32>
    %broadcast_in_dim3A_29 = vector.shape_cast %reduce_max3A_28 : vector<1024xf32> to vector<1024x1xf32>
    %sub3A = vector.broadcast %broadcast_in_dim3A_29 : vector<1024x1xf32> to vector<1024x64xf32>
    %sub3A_30 = arith.subf %add3A_23, %sub3A : vector<1024x64xf32>
    %exp3A = math.exp %sub3A_30 : vector<1024x64xf32>
    %jit3A_31 = arith.constant 0.000000e+00 : f32
    %broadcast_in_dim3A_32 = vector.shape_cast %lt3A_25 : vector<1x64xi1> to vector<1x64xi1>
    %broadcast_in_dim3A_33 = vector.broadcast %broadcast_in_dim3A_32 : vector<1x64xi1> to vector<1024x64xi1>
    %broadcast_in_dim3A_34 = vector.broadcast %jit3A_31 : f32 to vector<1024x64xf32>
    %select_n3A_35 = arith.select %broadcast_in_dim3A_33, %exp3A, %broadcast_in_dim3A_34 : vector<1024x64xi1>, vector<1024x64xf32>
    %reduce_sum3A = arith.constant dense<0.000000e+00> : vector<1024xf32>
    %reduce_sum3A_36 = vector.multi_reduction <add>, %select_n3A_35, %reduce_sum3A [1] : vector<1024x64xf32> to vector<1024xf32>
    %broadcast_in_dim3A_37 = vector.shape_cast %reduce_sum3A_36 : vector<1024xf32> to vector<1024x1xf32>
    %log3A = math.log %broadcast_in_dim3A_37 : vector<1024x1xf32>
    %add3A_38 = arith.addf %log3A, %broadcast_in_dim3A_29 : vector<1024x1xf32>
    %sub3A_39 = vector.broadcast %add3A_38 : vector<1024x1xf32> to vector<1024x64xf32>
    %sub3A_40 = arith.subf %add3A_23, %sub3A_39 : vector<1024x64xf32>
    %swap3A = arith.constant 0 : index
    %swap3A_41 = arith.constant 0 : index
    %swap3A_42 = vector.load %arg5[%swap3A, %swap3A_41] : memref<1024x64xf32, #tpu.memory_space<vmem>>, vector<1024x64xf32>
    tpu.vector_store %arg5[%swap3A, %swap3A_41], %sub3A_40 {strides = array<i32>} : memref<1024x64xf32, #tpu.memory_space<vmem>>, vector<1024x64xf32>,
    return
  }
  func.func @transform_0(%arg0: i32) -> (i32, i32, i32) {
    %c0_i32 = arith.constant 0 : i32
    %c0_i32_0 = arith.constant 0 : i32
    %c0_i32_1 = arith.constant 0 : i32
    return %c0_i32, %arg0, %c0_i32_0 : i32, i32, i32
  }
  func.func @transform_1(%arg0: i32) -> (i32, i32) {
    %c0_i32 = arith.constant 0 : i32
    %c0_i32_0 = arith.constant 0 : i32
    return %arg0, %c0_i32 : i32, i32
  }
  func.func @transform_2(%arg0: i32) -> (i32, i32) {
    %c0_i32 = arith.constant 0 : i32
    %c0_i32_0 = arith.constant 0 : i32
    return %arg0, %c0_i32 : i32, i32
  }
  func.func @transform_3(%arg0: i32) -> (i32, i32) {
    %c0_i32 = arith.constant 0 : i32
    %c0_i32_0 = arith.constant 0 : i32
    %c0_i32_1 = arith.constant 0 : i32
    return %c0_i32, %c0_i32_0 : i32, i32
  }
  func.func @transform_4(%arg0: i32) -> (i32, i32) {
    %c0_i32 = arith.constant 0 : i32
    %c0_i32_0 = arith.constant 0 : i32
    return %arg0, %c0_i32 : i32, i32
  }
}

</mosaic_0001>

<sc_bundles>
// kernel: kernel.11.cloned.1.call-start
scs
__scs_entry_jumppad:
0x0: {  	(pc) =	sbr.rel $0x88, $3  }
0x1: {  	(tag) =	ssettag $0x0;
	lr =	simm.s32 $0x1  }
0x2: {  	[smem:$0x3F9B] =	sst lr;
	_ =	strace $0xD0000000  }
0x3: {  	_ = 	snop  }
0x4: {  	_ = 	snop  }
0x5: {  	_ = 	snop  }
0x6: {  	_ = 	snop  }
0x7: {  	_ = 	snop  }
__scs_overlays_trampoline_lowered:
0x8: {  	[smem:$0x3FAA] =	sst s0  }
0x9: {  	[smem:$0x3FAB] =	sst s1  }
0xa: {  	[smem:$0x3FAC] =	sst s2  }
0xb: {  	[smem:$0x3FAD] =	sst s3  }
0xc: {  	[smem:$0x3FAE] =	sst s4  }
0xd: {  	[smem:$0x3FAF] =	sst s5  }
0xe: {  	[smem:$0x3FB0] =	sst s6  }
0xf: {  	[smem:$0x3FB1] =	sst s7  }
0x10: {  	[smem:$0x3FB2] =	sst s8  }
0x11: {  	[smem:$0x3FB3] =	sst s9;
	s0 =	simm.s32 @!p0 $0x0  }
0x12: {  	s1 =	sld [smem:$0x3F99];
	s0 =	simm.s32 @p0 $0x1  }
0x13: {  	[smem:$0x3FB4] =	sst s0;
	s0 =	simm.s32 @!p1 $0x0  }
0x14: {  	s2 =	sld [smem:$0x3F98];
	s0 =	simm.s32 @p1 $0x1  }
0x15: {  	[smem:$0x3FB5] =	sst s0;
	s0 =	simm.s32 @!p2 $0x0  }
0x16: {  	s3 =	sld [smem:$0x3FDB];
	s0 =	simm.s32 @p2 $0x1  }
0x17: {  	s4 =	simm.s32 $0x1BF5;
	[smem:$0x3FB7] =	sst s0  }
0x18: {  	s0 =	sld [smem:$0x3F9A];
	_ =	swait.ge [sflag:s4], $0x0  }
0x19: {  	s7 =	sld [smem:$0x3F9B]  }
0x1a: {  	s8 =	sadd.s32 $0xFFFFE003, lr  }
0x1b: {  	s9 =	sadd.s32 $0xFFFFFEF7, lr;
	s5 =	simm.s32 $0xFFFFFFFF;
	p2 =	slt.u32 s8, $0xFFFFF086  }
0x1c: {  	p1 =	slt.u32 s9, $0xF7A;
	s5 =	simm.s32 @!p2 $0x0  }
0x1d: {  	s5 =	simm.s32 @p1 $0x1;
	p0 =	seq.s32 s7, s2  }
0x1e: {  	s7 =	smul.u32 @!p0 $0xF7A, s2;
	p2 =	seq.s32 @!p0 s5, $0x0  }
0x1f: {  	s9 =	smul.u32 $0xF7A, s1;
	s8 =	simm.s32 @!p0 $0x1BF5;
	p2 =	por !p2, p0  }
0x20: {  	[sflag:s8] =	ssyncset.s32 @!p0 $0xFFFFF086;
	s6 =	sadd.s32 @!p0 s3, s7;
	s7 =	simm.s32 @!p0 $0x108  }
0x21: {  	s3 =	sadd.s32 s3, s9;
	s6 =	sadd.s32 @!p0 $0x88, s6;
	s7 =	simm.s32 @p2 $0x1082  }
0x22: {  	[simem:s7], [sflag:s8] =	dma.local @!p0 [hbm:s6], $0xF7A  }
0x23: {  	s9 =	sor.u32 $0xD0000000, s2;
	s6 =	simm.s32 $0x108;
	_ =	swait.ge @!p0 [sflag:s8], $0x0  }
0x24: {  	s3 =	sadd.s32 $0x88, s3;
	s6 =	simm.s32 @!p1 $0x1082;
	[sflag:s4] =	ssyncset.s32 $0xFFFFF086  }
0x25: {  	[simem:s6], [sflag:s4] =	dma.local [hbm:s3], $0xF7A  }
0x26: {  	[smem:$0x3F9B] =	sst s1;
	(tag) =	ssettag s2;
	_ =	strace s9  }
0x27: {  	s1 =	sld [smem:$0x3FAB]  }
0x28: {  	s2 =	sld [smem:$0x3FAC]  }
0x29: {  	s4 =	sld [smem:$0x3FAE]  }
0x2a: {  	p0 =	seq.s32 s5, $0x0;
	s5 =	sld [smem:$0x3FAF]  }
0x2b: {  	s6 =	sld [smem:$0x3FB0]  }
0x2c: {  	s7 =	sld [smem:$0x3FB1]  }
0x2d: {  	s3 =	simm.s32 $0x108;
	s8 =	sld [smem:$0x3FB2]  }
0x2e: {  	s3 =	simm.s32 @!p0 $0x1082;
	s9 =	sld [smem:$0x3FB3]  }
0x2f: {  	lr =	sadd.s32 s0, s3;
	s0 =	sld [smem:$0x3FAA]  }
0x30: {  	s3 =	sld [smem:$0x3FAD]  }
0x31: {  	[smem:$0x3FB6] =	sst s10  }
0x32: {  	s10 =	sld [smem:$0x3FB4];
	_ =	sdelay $0x3  }
0x33: {  	p0 =	seq.s32 s10, $0x1;
	s10 =	sld [smem:$0x3FB6];
	_ =	sdelay $0x3  }
0x34: {  	[smem:$0x3FB6] =	sst s10  }
0x35: {  	s10 =	sld [smem:$0x3FB5];
	_ =	sdelay $0x3  }
0x36: {  	p1 =	seq.s32 s10, $0x1;
	s10 =	sld [smem:$0x3FB6];
	_ =	sdelay $0x3  }
0x37: {  	[smem:$0x3FB6] =	sst s10  }
0x38: {  	s10 =	sld [smem:$0x3FB7]  }
0x39: {  	_ = 	snop;
	(pc) =	sbr.ind lr, $3  }
0x3a: {  	_ = 	snop  }
0x3b: {  	_ = 	snop  }
0x3c: {  	p2 =	seq.s32 s10, $0x1;
	s10 =	sld [smem:$0x3FB6]  }
0x3d: {  	_ =	shalt  }
0x3e: {  	_ =	shalt  }
0x3f: {  	_ =	shalt  }
0x40: {  	_ =	shalt  }
0x41: {  	_ =	shalt  }
0x42: {  	_ =	shalt  }
0x43: {  	_ =	shalt  }
0x44: {  	_ =	shalt  }
0x45: {  	_ =	shalt  }
0x46: {  	_ =	shalt  }
0x47: {  	_ =	shalt  }
0x48: {  	_ =	shalt  }
0x49: {  	_ =	shalt  }
0x4a: {  	_ =	shalt  }
0x4b: {  	_ =	shalt  }
0x4c: {  	_ =	shalt  }
0x4d: {  	_ =	shalt  }
0x4e: {  	_ =	shalt  }
0x4f: {  	_ =	shalt  }
0x50: {  	_ =	shalt  }
0x51: {  	_ =	shalt  }
0x52: {  	_ =	shalt  }
0x53: {  	_ =	shalt  }
0x54: {  	_ =	shalt  }
0x55: {  	_ =	shalt  }
0x56: {  	_ =	shalt  }
0x57: {  	_ =	shalt  }
0x58: {  	_ =	shalt  }
0x59: {  	_ =	shalt  }
0x5a: {  	_ =	shalt  }
0x5b: {  	_ =	shalt  }
0x5c: {  	_ =	shalt  }
0x5d: {  	_ =	shalt  }
0x5e: {  	_ =	shalt  }
0x5f: {  	_ =	shalt  }
0x60: {  	_ =	shalt  }
0x61: {  	_ =	shalt  }
0x62: {  	_ =	shalt  }
0x63: {  	_ =	shalt  }
0x64: {  	_ =	shalt  }
0x65: {  	_ =	shalt  }
0x66: {  	_ =	shalt  }
0x67: {  	_ =	shalt  }
0x68: {  	_ =	shalt  }
0x69: {  	_ =	shalt  }
0x6a: {  	_ =	shalt  }
0x6b: {  	_ =	shalt  }
0x6c: {  	_ =	shalt  }
0x6d: {  	_ =	shalt  }
0x6e: {  	_ =	shalt  }
0x6f: {  	_ =	shalt  }
0x70: {  	_ =	shalt  }
0x71: {  	_ =	shalt  }
0x72: {  	_ =	shalt  }
0x73: {  	_ =	shalt  }
0x74: {  	_ =	shalt  }
0x75: {  	_ =	shalt  }
0x76: {  	_ =	shalt  }
0x77: {  	_ =	shalt  }
0x78: {  	_ =	shalt  }
0x79: {  	_ =	shalt  }
0x7a: {  	_ =	shalt  }
0x7b: {  	_ =	shalt  }
0x7c: {  	_ =	shalt  }
0x7d: {  	_ =	shalt  }
0x7e: {  	_ =	shalt  }
0x7f: {  	_ =	shalt  }
0x80: {  	_ =	shalt  }
0x81: {  	_ =	shalt  }
0x82: {  	_ =	shalt  }
0x83: {  	_ =	shalt  }
0x84: {  	_ =	shalt  }
0x85: {  	_ =	shalt  }
0x86: {  	_ =	shalt  }
0x87: {  	_ =	shalt  }
.Lfunc_end0:
.L_simem_size_0:
called_computation.1_lowered:
.L_overlay_start_0:
0x88: {  	s2 =	sld [smem:$0x3FD9]  }
0x89: {  	s3 =	sld [smem:$0x3FFE];
	_ =	sdelay $0x1  }
0x8a: {  	s1 =	srdreg.scid  }
0x8b: {  	s0 =	sand.u32 $0x1, s1  }
0x8c: {  	s17 =	sshll.u32 s0, $0xA;
	s2 =	sadd.s32 s3, s2  }
0x8d: {  	s2 =	sadd.s32 s2, s17  }
0x8e: {  	[smem:$0x3FC2] =	sst s2  }
0x8f: {  	_ = 	snop  }
0x90: {  	s2 =	sld [smem:$0x3FD0];
	(tm) =	ssettm $0x1  }
0x91: {  	s18 =	sld [smem:$0x3FFB];
	_ =	sdelay $0x3  }
0x92: {  	_ =	strace s18  }
0x93: {  	s3 =	sld [smem:$0x3FFC];
	_ =	sdelay $0x3  }
0x94: {  	_ =	strace s3  }
0x95: {  	s3 =	sld [smem:$0x3FFD];
	_ =	sdelay $0x3  }
0x96: {  	_ =	strace s3  }
0x97: {  	_ =	strace $0x8FFFFFFF  }
0x98: {  	s19 =	sld [smem:$0x3FDB];
	_ =	sdelay $0x1  }
0x99: {  	s4 =	simm.s32 $_scs_section_size  }
0x9a: {  	s5 =	simm.s32 $_size__tile_overlayer_lowered;
	s6 =	simm.s32 $_tile_overlayer_lowered  }
0x9b: {  	s22 =	simm.s32 $0x1BFF;
	s21 =	sshll.u32 s6, $0x1;
	s3 =	sadd.s32 s4, s19  }
0x9c: {  	s7 =	simm.s32 $0x0;
	s20 =	sshll.u32 s5, $0x1;
	s5 =	sadd.s32 s21, s3  }
0x9d: {  	[timem:s7], [sflag:s22] =	dma.local [hbm:s5], s20  }
0x9e: {  	_ =	swait.ge [sflag:s22], s20  }
0x9f: {  	s4 =	ssub.s32 $0x0, s20;
	[sflag:s22] =	ssyncset.done $0x0  }
0xa0: {  	[sflag:s22] =	ssyncadd.s32 s4;
	_ =	sdelay $0x1  }
0xa1: {  	s23 =	simm.s32 $0x1B8B  }
0xa2: {  	_ =	swait.ge [sflag:s23], $0x1  }
0xa3: {  	[sflag:s23] =	ssyncset.done $0x0  }
0xa4: {  	s25 =	simm.s32 $0x1B8E;
	s24 =	sld [smem:$0x3FFE];
	[sflag:s23] =	ssyncadd.s32 $0xFFFFFFFF  }
0xa5: {  	s26 =	simm.s32 $execute0_lowered;
	[smem:$0x3FD2] =	sst s25  }
0xa6: {  	s5 =	sshll.u32 s26, $0x1;
	_ =	strace $0x80000049;
	[dreg:$0x1] =	wrdreg $0xFFFFFFFF  }
0xa7: {  	s28 =	simm.s32 $_size_execute0_lowered;
	s3 =	sadd.s32 s3, s5;
	[dreg:$0x0] =	wrdreg $0x0  }
0xa8: {  	s5 =	sshll.u32 s28, $0x1;
	[dreg:$0x2] =	wrdreg s3  }
0xa9: {  	[dreg:$0x3] =	wrdreg s5  }
0xaa: {  	[dreg:$0x4] =	wrdreg $0xC0  }
0xab: {  	_ =	task [dreg:s7], $0x5FFFF  }
0xac: {  	[dreg:$0x1] =	wrdreg $0xFFFFFFFF  }
0xad: {  	[dreg:$0x0] =	wrdreg $0x60  }
0xae: {  	[dreg:$0x2] =	wrdreg s24  }
0xaf: {  	[dreg:$0x3] =	wrdreg s2  }
0xb0: {  	[dreg:$0x4] =	wrdreg $0x120000  }
0xb1: {  	[dreg:$0x5] =	wrdreg $0x9  }
0xb2: {  	_ =	task.clear_ibuf [dreg:s7], $0x6FFFF;
	_ =	strace $0x90000049  }
0xb3: {  	s29 =	simm.s32 $0x9;
	_ =	strace $0x8000004B  }
0xb4: {  	_ =	swait.ge [sflag:s29], $0x1  }
0xb5: {  	[sflag:s29] =	ssyncadd.s32 $0xFFFFFFFF  }
0xb6: {  	_ =	strace $0x9000004B  }
0xb7: {  	_ =	sfence  }
0xb8: {  	s30 =	sld [smem:$0x0];
	_ =	sdelay $0x2  }
0xb9: {  	s31 =	sshll.u32 s1, $0xD;
	s1 =	sshrl.u32 s1, $0x2  }
0xba: {  	s3 =	sand.u32 $0x4000, s31;
	s1 =	sadd.s32 s1, s30  }
0xbb: {  	s0 =	sor.u32 s3, s0;
	s1 =	sshll.u32 s1, $0x11  }
0xbc: {  	s0 =	sor.u32 s1, s0  }
0xbd: {  	s0 =	sadd.s32 $0x8F2B, s0  }
0xbe: {  	[sflag:s0] =	ssyncadd.remote.s32 $0x1  }
0xbf: {  	_ =	sfence.sel $0xFFFF  }
0xc0: {  	[dreg:$0x0] =	wrdreg $0xFFFFFFFF;
	(pc) =	sbr.abs _section_cstart, $3  }
0xc1: {  	[dreg:$0x1] =	wrdreg $0xFFFFFFFF  }
0xc2: {  	_ =	task.clear_ibuf [dreg:s7], $0x2FFFF;
	_ =	strace $0x9FFFFFFF  }
0xc3: {  	(tm) =	ssettm $0x7FFFFFFF  }
tec
execute0_lowered:
.L_overlay_start_1:
0x0: {  	(tag) =	ssettag $0x1  }
0x1: {  	s0 =	rddreg [dreg:$0x0]  }
0x2: {  	s1 =	rddreg [dreg:$0x1]  }
0x3: {  	s2 =	rddreg [dreg:$0x2];
	s3 =	simm.s32 $0x0  }
0x4: {  	s12 =	stileid.u32;
	s5 =	srdreg.scid;
	s13 =	simm.s32 $0x80  }
0x5: {  	s14 =	simm.s32 $0xA000;
	s15 =	simm.s32 $0xC000;
	s17 =	simm.s32 $0xE000  }
0x6: {  	s19 =	simm.s32 $0x10000;
	s20 =	simm.s32 $0x1;
	s21 =	simm.s32 $0x2  }
0x7: {  	s22 =	simm.s32 $0x3;
	s23 =	simm.s32 $0x4;
	s28 =	simm.s32 $0x7  }
0x8: {  	s29 =	simm.s32 $0x8;
	s31 =	simm.s32 $0x9E80;
	s4 =	smul.u32 $0x14000, s12  }
0x9: {  	[smem:$0x7FF] =	sst s3;
	s6 =	smul.u32 $0xA00, s12;
	s5 =	sand.u32 $0x1, s5  }
0xa: {  	s30 =	sshll.u32 s12, $0x6;
	_ =	strace $0x8000004A;
	s7 =	smul.u32 $0x14000, s5  }
0xb: {  	s5 =	ssub.s32 $0x2, s5;
	s10 =	sshrl.u32 s4, $0x4;
	s8 =	sadd.s32 s6, s0  }
0xc: {  	s11 =	sshrl.u32 s5, $0x1;
	s25 =	sshrl.u32 s4, $0x1;
	s9 =	sadd.s32 s10, s0  }
0xd: {  	s0 =	sadd.s32 s7, s0;
	s11 =	ssub.s32 s5, s11;
	s4 =	sadd.s32 $0x10200, s8  }
0xe: {  	s5 =	sadd.s32 s1, s6;
	s26 =	sadd.s32 s25, s2;
	s25 =	simm.s32 $0x5  }
0xf: {  	s1 =	simm.s32 $0x9F80;
	s6 =	sadd.s32 $0x1A200, s9;
	s7 =	sadd.s32 $0x2E200, s0  }
0x10: {  	s0 =	sadd.s32 $0x56200, s0;
	s8 =	smax.u32 s11, $0x1;
	s9 =	simm.s32 $0x9  }
0x11: {  	s11 =	sor.u32 $0x1C09, s30;
	s12 =	sshrl.u32 s26, $0x3;
	s26 =	simm.s32 $0x6  }
0x12: {  	s24 =	sadd.s32 s10, s0;
	s0 =	simm.s32 $0x9F00;
	s10 =	simm.s32 $0x0  }
.LBB2_1:
0x13: {  	[tilespmem:s3], [sflag:$0x9] =	stream.linear.gather [hbm4b:s4+s3], $0x5000, $0x38;
	[tilespmem:$0x1C000] =	vst v63  }
0x14: {  	_ =	swait.ge [sflag:s9], $0x5000  }
0x15: {  	[sflag:s9] =	ssyncset.done $0x0  }
0x16: {  	s16 =	simm.s32 $0x5000;
	[sflag:s9] =	ssyncadd.s32 $0xFFFFB000  }
0x17: {  	[tilespmem:s16], [sflag:$0x9] =	stream.linear.gather [hbm4b:s5+s3], $0x5000, $0x38;
	[tilespmem:$0x1C000] =	vst v63  }
0x18: {  	_ =	swait.ge [sflag:s9], $0x5000  }
0x19: {  	[sflag:s9] =	ssyncset.done $0x0  }
0x1a: {  	[sflag:s9] =	ssyncadd.s32 $0xFFFFB000  }
0x1b: {  	[spmem:s12], [sflag:s11] =	dma.local [hbm:s6], $0x1400  }
0x1c: {  	_ =	swait.ge [sflag:s9], $0x1400  }
0x1d: {  	[sflag:s9] =	ssyncset.done $0x0  }
0x1e: {  	[sflag:s9] =	ssyncadd.s32 $0xFFFFEC00  }
0x1f: {  	[bflag:$0x0] =	sbarrier.arrive $0xFFFF  }
0x20: {  	[tilespmem:s14], [sflag:$0x1] =	stream.indirect.gather [hbm4b:s7+s13], $0x40, s3, s13, $0xb8;
	[tilespmem:$0x1C000] =	vst v63  }
0x21: {  	_ = 	snop  }
0x22: {  	[tilespmem:s15], [sflag:$0x2] =	stream.indirect.gather [hbm4b:s7+s13], $0x40, s13, s13, $0xb8;
	[tilespmem:$0x1C000] =	vst v63  }
0x23: {  	s30 =	simm.s32 $0x100  }
0x24: {  	[tilespmem:s17], [sflag:$0x3] =	stream.indirect.gather [hbm4b:s7+s13], $0x40, s30, s13, $0xb8;
	[tilespmem:$0x1C000] =	vst v63  }
0x25: {  	s18 =	simm.s32 $0x180  }
0x26: {  	[tilespmem:s19], [sflag:$0x4] =	stream.indirect.gather [hbm4b:s7+s13], $0x40, s18, s13, $0xb8;
	[tilespmem:$0x1C000] =	vst v63  }
0x27: {  	_ =	swait.ge [sflag:s20], $0x2000  }
0x28: {  	[sflag:s20] =	ssyncset.done $0x0  }
0x29: {  	s30 =	simm.s32 $0x5000;
	[sflag:s20] =	ssyncadd.s32 $0xFFFFE000  }
0x2a: {  	[spmem:s2] =	stream.indirect.scatter.add.bf16 [tilespmem:s14], [sflag:$0x5], $0x40, s30, s13, $0xb8;
	[tilespmem:$0x1C000] =	vst v63  }
0x2b: {  	_ =	swait.ge [sflag:s21], $0x2000  }
0x2c: {  	[sflag:s21] =	ssyncset.done $0x0  }
0x2d: {  	s18 =	simm.s32 $0x5080;
	[sflag:s21] =	ssyncadd.s32 $0xFFFFE000  }
0x2e: {  	[spmem:s2] =	stream.indirect.scatter.add.bf16 [tilespmem:s15], [sflag:$0x6], $0x40, s18, s13, $0xb8;
	[tilespmem:$0x1C000] =	vst v63  }
0x2f: {  	_ =	swait.ge [sflag:s22], $0x2000  }
0x30: {  	[sflag:s22] =	ssyncset.done $0x0  }
0x31: {  	s30 =	simm.s32 $0x5100;
	[sflag:s22] =	ssyncadd.s32 $0xFFFFE000  }
0x32: {  	[spmem:s2] =	stream.indirect.scatter.add.bf16 [tilespmem:s17], [sflag:$0x7], $0x40, s30, s13, $0xb8;
	[tilespmem:$0x1C000] =	vst v63  }
0x33: {  	_ =	swait.ge [sflag:s23], $0x2000  }
0x34: {  	[sflag:s23] =	ssyncset.done $0x0  }
0x35: {  	s18 =	simm.s32 $0x5180;
	[sflag:s23] =	ssyncadd.s32 $0xFFFFE000  }
0x36: {  	[spmem:s2] =	stream.indirect.scatter.add.bf16 [tilespmem:s19], [sflag:$0x8], $0x40, s18, s13, $0xb8;
	[tilespmem:$0x1C000] =	vst v63  }
0x37: {  	_ =	swait.ge [sflag:s25], $0x2000  }
0x38: {  	[sflag:s25] =	ssyncset.done $0x0  }
0x39: {  	s30 =	simm.s32 $0x200;
	[sflag:s25] =	ssyncadd.s32 $0xFFFFE000  }
0x3a: {  	[tilespmem:s14], [sflag:$0x1] =	stream.indirect.gather [hbm4b:s7+s13], $0x40, s30, s13, $0xb8;
	[tilespmem:$0x1C000] =	vst v63  }
0x3b: {  	_ =	swait.ge [sflag:s26], $0x2000  }
0x3c: {  	[sflag:s26] =	ssyncset.done $0x0  }
0x3d: {  	s18 =	simm.s32 $0x280;
	[sflag:s26] =	ssyncadd.s32 $0xFFFFE000  }
0x3e: {  	[tilespmem:s15], [sflag:$0x2] =	stream.indirect.gather [hbm4b:s7+s13], $0x40, s18, s13, $0xb8;
	[tilespmem:$0x1C000] =	vst v63  }
0x3f: {  	_ =	swait.ge [sflag:s28], $0x2000  }
0x40: {  	[sflag:s28] =	ssyncset.done $0x0  }
0x41: {  	s30 =	simm.s32 $0x300;
	[sflag:s28] =	ssyncadd.s32 $0xFFFFE000  }
0x42: {  	[tilespmem:s17], [sflag:$0x3] =	stream.indirect.gather [hbm4b:s7+s13], $0x40, s30, s13, $0xb8;
	[tilespmem:$0x1C000] =	vst v63  }
0x43: {  	_ =	swait.ge [sflag:s29], $0x2000  }
0x44: {  	[sflag:s29] =	ssyncset.done $0x0  }
0x45: {  	s16 =	simm.s32 $0x800;
	s18 =	simm.s32 $0x380;
	[sflag:s29] =	ssyncadd.s32 $0xFFFFE000  }
.LBB2_2:
0x46: {  	[tilespmem:s19], [sflag:$0x4] =	stream.indirect.gather [hbm4b:s7+s13], $0x40, s18, s13, $0xb8;
	[tilespmem:$0x1C000] =	vst v63  }
0x47: {  	s18 =	smov.u32 s16  }
0x48: {  	p0 =	sne.s32 s16, $0x13000;
	s16 =	sadd.s32 $0x800, s16;
	_ =	swait.ge [sflag:s20], $0x2000  }
0x49: {  	s18 =	sshra.s32 s18, $0x2;
	[sflag:s20] =	ssyncset.done $0x0  }
0x4a: {  	s30 =	sadd.s32 $0x5000, s18;
	[sflag:s20] =	ssyncadd.s32 $0xFFFFE000  }
0x4b: {  	[spmem:s2] =	stream.indirect.scatter.add.bf16 [tilespmem:s14], [sflag:$0x5], $0x40, s30, s13, $0xb8;
	[tilespmem:$0x1C000] =	vst v63  }
0x4c: {  	_ =	swait.ge [sflag:s21], $0x2000  }
0x4d: {  	[sflag:s21] =	ssyncset.done $0x0  }
0x4e: {  	s30 =	sadd.s32 $0x5080, s18;
	[sflag:s21] =	ssyncadd.s32 $0xFFFFE000  }
0x4f: {  	[spmem:s2] =	stream.indirect.scatter.add.bf16 [tilespmem:s15], [sflag:$0x6], $0x40, s30, s13, $0xb8;
	[tilespmem:$0x1C000] =	vst v63  }
0x50: {  	_ =	swait.ge [sflag:s22], $0x2000  }
0x51: {  	[sflag:s22] =	ssyncset.done $0x0  }
0x52: {  	s30 =	sadd.s32 $0x5100, s18;
	[sflag:s22] =	ssyncadd.s32 $0xFFFFE000  }
0x53: {  	[spmem:s2] =	stream.indirect.scatter.add.bf16 [tilespmem:s17], [sflag:$0x7], $0x40, s30, s13, $0xb8;
	[tilespmem:$0x1C000] =	vst v63  }
0x54: {  	_ =	swait.ge [sflag:s23], $0x2000  }
0x55: {  	[sflag:s23] =	ssyncset.done $0x0  }
0x56: {  	s30 =	sadd.s32 $0x5180, s18;
	[sflag:s23] =	ssyncadd.s32 $0xFFFFE000  }
0x57: {  	[spmem:s2] =	stream.indirect.scatter.add.bf16 [tilespmem:s19], [sflag:$0x8], $0x40, s30, s13, $0xb8;
	[tilespmem:$0x1C000] =	vst v63  }
0x58: {  	_ =	swait.ge [sflag:s25], $0x2000  }
0x59: {  	[sflag:s25] =	ssyncset.done $0x0  }
0x5a: {  	s30 =	sadd.s32 $0x200, s18;
	[sflag:s25] =	ssyncadd.s32 $0xFFFFE000  }
0x5b: {  	[tilespmem:s14], [sflag:$0x1] =	stream.indirect.gather [hbm4b:s7+s13], $0x40, s30, s13, $0xb8;
	[tilespmem:$0x1C000] =	vst v63  }
0x5c: {  	_ =	swait.ge [sflag:s26], $0x2000  }
0x5d: {  	[sflag:s26] =	ssyncset.done $0x0  }
0x5e: {  	s30 =	sadd.s32 $0x280, s18;
	[sflag:s26] =	ssyncadd.s32 $0xFFFFE000  }
0x5f: {  	[tilespmem:s15], [sflag:$0x2] =	stream.indirect.gather [hbm4b:s7+s13], $0x40, s30, s13, $0xb8;
	[tilespmem:$0x1C000] =	vst v63  }
0x60: {  	_ =	swait.ge [sflag:s28], $0x2000  }
0x61: {  	[sflag:s28] =	ssyncset.done $0x0  }
.Ltmp0:
0x62: {  	s30 =	sadd.s32 $0x300, s18;
	[sflag:s28] =	ssyncadd.s32 $0xFFFFE000;
	(pc) =	sbr.rel @p0 .LBB2_2-.Ltmp0, $4  }
0x63: {  	[tilespmem:s17], [sflag:$0x3] =	stream.indirect.gather [hbm4b:s7+s13], $0x40, s30, s13, $0xb8;
	[tilespmem:$0x1C000] =	vst v63  }
0x64: {  	_ =	swait.ge [sflag:s29], $0x2000  }
0x65: {  	[sflag:s29] =	ssyncset.done $0x0  }
0x66: {  	s18 =	sadd.s32 $0x380, s18;
	[sflag:s29] =	ssyncadd.s32 $0xFFFFE000  }
0x67: {  	[tilespmem:s19], [sflag:$0x4] =	stream.indirect.gather [hbm4b:s7+s13], $0x40, s18, s13, $0xb8;
	[tilespmem:$0x1C000] =	vst v63  }
0x68: {  	_ =	swait.ge [sflag:s20], $0x2000  }
0x69: {  	[sflag:s20] =	ssyncset.done $0x0  }
0x6a: {  	s16 =	simm.s32 $0x9E00;
	[sflag:s20] =	ssyncadd.s32 $0xFFFFE000  }
0x6b: {  	[spmem:s2] =	stream.indirect.scatter.add.bf16 [tilespmem:s14], [sflag:$0x5], $0x40, s16, s13, $0xb8;
	[tilespmem:$0x1C000] =	vst v63  }
0x6c: {  	_ =	swait.ge [sflag:s21], $0x2000  }
0x6d: {  	[sflag:s21] =	ssyncset.done $0x0  }
0x6e: {  	[sflag:s21] =	ssyncadd.s32 $0xFFFFE000  }
0x6f: {  	[spmem:s2] =	stream.indirect.scatter.add.bf16 [tilespmem:s15], [sflag:$0x6], $0x40, s31, s13, $0xb8;
	[tilespmem:$0x1C000] =	vst v63  }
0x70: {  	_ =	swait.ge [sflag:s22], $0x2000  }
0x71: {  	[sflag:s22] =	ssyncset.done $0x0  }
0x72: {  	[sflag:s22] =	ssyncadd.s32 $0xFFFFE000  }
0x73: {  	[spmem:s2] =	stream.indirect.scatter.add.bf16 [tilespmem:s17], [sflag:$0x7], $0x40, s0, s13, $0xb8;
	[tilespmem:$0x1C000] =	vst v63  }
0x74: {  	_ =	swait.ge [sflag:s23], $0x2000  }
0x75: {  	[sflag:s23] =	ssyncset.done $0x0  }
0x76: {  	[sflag:s23] =	ssyncadd.s32 $0xFFFFE000  }
0x77: {  	[spmem:s2] =	stream.indirect.scatter.add.bf16 [tilespmem:s19], [sflag:$0x8], $0x40, s1, s13, $0xb8;
	[tilespmem:$0x1C000] =	vst v63  }
0x78: {  	_ =	swait.ge [sflag:s25], $0x2000  }
0x79: {  	[sflag:s25] =	ssyncset.done $0x0  }
0x7a: {  	[sflag:s25] =	ssyncadd.s32 $0xFFFFE000  }
0x7b: {  	_ =	swait.ge [sflag:s26], $0x2000  }
0x7c: {  	[sflag:s26] =	ssyncset.done $0x0  }
0x7d: {  	[sflag:s26] =	ssyncadd.s32 $0xFFFFE000  }
0x7e: {  	_ =	swait.ge [sflag:s28], $0x2000  }
0x7f: {  	[sflag:s28] =	ssyncset.done $0x0  }
0x80: {  	[sflag:s28] =	ssyncadd.s32 $0xFFFFE000  }
0x81: {  	_ =	swait.ge [sflag:s29], $0x2000  }
0x82: {  	s10 =	sadd.s32 $0x1, s10;
	[sflag:s29] =	ssyncset.done $0x0  }
0x83: {  	p0 =	sne.s32 s10, s8;
	[sflag:s29] =	ssyncadd.s32 $0xFFFFE000  }
.Ltmp1:
0x84: {  	[bflag:$0x0] =	sbarrier.arrive $0xFFFF;
	(pc) =	sbr.rel @p0 .LBB2_1-.Ltmp1, $4  }
0x85: {  	[hbm:s24], [sflag:s11] =	dma.local [spmem:s12], $0x1400  }
0x86: {  	_ =	swait.ge [sflag:s9], $0x1400  }
0x87: {  	[sflag:s9] =	ssyncset.done $0x0  }
0x88: {  	[sflag:s9] =	ssyncadd.s32 $0xFFFFEC00  }
0x89: {  	_ =	sfence.sel $0x180000  }
0x8a: {  	[bflag:$0x0] =	sbarrier.arrive $0xFFFF  }
0x8b: {  	_ =	strace $0x9000004A  }
0x8c: {  	s0 =	stileid.u32;
	[bflag:$0x2] =	sbarrier.arrive $0xFFFF  }
0x8d: {  	p0 =	sne.s32 s0, $0x0;
	s0 =	rddreg [dreg:$0x3]  }
0x8e: {  	s0 =	sadd.s32 @!p0 $0x100000, s0  }
0x8f: {  	[sflag:s0] =	ssyncadd.tile.s32 @!p0 $0x1;
	_ =	shalt  }
.Lfunc_end2:
_tile_overlayer_lowered:
.L_overlay_start_2:
0x90: {  	(tag) =	ssettag $0x2  }
0x91: {  	s0 =	rddreg [dreg:$0x0];
	s2 =	stileid.u32  }
0x92: {  	s1 =	rddreg [dreg:$0x1];
	p0 =	sne.s32 s2, $0x0  }
0x93: {  	s3 =	rddreg [dreg:$0x2];
	[bflag:$0x3] =	sbarrier.arrive $0xFFFF;
	s2 =	simm.s32 @!p0 $0x1C09  }
0x94: {  	[timem:s3], [sflag:s2] =	dma.local @!p0 [hbm:s0], s1  }
0x95: {  	s0 =	simm.s32 @!p0 $0x9  }
0x96: {  	_ =	swait.ge @!p0 [sflag:s0], s1  }
0x97: {  	s1 =	ssub.s32 @!p0 $0x0, s1;
	[sflag:s0] =	ssyncset.done @!p0 $0x0  }
0x98: {  	[sflag:s0] =	ssyncadd.s32 @!p0 s1  }
0x99: {  	[bflag:$0x3] =	sbarrier.arrive $0xFFFF  }
0x9a: {  	_ =	shalt  }

// kernel: kernel.14.cloned.1.call-start
scs
__scs_entry_jumppad:
0x0: {  	(pc) =	sbr.rel $0x88, $3  }
0x1: {  	(tag) =	ssettag $0x0;
	lr =	simm.s32 $0x1  }
0x2: {  	[smem:$0x3F9B] =	sst lr;
	_ =	strace $0xD0000000  }
0x3: {  	_ = 	snop  }
0x4: {  	_ = 	snop  }
0x5: {  	_ = 	snop  }
0x6: {  	_ = 	snop  }
0x7: {  	_ = 	snop  }
__scs_overlays_trampoline_lowered:
0x8: {  	[smem:$0x3FAA] =	sst s0  }
0x9: {  	[smem:$0x3FAB] =	sst s1  }
0xa: {  	[smem:$0x3FAC] =	sst s2  }
0xb: {  	[smem:$0x3FAD] =	sst s3  }
0xc: {  	[smem:$0x3FAE] =	sst s4  }
0xd: {  	[smem:$0x3FAF] =	sst s5  }
0xe: {  	[smem:$0x3FB0] =	sst s6  }
0xf: {  	[smem:$0x3FB1] =	sst s7  }
0x10: {  	[smem:$0x3FB2] =	sst s8  }
0x11: {  	[smem:$0x3FB3] =	sst s9;
	s0 =	simm.s32 @!p0 $0x0  }
0x12: {  	s1 =	sld [smem:$0x3F99];
	s0 =	simm.s32 @p0 $0x1  }
0x13: {  	[smem:$0x3FB4] =	sst s0;
	s0 =	simm.s32 @!p1 $0x0  }
0x14: {  	s2 =	sld [smem:$0x3F98];
	s0 =	simm.s32 @p1 $0x1  }
0x15: {  	[smem:$0x3FB5] =	sst s0;
	s0 =	simm.s32 @!p2 $0x0  }
0x16: {  	s3 =	sld [smem:$0x3FDB];
	s0 =	simm.s32 @p2 $0x1  }
0x17: {  	s4 =	simm.s32 $0x1BF5;
	[smem:$0x3FB7] =	sst s0  }
0x18: {  	s0 =	sld [smem:$0x3F9A];
	_ =	swait.ge [sflag:s4], $0x0  }
0x19: {  	s7 =	sld [smem:$0x3F9B]  }
0x1a: {  	s8 =	sadd.s32 $0xFFFFE003, lr  }
0x1b: {  	s9 =	sadd.s32 $0xFFFFFEF7, lr;
	s5 =	simm.s32 $0xFFFFFFFF;
	p2 =	slt.u32 s8, $0xFFFFF086  }
0x1c: {  	p1 =	slt.u32 s9, $0xF7A;
	s5 =	simm.s32 @!p2 $0x0  }
0x1d: {  	s5 =	simm.s32 @p1 $0x1;
	p0 =	seq.s32 s7, s2  }
0x1e: {  	s7 =	smul.u32 @!p0 $0xF7A, s2;
	p2 =	seq.s32 @!p0 s5, $0x0  }
0x1f: {  	s9 =	smul.u32 $0xF7A, s1;
	s8 =	simm.s32 @!p0 $0x1BF5;
	p2 =	por !p2, p0  }
0x20: {  	[sflag:s8] =	ssyncset.s32 @!p0 $0xFFFFF086;
	s6 =	sadd.s32 @!p0 s3, s7;
	s7 =	simm.s32 @!p0 $0x108  }
0x21: {  	s3 =	sadd.s32 s3, s9;
	s6 =	sadd.s32 @!p0 $0x88, s6;
	s7 =	simm.s32 @p2 $0x1082  }
0x22: {  	[simem:s7], [sflag:s8] =	dma.local @!p0 [hbm:s6], $0xF7A  }
0x23: {  	s9 =	sor.u32 $0xD0000000, s2;
	s6 =	simm.s32 $0x108;
	_ =	swait.ge @!p0 [sflag:s8], $0x0  }
0x24: {  	s3 =	sadd.s32 $0x88, s3;
	s6 =	simm.s32 @!p1 $0x1082;
	[sflag:s4] =	ssyncset.s32 $0xFFFFF086  }
0x25: {  	[simem:s6], [sflag:s4] =	dma.local [hbm:s3], $0xF7A  }
0x26: {  	[smem:$0x3F9B] =	sst s1;
	(tag) =	ssettag s2;
	_ =	strace s9  }
0x27: {  	s1 =	sld [smem:$0x3FAB]  }
0x28: {  	s2 =	sld [smem:$0x3FAC]  }
0x29: {  	s4 =	sld [smem:$0x3FAE]  }
0x2a: {  	p0 =	seq.s32 s5, $0x0;
	s5 =	sld [smem:$0x3FAF]  }
0x2b: {  	s6 =	sld [smem:$0x3FB0]  }
0x2c: {  	s7 =	sld [smem:$0x3FB1]  }
0x2d: {  	s3 =	simm.s32 $0x108;
	s8 =	sld [smem:$0x3FB2]  }
0x2e: {  	s3 =	simm.s32 @!p0 $0x1082;
	s9 =	sld [smem:$0x3FB3]  }
0x2f: {  	lr =	sadd.s32 s0, s3;
	s0 =	sld [smem:$0x3FAA]  }
0x30: {  	s3 =	sld [smem:$0x3FAD]  }
0x31: {  	[smem:$0x3FB6] =	sst s10  }
0x32: {  	s10 =	sld [smem:$0x3FB4];
	_ =	sdelay $0x3  }
0x33: {  	p0 =	seq.s32 s10, $0x1;
	s10 =	sld [smem:$0x3FB6];
	_ =	sdelay $0x3  }
0x34: {  	[smem:$0x3FB6] =	sst s10  }
0x35: {  	s10 =	sld [smem:$0x3FB5];
	_ =	sdelay $0x3  }
0x36: {  	p1 =	seq.s32 s10, $0x1;
	s10 =	sld [smem:$0x3FB6];
	_ =	sdelay $0x3  }
0x37: {  	[smem:$0x3FB6] =	sst s10  }
0x38: {  	s10 =	sld [smem:$0x3FB7]  }
0x39: {  	_ = 	snop;
	(pc) =	sbr.ind lr, $3  }
0x3a: {  	_ = 	snop  }
0x3b: {  	_ = 	snop  }
0x3c: {  	p2 =	seq.s32 s10, $0x1;
	s10 =	sld [smem:$0x3FB6]  }
0x3d: {  	_ =	shalt  }
0x3e: {  	_ =	shalt  }
0x3f: {  	_ =	shalt  }
0x40: {  	_ =	shalt  }
0x41: {  	_ =	shalt  }
0x42: {  	_ =	shalt  }
0x43: {  	_ =	shalt  }
0x44: {  	_ =	shalt  }
0x45: {  	_ =	shalt  }
0x46: {  	_ =	shalt  }
0x47: {  	_ =	shalt  }
0x48: {  	_ =	shalt  }
0x49: {  	_ =	shalt  }
0x4a: {  	_ =	shalt  }
0x4b: {  	_ =	shalt  }
0x4c: {  	_ =	shalt  }
0x4d: {  	_ =	shalt  }
0x4e: {  	_ =	shalt  }
0x4f: {  	_ =	shalt  }
0x50: {  	_ =	shalt  }
0x51: {  	_ =	shalt  }
0x52: {  	_ =	shalt  }
0x53: {  	_ =	shalt  }
0x54: {  	_ =	shalt  }
0x55: {  	_ =	shalt  }
0x56: {  	_ =	shalt  }
0x57: {  	_ =	shalt  }
0x58: {  	_ =	shalt  }
0x59: {  	_ =	shalt  }
0x5a: {  	_ =	shalt  }
0x5b: {  	_ =	shalt  }
0x5c: {  	_ =	shalt  }
0x5d: {  	_ =	shalt  }
0x5e: {  	_ =	shalt  }
0x5f: {  	_ =	shalt  }
0x60: {  	_ =	shalt  }
0x61: {  	_ =	shalt  }
0x62: {  	_ =	shalt  }
0x63: {  	_ =	shalt  }
0x64: {  	_ =	shalt  }
0x65: {  	_ =	shalt  }
0x66: {  	_ =	shalt  }
0x67: {  	_ =	shalt  }
0x68: {  	_ =	shalt  }
0x69: {  	_ =	shalt  }
0x6a: {  	_ =	shalt  }
0x6b: {  	_ =	shalt  }
0x6c: {  	_ =	shalt  }
0x6d: {  	_ =	shalt  }
0x6e: {  	_ =	shalt  }
0x6f: {  	_ =	shalt  }
0x70: {  	_ =	shalt  }
0x71: {  	_ =	shalt  }
0x72: {  	_ =	shalt  }
0x73: {  	_ =	shalt  }
0x74: {  	_ =	shalt  }
0x75: {  	_ =	shalt  }
0x76: {  	_ =	shalt  }
0x77: {  	_ =	shalt  }
0x78: {  	_ =	shalt  }
0x79: {  	_ =	shalt  }
0x7a: {  	_ =	shalt  }
0x7b: {  	_ =	shalt  }
0x7c: {  	_ =	shalt  }
0x7d: {  	_ =	shalt  }
0x7e: {  	_ =	shalt  }
0x7f: {  	_ =	shalt  }
0x80: {  	_ =	shalt  }
0x81: {  	_ =	shalt  }
0x82: {  	_ =	shalt  }
0x83: {  	_ =	shalt  }
0x84: {  	_ =	shalt  }
0x85: {  	_ =	shalt  }
0x86: {  	_ =	shalt  }
0x87: {  	_ =	shalt  }
.Lfunc_end0:
.L_simem_size_0:
called_computation.2_lowered:
.L_overlay_start_0:
0x88: {  	s2 =	sld [smem:$0x3FD9]  }
0x89: {  	s3 =	sld [smem:$0x3FFE];
	_ =	sdelay $0x1  }
0x8a: {  	s1 =	srdreg.scid  }
0x8b: {  	s0 =	sand.u32 $0x1, s1  }
0x8c: {  	s17 =	sshll.u32 s0, $0xA;
	s2 =	sadd.s32 s3, s2  }
0x8d: {  	s2 =	sadd.s32 s2, s17  }
0x8e: {  	[smem:$0x3FC2] =	sst s2  }
0x8f: {  	_ = 	snop  }
0x90: {  	s2 =	sld [smem:$0x3FD0];
	(tm) =	ssettm $0x1  }
0x91: {  	s18 =	sld [smem:$0x3FFB];
	_ =	sdelay $0x3  }
0x92: {  	_ =	strace s18  }
0x93: {  	s3 =	sld [smem:$0x3FFC];
	_ =	sdelay $0x3  }
0x94: {  	_ =	strace s3  }
0x95: {  	s3 =	sld [smem:$0x3FFD];
	_ =	sdelay $0x3  }
0x96: {  	_ =	strace s3  }
0x97: {  	_ =	strace $0x8FFFFFFF  }
0x98: {  	s19 =	sld [smem:$0x3FDB];
	_ =	sdelay $0x1  }
0x99: {  	s4 =	simm.s32 $_scs_section_size  }
0x9a: {  	s5 =	simm.s32 $_size__tile_overlayer_lowered;
	s6 =	simm.s32 $_tile_overlayer_lowered  }
0x9b: {  	s22 =	simm.s32 $0x1BFF;
	s21 =	sshll.u32 s6, $0x1;
	s3 =	sadd.s32 s4, s19  }
0x9c: {  	s7 =	simm.s32 $0x0;
	s20 =	sshll.u32 s5, $0x1;
	s5 =	sadd.s32 s21, s3  }
0x9d: {  	[timem:s7], [sflag:s22] =	dma.local [hbm:s5], s20  }
0x9e: {  	_ =	swait.ge [sflag:s22], s20  }
0x9f: {  	s4 =	ssub.s32 $0x0, s20;
	[sflag:s22] =	ssyncset.done $0x0  }
0xa0: {  	[sflag:s22] =	ssyncadd.s32 s4;
	_ =	sdelay $0x1  }
0xa1: {  	s23 =	simm.s32 $0x1B8B  }
0xa2: {  	_ =	swait.ge [sflag:s23], $0x1  }
0xa3: {  	[sflag:s23] =	ssyncset.done $0x0  }
0xa4: {  	s25 =	simm.s32 $0x1B8E;
	s24 =	sld [smem:$0x3FFE];
	[sflag:s23] =	ssyncadd.s32 $0xFFFFFFFF  }
0xa5: {  	s26 =	simm.s32 $execute0_lowered;
	[smem:$0x3FD2] =	sst s25  }
0xa6: {  	s5 =	sshll.u32 s26, $0x1;
	_ =	strace $0x8000004C;
	[dreg:$0x1] =	wrdreg $0xFFFFFFFF  }
0xa7: {  	s28 =	simm.s32 $_size_execute0_lowered;
	s3 =	sadd.s32 s3, s5;
	[dreg:$0x0] =	wrdreg $0x0  }
0xa8: {  	s5 =	sshll.u32 s28, $0x1;
	[dreg:$0x2] =	wrdreg s3  }
0xa9: {  	[dreg:$0x3] =	wrdreg s5  }
0xaa: {  	[dreg:$0x4] =	wrdreg $0xC0  }
0xab: {  	_ =	task [dreg:s7], $0x5FFFF  }
0xac: {  	[dreg:$0x1] =	wrdreg $0xFFFFFFFF  }
0xad: {  	[dreg:$0x0] =	wrdreg $0x60  }
0xae: {  	[dreg:$0x2] =	wrdreg s24  }
0xaf: {  	[dreg:$0x3] =	wrdreg s2  }
0xb0: {  	[dreg:$0x4] =	wrdreg $0xD0000  }
0xb1: {  	[dreg:$0x5] =	wrdreg $0x9  }
0xb2: {  	_ =	task.clear_ibuf [dreg:s7], $0x6FFFF;
	_ =	strace $0x9000004C  }
0xb3: {  	s29 =	simm.s32 $0x9;
	_ =	strace $0x8000004E  }
0xb4: {  	_ =	swait.ge [sflag:s29], $0x1  }
0xb5: {  	[sflag:s29] =	ssyncadd.s32 $0xFFFFFFFF  }
0xb6: {  	_ =	strace $0x9000004E  }
0xb7: {  	_ =	sfence  }
0xb8: {  	s30 =	sld [smem:$0x0];
	_ =	sdelay $0x2  }
0xb9: {  	s31 =	sshll.u32 s1, $0xD;
	s1 =	sshrl.u32 s1, $0x2  }
0xba: {  	s3 =	sand.u32 $0x4000, s31;
	s1 =	sadd.s32 s1, s30  }
0xbb: {  	s0 =	sor.u32 s3, s0;
	s1 =	sshll.u32 s1, $0x11  }
0xbc: {  	s0 =	sor.u32 s1, s0  }
0xbd: {  	s0 =	sadd.s32 $0x8F2B, s0  }
0xbe: {  	[sflag:s0] =	ssyncadd.remote.s32 $0x1  }
0xbf: {  	_ =	sfence.sel $0xFFFF  }
0xc0: {  	[dreg:$0x0] =	wrdreg $0xFFFFFFFF;
	(pc) =	sbr.abs _section_cstart, $3  }
0xc1: {  	[dreg:$0x1] =	wrdreg $0xFFFFFFFF  }
0xc2: {  	_ =	task.clear_ibuf [dreg:s7], $0x2FFFF;
	_ =	strace $0x9FFFFFFF  }
0xc3: {  	(tm) =	ssettm $0x7FFFFFFF  }
tec
execute0_lowered:
.L_overlay_start_1:
0x0: {  	(tag) =	ssettag $0x1  }
0x1: {  	s1 =	rddreg [dreg:$0x0]  }
0x2: {  	s0 =	srdreg.scid;
	s3 =	rddreg [dreg:$0x1]  }
0x3: {  	s11 =	stileid.u32;
	s2 =	rddreg [dreg:$0x2]  }
0x4: {  	s6 =	simm.s32 $0x0;
	s12 =	simm.s32 $0x11;
	s13 =	simm.s32 $0x80  }
0x5: {  	s14 =	simm.s32 $0x5000;
	s15 =	simm.s32 $0x6000;
	s17 =	simm.s32 $0x7000  }
0x6: {  	s19 =	simm.s32 $0x8000;
	s29 =	simm.s32 $0xC000;
	s30 =	simm.s32 $0x1  }
0x7: {  	s31 =	simm.s32 $0x2;
	s16 =	simm.s32 $0x6;
	s18 =	simm.s32 $0x7  }
0x8: {  	s28 =	simm.s32 $0xB;
	s0 =	sand.u32 $0x1, s0;
	[smem:$0x7FF] =	sst s6  }
0x9: {  	s20 =	smul.u32 $0xA000, s11;
	s25 =	sshll.u32 s11, $0x6;
	s4 =	sshll.u32 s0, $0x4  }
0xa: {  	_ =	strace $0x8000004D;
	s7 =	smul.u32 $0xA000, s0;
	s0 =	ssub.s32 $0x2, s0  }
0xb: {  	s4 =	sor.u32 s11, s4;
	s10 =	sshrl.u32 s20, $0x4;
	s21 =	sshrl.u32 s0, $0x1  }
0xc: {  	s6 =	sshrl.u32 s20, $0x1;
	s11 =	sor.u32 $0x1C11, s25;
	s20 =	simm.s32 $0x8  }
0xd: {  	s25 =	simm.s32 $0xA;
	s5 =	smul.u32 $0x500, s4;
	s4 =	sadd.s32 $0x1A200, s1  }
0xe: {  	s9 =	sadd.s32 s10, s1;
	s0 =	ssub.s32 s0, s21;
	s23 =	sadd.s32 s6, s2  }
0xf: {  	s21 =	simm.s32 $0x9000;
	s6 =	simm.s32 $0xD;
	[dreg:$0xb] =	wrdreg s11  }
0x10: {  	s24 =	sadd.s32 $0x1200, s9;
	s0 =	smax.u32 s0, $0x1;
	s9 =	sshrl.u32 s23, $0x3  }
0x11: {  	s23 =	simm.s32 $0xA000;
	s8 =	sadd.s32 s5, s1;
	[dreg:$0x6] =	wrdreg s24  }
0x12: {  	s1 =	sadd.s32 s7, s1;
	s3 =	sadd.s32 s3, s5;
	[dreg:$0x7] =	wrdreg s0  }
0x13: {  	s0 =	simm.s32 $0x4;
	s5 =	simm.s32 $0xC;
	s7 =	simm.s32 $0xE  }
0x14: {  	s24 =	simm.s32 $0x10;
	[dreg:$0x8] =	wrdreg s9;
	s22 =	sadd.s32 $0x10200, s8  }
0x15: {  	[dreg:$0x5] =	wrdreg s3;
	s1 =	sadd.s32 $0x24200, s1;
	s8 =	simm.s32 $0xF  }
0x16: {  	s3 =	simm.s32 $0x0;
	[dreg:$0x4] =	wrdreg s22;
	s26 =	sadd.s32 s10, s1  }
0x17: {  	s1 =	simm.s32 $0x3;
	s10 =	simm.s32 $0x5;
	[dreg:$0xa] =	wrdreg s3  }
0x18: {  	s22 =	simm.s32 $0x9;
	[dreg:$0x9] =	wrdreg s26;
	s26 =	simm.s32 $0xB000  }
.LBB2_1:
0x19: {  	s3 =	simm.s32 $0x0;
	s11 =	rddreg [dreg:$0x4]  }
0x1a: {  	[tilespmem:s3], [sflag:$0x11] =	stream.linear.gather [hbm4b:s11+s3], $0x2800, $0x38;
	[tilespmem:$0x12000] =	vst v63  }
0x1b: {  	_ =	swait.ge [sflag:s12], $0x2800  }
0x1c: {  	s9 =	simm.s32 $0x0;
	[sflag:s12] =	ssyncset.done $0x0  }
0x1d: {  	s3 =	simm.s32 $0x2800;
	s11 =	rddreg [dreg:$0x5];
	[sflag:s12] =	ssyncadd.s32 $0xFFFFD800  }
0x1e: {  	[tilespmem:s3], [sflag:$0x11] =	stream.linear.gather [hbm4b:s11+s9], $0x2800, $0x38;
	[tilespmem:$0x12000] =	vst v63  }
0x1f: {  	_ =	swait.ge [sflag:s12], $0x2800  }
0x20: {  	s11 =	rddreg [dreg:$0x6]  }
0x21: {  	[sflag:s12] =	ssyncset.done $0x0;
	s9 =	rddreg [dreg:$0x8]  }
0x22: {  	s3 =	rddreg [dreg:$0xb];
	[sflag:s12] =	ssyncadd.s32 $0xFFFFD800  }
0x23: {  	[spmem:s9], [sflag:s3] =	dma.local [hbm:s11], $0xA00  }
0x24: {  	_ =	swait.ge [sflag:s12], $0xA00  }
0x25: {  	[sflag:s12] =	ssyncset.done $0x0  }
0x26: {  	[sflag:s12] =	ssyncadd.s32 $0xFFFFF600  }
0x27: {  	s12 =	simm.s32 $0x0;
	[bflag:$0x0] =	sbarrier.arrive $0xFFFF  }
0x28: {  	[tilespmem:s14], [sflag:$0x1] =	stream.indirect.gather [hbm4b:s4+s13], $0x20, s12, s13, $0xb8;
	[tilespmem:$0x12000] =	vst v63  }
0x29: {  	_ = 	snop  }
0x2a: {  	[tilespmem:s15], [sflag:$0x2] =	stream.indirect.gather [hbm4b:s4+s13], $0x20, s13, s13, $0xb8;
	[tilespmem:$0x12000] =	vst v63  }
0x2b: {  	s9 =	simm.s32 $0x100  }
0x2c: {  	[tilespmem:s17], [sflag:$0x3] =	stream.indirect.gather [hbm4b:s4+s13], $0x20, s9, s13, $0xb8;
	[tilespmem:$0x12000] =	vst v63  }
0x2d: {  	s11 =	simm.s32 $0x180  }
0x2e: {  	[tilespmem:s19], [sflag:$0x4] =	stream.indirect.gather [hbm4b:s4+s13], $0x20, s11, s13, $0xb8;
	[tilespmem:$0x12000] =	vst v63  }
0x2f: {  	s12 =	simm.s32 $0x200  }
0x30: {  	[tilespmem:s21], [sflag:$0x5] =	stream.indirect.gather [hbm4b:s4+s13], $0x20, s12, s13, $0xb8;
	[tilespmem:$0x12000] =	vst v63  }
0x31: {  	s9 =	simm.s32 $0x280  }
0x32: {  	[tilespmem:s23], [sflag:$0x6] =	stream.indirect.gather [hbm4b:s4+s13], $0x20, s9, s13, $0xb8;
	[tilespmem:$0x12000] =	vst v63  }
0x33: {  	s11 =	simm.s32 $0x300  }
0x34: {  	[tilespmem:s26], [sflag:$0x7] =	stream.indirect.gather [hbm4b:s4+s13], $0x20, s11, s13, $0xb8;
	[tilespmem:$0x12000] =	vst v63  }
0x35: {  	s12 =	simm.s32 $0x380  }
0x36: {  	[tilespmem:s29], [sflag:$0x8] =	stream.indirect.gather [hbm4b:s4+s13], $0x20, s12, s13, $0xb8;
	[tilespmem:$0x12000] =	vst v63  }
0x37: {  	_ =	swait.ge [sflag:s30], $0x1000  }
0x38: {  	[sflag:s30] =	ssyncset.done $0x0  }
0x39: {  	s3 =	simm.s32 $0x2800;
	[sflag:s30] =	ssyncadd.s32 $0xFFFFF000  }
0x3a: {  	[spmem:s2] =	stream.indirect.scatter.add.bf16 [tilespmem:s14], [sflag:$0x9], $0x20, s3, s13, $0xb8;
	[tilespmem:$0x12000] =	vst v63  }
0x3b: {  	_ =	swait.ge [sflag:s31], $0x1000  }
0x3c: {  	[sflag:s31] =	ssyncset.done $0x0  }
0x3d: {  	s9 =	simm.s32 $0x2880;
	[sflag:s31] =	ssyncadd.s32 $0xFFFFF000  }
0x3e: {  	[spmem:s2] =	stream.indirect.scatter.add.bf16 [tilespmem:s15], [sflag:$0xA], $0x20, s9, s13, $0xb8;
	[tilespmem:$0x12000] =	vst v63  }
0x3f: {  	_ =	swait.ge [sflag:s1], $0x1000  }
0x40: {  	[sflag:s1] =	ssyncset.done $0x0  }
0x41: {  	s12 =	simm.s32 $0x2900;
	[sflag:s1] =	ssyncadd.s32 $0xFFFFF000  }
0x42: {  	[spmem:s2] =	stream.indirect.scatter.add.bf16 [tilespmem:s17], [sflag:$0xB], $0x20, s12, s13, $0xb8;
	[tilespmem:$0x12000] =	vst v63  }
0x43: {  	_ =	swait.ge [sflag:s0], $0x1000  }
0x44: {  	[sflag:s0] =	ssyncset.done $0x0  }
0x45: {  	s3 =	simm.s32 $0x2980;
	[sflag:s0] =	ssyncadd.s32 $0xFFFFF000  }
0x46: {  	[spmem:s2] =	stream.indirect.scatter.add.bf16 [tilespmem:s19], [sflag:$0xC], $0x20, s3, s13, $0xb8;
	[tilespmem:$0x12000] =	vst v63  }
0x47: {  	_ =	swait.ge [sflag:s10], $0x1000  }
0x48: {  	[sflag:s10] =	ssyncset.done $0x0  }
0x49: {  	s9 =	simm.s32 $0x2A00;
	[sflag:s10] =	ssyncadd.s32 $0xFFFFF000  }
0x4a: {  	[spmem:s2] =	stream.indirect.scatter.add.bf16 [tilespmem:s21], [sflag:$0xD], $0x20, s9, s13, $0xb8;
	[tilespmem:$0x12000] =	vst v63  }
0x4b: {  	_ =	swait.ge [sflag:s16], $0x1000  }
0x4c: {  	[sflag:s16] =	ssyncset.done $0x0  }
0x4d: {  	s12 =	simm.s32 $0x2A80;
	[sflag:s16] =	ssyncadd.s32 $0xFFFFF000  }
0x4e: {  	[spmem:s2] =	stream.indirect.scatter.add.bf16 [tilespmem:s23], [sflag:$0xE], $0x20, s12, s13, $0xb8;
	[tilespmem:$0x12000] =	vst v63  }
0x4f: {  	_ =	swait.ge [sflag:s18], $0x1000  }
0x50: {  	[sflag:s18] =	ssyncset.done $0x0  }
0x51: {  	s3 =	simm.s32 $0x2B00;
	[sflag:s18] =	ssyncadd.s32 $0xFFFFF000  }
0x52: {  	[spmem:s2] =	stream.indirect.scatter.add.bf16 [tilespmem:s26], [sflag:$0xF], $0x20, s3, s13, $0xb8;
	[tilespmem:$0x12000] =	vst v63  }
0x53: {  	_ =	swait.ge [sflag:s20], $0x1000  }
0x54: {  	[sflag:s20] =	ssyncset.done $0x0  }
0x55: {  	s9 =	simm.s32 $0x2B80;
	[sflag:s20] =	ssyncadd.s32 $0xFFFFF000  }
0x56: {  	[spmem:s2] =	stream.indirect.scatter.add.bf16 [tilespmem:s29], [sflag:$0x10], $0x20, s9, s13, $0xb8;
	[tilespmem:$0x12000] =	vst v63  }
0x57: {  	_ =	swait.ge [sflag:s22], $0x1000  }
0x58: {  	[sflag:s22] =	ssyncset.done $0x0  }
0x59: {  	s12 =	simm.s32 $0x400;
	[sflag:s22] =	ssyncadd.s32 $0xFFFFF000  }
0x5a: {  	[tilespmem:s14], [sflag:$0x1] =	stream.indirect.gather [hbm4b:s4+s13], $0x20, s12, s13, $0xb8;
	[tilespmem:$0x12000] =	vst v63  }
0x5b: {  	_ =	swait.ge [sflag:s25], $0x1000  }
0x5c: {  	[sflag:s25] =	ssyncset.done $0x0  }
0x5d: {  	s3 =	simm.s32 $0x480;
	[sflag:s25] =	ssyncadd.s32 $0xFFFFF000  }
0x5e: {  	[tilespmem:s15], [sflag:$0x2] =	stream.indirect.gather [hbm4b:s4+s13], $0x20, s3, s13, $0xb8;
	[tilespmem:$0x12000] =	vst v63  }
0x5f: {  	_ =	swait.ge [sflag:s28], $0x1000  }
0x60: {  	[sflag:s28] =	ssyncset.done $0x0  }
0x61: {  	s9 =	simm.s32 $0x500;
	[sflag:s28] =	ssyncadd.s32 $0xFFFFF000  }
0x62: {  	[tilespmem:s17], [sflag:$0x3] =	stream.indirect.gather [hbm4b:s4+s13], $0x20, s9, s13, $0xb8;
	[tilespmem:$0x12000] =	vst v63  }
0x63: {  	_ =	swait.ge [sflag:s5], $0x1000  }
0x64: {  	[sflag:s5] =	ssyncset.done $0x0  }
0x65: {  	s12 =	simm.s32 $0x580;
	[sflag:s5] =	ssyncadd.s32 $0xFFFFF000  }
0x66: {  	[tilespmem:s19], [sflag:$0x4] =	stream.indirect.gather [hbm4b:s4+s13], $0x20, s12, s13, $0xb8;
	[tilespmem:$0x12000] =	vst v63  }
0x67: {  	_ =	swait.ge [sflag:s6], $0x1000  }
0x68: {  	[sflag:s6] =	ssyncset.done $0x0  }
0x69: {  	s3 =	simm.s32 $0x600;
	[sflag:s6] =	ssyncadd.s32 $0xFFFFF000  }
0x6a: {  	[tilespmem:s21], [sflag:$0x5] =	stream.indirect.gather [hbm4b:s4+s13], $0x20, s3, s13, $0xb8;
	[tilespmem:$0x12000] =	vst v63  }
0x6b: {  	_ =	swait.ge [sflag:s7], $0x1000  }
0x6c: {  	[sflag:s7] =	ssyncset.done $0x0  }
0x6d: {  	s9 =	simm.s32 $0x680;
	[sflag:s7] =	ssyncadd.s32 $0xFFFFF000  }
0x6e: {  	[tilespmem:s23], [sflag:$0x6] =	stream.indirect.gather [hbm4b:s4+s13], $0x20, s9, s13, $0xb8;
	[tilespmem:$0x12000] =	vst v63  }
0x6f: {  	_ =	swait.ge [sflag:s8], $0x1000  }
0x70: {  	[sflag:s8] =	ssyncset.done $0x0  }
0x71: {  	s12 =	simm.s32 $0x700;
	[sflag:s8] =	ssyncadd.s32 $0xFFFFF000  }
0x72: {  	[tilespmem:s26], [sflag:$0x7] =	stream.indirect.gather [hbm4b:s4+s13], $0x20, s12, s13, $0xb8;
	[tilespmem:$0x12000] =	vst v63  }
0x73: {  	_ =	swait.ge [sflag:s24], $0x1000  }
0x74: {  	s11 =	simm.s32 $0x1000;
	[sflag:s24] =	ssyncset.done $0x0  }
0x75: {  	s12 =	simm.s32 $0x780;
	s3 =	rddreg [dreg:$0xb];
	[sflag:s24] =	ssyncadd.s32 $0xFFFFF000  }
.LBB2_2:
0x76: {  	[tilespmem:s29], [sflag:$0x8] =	stream.indirect.gather [hbm4b:s4+s13], $0x20, s12, s13, $0xb8;
	[tilespmem:$0x12000] =	vst v63  }
0x77: {  	s12 =	smov.u32 s11  }
0x78: {  	p0 =	sne.s32 s11, $0x8000;
	s11 =	sadd.s32 $0x1000, s11;
	_ =	swait.ge [sflag:s30], $0x1000  }
0x79: {  	s12 =	sshra.s32 s12, $0x2;
	[sflag:s30] =	ssyncset.done $0x0  }
0x7a: {  	s9 =	sadd.s32 $0x2800, s12;
	[sflag:s30] =	ssyncadd.s32 $0xFFFFF000  }
0x7b: {  	[spmem:s2] =	stream.indirect.scatter.add.bf16 [tilespmem:s14], [sflag:$0x9], $0x20, s9, s13, $0xb8;
	[tilespmem:$0x12000] =	vst v63  }
0x7c: {  	_ =	swait.ge [sflag:s31], $0x1000  }
0x7d: {  	[sflag:s31] =	ssyncset.done $0x0  }
0x7e: {  	s9 =	sadd.s32 $0x2880, s12;
	[sflag:s31] =	ssyncadd.s32 $0xFFFFF000  }
0x7f: {  	[spmem:s2] =	stream.indirect.scatter.add.bf16 [tilespmem:s15], [sflag:$0xA], $0x20, s9, s13, $0xb8;
	[tilespmem:$0x12000] =	vst v63  }
0x80: {  	_ =	swait.ge [sflag:s1], $0x1000  }
0x81: {  	[sflag:s1] =	ssyncset.done $0x0  }
0x82: {  	s9 =	sadd.s32 $0x2900, s12;
	[sflag:s1] =	ssyncadd.s32 $0xFFFFF000  }
0x83: {  	[spmem:s2] =	stream.indirect.scatter.add.bf16 [tilespmem:s17], [sflag:$0xB], $0x20, s9, s13, $0xb8;
	[tilespmem:$0x12000] =	vst v63  }
0x84: {  	_ =	swait.ge [sflag:s0], $0x1000  }
0x85: {  	[sflag:s0] =	ssyncset.done $0x0  }
0x86: {  	s9 =	sadd.s32 $0x2980, s12;
	[sflag:s0] =	ssyncadd.s32 $0xFFFFF000  }
0x87: {  	[spmem:s2] =	stream.indirect.scatter.add.bf16 [tilespmem:s19], [sflag:$0xC], $0x20, s9, s13, $0xb8;
	[tilespmem:$0x12000] =	vst v63  }
0x88: {  	_ =	swait.ge [sflag:s10], $0x1000  }
0x89: {  	[sflag:s10] =	ssyncset.done $0x0  }
0x8a: {  	s9 =	sadd.s32 $0x2A00, s12;
	[sflag:s10] =	ssyncadd.s32 $0xFFFFF000  }
0x8b: {  	[spmem:s2] =	stream.indirect.scatter.add.bf16 [tilespmem:s21], [sflag:$0xD], $0x20, s9, s13, $0xb8;
	[tilespmem:$0x12000] =	vst v63  }
0x8c: {  	_ =	swait.ge [sflag:s16], $0x1000  }
0x8d: {  	[sflag:s16] =	ssyncset.done $0x0  }
0x8e: {  	s9 =	sadd.s32 $0x2A80, s12;
	[sflag:s16] =	ssyncadd.s32 $0xFFFFF000  }
0x8f: {  	[spmem:s2] =	stream.indirect.scatter.add.bf16 [tilespmem:s23], [sflag:$0xE], $0x20, s9, s13, $0xb8;
	[tilespmem:$0x12000] =	vst v63  }
0x90: {  	_ =	swait.ge [sflag:s18], $0x1000  }
0x91: {  	[sflag:s18] =	ssyncset.done $0x0  }
0x92: {  	s9 =	sadd.s32 $0x2B00, s12;
	[sflag:s18] =	ssyncadd.s32 $0xFFFFF000  }
0x93: {  	[spmem:s2] =	stream.indirect.scatter.add.bf16 [tilespmem:s26], [sflag:$0xF], $0x20, s9, s13, $0xb8;
	[tilespmem:$0x12000] =	vst v63  }
0x94: {  	_ =	swait.ge [sflag:s20], $0x1000  }
0x95: {  	[sflag:s20] =	ssyncset.done $0x0  }
0x96: {  	s9 =	sadd.s32 $0x2B80, s12;
	[sflag:s20] =	ssyncadd.s32 $0xFFFFF000  }
0x97: {  	[spmem:s2] =	stream.indirect.scatter.add.bf16 [tilespmem:s29], [sflag:$0x10], $0x20, s9, s13, $0xb8;
	[tilespmem:$0x12000] =	vst v63  }
0x98: {  	_ =	swait.ge [sflag:s22], $0x1000  }
0x99: {  	[sflag:s22] =	ssyncset.done $0x0  }
0x9a: {  	s9 =	sadd.s32 $0x400, s12;
	[sflag:s22] =	ssyncadd.s32 $0xFFFFF000  }
0x9b: {  	[tilespmem:s14], [sflag:$0x1] =	stream.indirect.gather [hbm4b:s4+s13], $0x20, s9, s13, $0xb8;
	[tilespmem:$0x12000] =	vst v63  }
0x9c: {  	_ =	swait.ge [sflag:s25], $0x1000  }
0x9d: {  	[sflag:s25] =	ssyncset.done $0x0  }
0x9e: {  	s9 =	sadd.s32 $0x480, s12;
	[sflag:s25] =	ssyncadd.s32 $0xFFFFF000  }
0x9f: {  	[tilespmem:s15], [sflag:$0x2] =	stream.indirect.gather [hbm4b:s4+s13], $0x20, s9, s13, $0xb8;
	[tilespmem:$0x12000] =	vst v63  }
0xa0: {  	_ =	swait.ge [sflag:s28], $0x1000  }
0xa1: {  	[sflag:s28] =	ssyncset.done $0x0  }
0xa2: {  	s9 =	sadd.s32 $0x500, s12;
	[sflag:s28] =	ssyncadd.s32 $0xFFFFF000  }
0xa3: {  	[tilespmem:s17], [sflag:$0x3] =	stream.indirect.gather [hbm4b:s4+s13], $0x20, s9, s13, $0xb8;
	[tilespmem:$0x12000] =	vst v63  }
0xa4: {  	_ =	swait.ge [sflag:s5], $0x1000  }
0xa5: {  	[sflag:s5] =	ssyncset.done $0x0  }
0xa6: {  	s9 =	sadd.s32 $0x580, s12;
	[sflag:s5] =	ssyncadd.s32 $0xFFFFF000  }
0xa7: {  	[tilespmem:s19], [sflag:$0x4] =	stream.indirect.gather [hbm4b:s4+s13], $0x20, s9, s13, $0xb8;
	[tilespmem:$0x12000] =	vst v63  }
0xa8: {  	_ =	swait.ge [sflag:s6], $0x1000  }
0xa9: {  	[sflag:s6] =	ssyncset.done $0x0  }
0xaa: {  	s9 =	sadd.s32 $0x600, s12;
	[sflag:s6] =	ssyncadd.s32 $0xFFFFF000  }
0xab: {  	[tilespmem:s21], [sflag:$0x5] =	stream.indirect.gather [hbm4b:s4+s13], $0x20, s9, s13, $0xb8;
	[tilespmem:$0x12000] =	vst v63  }
0xac: {  	_ =	swait.ge [sflag:s7], $0x1000  }
0xad: {  	[sflag:s7] =	ssyncset.done $0x0  }
0xae: {  	s9 =	sadd.s32 $0x680, s12;
	[sflag:s7] =	ssyncadd.s32 $0xFFFFF000  }
0xaf: {  	[tilespmem:s23], [sflag:$0x6] =	stream.indirect.gather [hbm4b:s4+s13], $0x20, s9, s13, $0xb8;
	[tilespmem:$0x12000] =	vst v63  }
0xb0: {  	_ =	swait.ge [sflag:s8], $0x1000  }
0xb1: {  	[sflag:s8] =	ssyncset.done $0x0  }
.Ltmp0:
0xb2: {  	s9 =	sadd.s32 $0x700, s12;
	[sflag:s8] =	ssyncadd.s32 $0xFFFFF000;
	(pc) =	sbr.rel @p0 .LBB2_2-.Ltmp0, $4  }
0xb3: {  	[tilespmem:s26], [sflag:$0x7] =	stream.indirect.gather [hbm4b:s4+s13], $0x20, s9, s13, $0xb8;
	[tilespmem:$0x12000] =	vst v63  }
0xb4: {  	_ =	swait.ge [sflag:s24], $0x1000  }
0xb5: {  	[sflag:s24] =	ssyncset.done $0x0  }
0xb6: {  	s12 =	sadd.s32 $0x780, s12;
	[sflag:s24] =	ssyncadd.s32 $0xFFFFF000  }
0xb7: {  	[tilespmem:s29], [sflag:$0x8] =	stream.indirect.gather [hbm4b:s4+s13], $0x20, s12, s13, $0xb8;
	[tilespmem:$0x12000] =	vst v63  }
0xb8: {  	_ =	swait.ge [sflag:s30], $0x1000  }
0xb9: {  	[sflag:s30] =	ssyncset.done $0x0  }
0xba: {  	s9 =	simm.s32 $0x4C00;
	[sflag:s30] =	ssyncadd.s32 $0xFFFFF000  }
0xbb: {  	[spmem:s2] =	stream.indirect.scatter.add.bf16 [tilespmem:s14], [sflag:$0x9], $0x20, s9, s13, $0xb8;
	[tilespmem:$0x12000] =	vst v63  }
0xbc: {  	_ =	swait.ge [sflag:s31], $0x1000  }
0xbd: {  	[sflag:s31] =	ssyncset.done $0x0  }
0xbe: {  	s11 =	simm.s32 $0x4C80;
	[sflag:s31] =	ssyncadd.s32 $0xFFFFF000  }
0xbf: {  	[spmem:s2] =	stream.indirect.scatter.add.bf16 [tilespmem:s15], [sflag:$0xA], $0x20, s11, s13, $0xb8;
	[tilespmem:$0x12000] =	vst v63  }
0xc0: {  	_ =	swait.ge [sflag:s1], $0x1000  }
0xc1: {  	[sflag:s1] =	ssyncset.done $0x0  }
0xc2: {  	s12 =	simm.s32 $0x4D00;
	[sflag:s1] =	ssyncadd.s32 $0xFFFFF000  }
0xc3: {  	[spmem:s2] =	stream.indirect.scatter.add.bf16 [tilespmem:s17], [sflag:$0xB], $0x20, s12, s13, $0xb8;
	[tilespmem:$0x12000] =	vst v63  }
0xc4: {  	_ =	swait.ge [sflag:s0], $0x1000  }
0xc5: {  	[sflag:s0] =	ssyncset.done $0x0  }
0xc6: {  	s11 =	simm.s32 $0x4D80;
	[sflag:s0] =	ssyncadd.s32 $0xFFFFF000  }
0xc7: {  	[spmem:s2] =	stream.indirect.scatter.add.bf16 [tilespmem:s19], [sflag:$0xC], $0x20, s11, s13, $0xb8;
	[tilespmem:$0x12000] =	vst v63  }
0xc8: {  	_ =	swait.ge [sflag:s10], $0x1000  }
0xc9: {  	[sflag:s10] =	ssyncset.done $0x0  }
0xca: {  	s12 =	simm.s32 $0x4E00;
	[sflag:s10] =	ssyncadd.s32 $0xFFFFF000  }
0xcb: {  	[spmem:s2] =	stream.indirect.scatter.add.bf16 [tilespmem:s21], [sflag:$0xD], $0x20, s12, s13, $0xb8;
	[tilespmem:$0x12000] =	vst v63  }
0xcc: {  	_ =	swait.ge [sflag:s16], $0x1000  }
0xcd: {  	[sflag:s16] =	ssyncset.done $0x0  }
0xce: {  	s11 =	simm.s32 $0x4E80;
	[sflag:s16] =	ssyncadd.s32 $0xFFFFF000  }
0xcf: {  	[spmem:s2] =	stream.indirect.scatter.add.bf16 [tilespmem:s23], [sflag:$0xE], $0x20, s11, s13, $0xb8;
	[tilespmem:$0x12000] =	vst v63  }
0xd0: {  	_ =	swait.ge [sflag:s18], $0x1000  }
0xd1: {  	[sflag:s18] =	ssyncset.done $0x0  }
0xd2: {  	s12 =	simm.s32 $0x4F00;
	[sflag:s18] =	ssyncadd.s32 $0xFFFFF000  }
0xd3: {  	[spmem:s2] =	stream.indirect.scatter.add.bf16 [tilespmem:s26], [sflag:$0xF], $0x20, s12, s13, $0xb8;
	[tilespmem:$0x12000] =	vst v63  }
0xd4: {  	_ =	swait.ge [sflag:s20], $0x1000  }
0xd5: {  	[sflag:s20] =	ssyncset.done $0x0  }
0xd6: {  	s11 =	simm.s32 $0x4F80;
	[sflag:s20] =	ssyncadd.s32 $0xFFFFF000  }
0xd7: {  	[spmem:s2] =	stream.indirect.scatter.add.bf16 [tilespmem:s29], [sflag:$0x10], $0x20, s11, s13, $0xb8;
	[tilespmem:$0x12000] =	vst v63  }
0xd8: {  	_ =	swait.ge [sflag:s22], $0x1000  }
0xd9: {  	[sflag:s22] =	ssyncset.done $0x0  }
0xda: {  	[sflag:s22] =	ssyncadd.s32 $0xFFFFF000  }
0xdb: {  	_ =	swait.ge [sflag:s25], $0x1000  }
0xdc: {  	[sflag:s25] =	ssyncset.done $0x0  }
0xdd: {  	[sflag:s25] =	ssyncadd.s32 $0xFFFFF000  }
0xde: {  	_ =	swait.ge [sflag:s28], $0x1000  }
0xdf: {  	[sflag:s28] =	ssyncset.done $0x0  }
0xe0: {  	[sflag:s28] =	ssyncadd.s32 $0xFFFFF000  }
0xe1: {  	_ =	swait.ge [sflag:s5], $0x1000  }
0xe2: {  	[sflag:s5] =	ssyncset.done $0x0  }
0xe3: {  	[sflag:s5] =	ssyncadd.s32 $0xFFFFF000  }
0xe4: {  	_ =	swait.ge [sflag:s6], $0x1000  }
0xe5: {  	[sflag:s6] =	ssyncset.done $0x0  }
0xe6: {  	[sflag:s6] =	ssyncadd.s32 $0xFFFFF000  }
0xe7: {  	_ =	swait.ge [sflag:s7], $0x1000  }
0xe8: {  	[sflag:s7] =	ssyncset.done $0x0  }
0xe9: {  	[sflag:s7] =	ssyncadd.s32 $0xFFFFF000  }
0xea: {  	_ =	swait.ge [sflag:s8], $0x1000  }
0xeb: {  	[sflag:s8] =	ssyncset.done $0x0  }
0xec: {  	[sflag:s8] =	ssyncadd.s32 $0xFFFFF000  }
0xed: {  	_ =	swait.ge [sflag:s24], $0x1000  }
0xee: {  	[sflag:s24] =	ssyncset.done $0x0  }
0xef: {  	[sflag:s24] =	ssyncadd.s32 $0xFFFFF000  }
0xf0: {  	[bflag:$0x0] =	sbarrier.arrive $0xFFFF  }
0xf1: {  	s11 =	rddreg [dreg:$0x8]  }
0xf2: {  	s12 =	rddreg [dreg:$0x9]  }
0xf3: {  	[hbm:s12], [sflag:s3] =	dma.local [spmem:s11], $0xA00  }
0xf4: {  	s12 =	simm.s32 $0x11  }
0xf5: {  	_ =	swait.ge [sflag:s12], $0xA00  }
0xf6: {  	s9 =	rddreg [dreg:$0xa]  }
0xf7: {  	s11 =	rddreg [dreg:$0x7];
	s3 =	sadd.s32 $0x1, s9  }
0xf8: {  	p0 =	sne.s32 s3, s11  }
.Ltmp1:
0xf9: {  	_ = 	snop;
	(pc) =	sbr.rel @p0 .LBB2_1-.Ltmp1, $3  }
0xfa: {  	_ =	sdelay $0x1  }
0xfb: {  	[sflag:s12] =	ssyncset.done $0x0  }
0xfc: {  	[sflag:s12] =	ssyncadd.s32 $0xFFFFF600;
	[dreg:$0xa] =	wrdreg s3  }
0xfd: {  	_ =	sfence.sel $0x180000  }
0xfe: {  	[bflag:$0x0] =	sbarrier.arrive $0xFFFF  }
0xff: {  	_ =	strace $0x9000004D  }
0x100: {  	s0 =	stileid.u32;
	[bflag:$0x2] =	sbarrier.arrive $0xFFFF  }
0x101: {  	p0 =	sne.s32 s0, $0x0;
	s0 =	rddreg [dreg:$0x3]  }
0x102: {  	s0 =	sadd.s32 @!p0 $0x100000, s0  }
0x103: {  	[sflag:s0] =	ssyncadd.tile.s32 @!p0 $0x1;
	_ =	shalt  }
.Lfunc_end2:
_tile_overlayer_lowered:
.L_overlay_start_2:
0x104: {  	(tag) =	ssettag $0x2  }
0x105: {  	s0 =	rddreg [dreg:$0x0];
	s2 =	stileid.u32  }
0x106: {  	s1 =	rddreg [dreg:$0x1];
	p0 =	sne.s32 s2, $0x0  }
0x107: {  	s3 =	rddreg [dreg:$0x2];
	[bflag:$0x3] =	sbarrier.arrive $0xFFFF;
	s2 =	simm.s32 @!p0 $0x1C11  }
0x108: {  	[timem:s3], [sflag:s2] =	dma.local @!p0 [hbm:s0], s1  }
0x109: {  	s0 =	simm.s32 @!p0 $0x11  }
0x10a: {  	_ =	swait.ge @!p0 [sflag:s0], s1  }
0x10b: {  	s1 =	ssub.s32 @!p0 $0x0, s1;
	[sflag:s0] =	ssyncset.done @!p0 $0x0  }
0x10c: {  	[sflag:s0] =	ssyncadd.s32 @!p0 s1  }
0x10d: {  	[bflag:$0x3] =	sbarrier.arrive $0xFFFF  }
0x10e: {  	_ =	shalt  }

// kernel: kernel.8.cloned.1.call-start
scs
__scs_entry_jumppad:
0x0: {  	(pc) =	sbr.rel $0x88, $3  }
0x1: {  	(tag) =	ssettag $0x0;
	lr =	simm.s32 $0x1  }
0x2: {  	[smem:$0x3F9B] =	sst lr;
	_ =	strace $0xD0000000  }
0x3: {  	_ = 	snop  }
0x4: {  	_ = 	snop  }
0x5: {  	_ = 	snop  }
0x6: {  	_ = 	snop  }
0x7: {  	_ = 	snop  }
__scs_overlays_trampoline_lowered:
0x8: {  	[smem:$0x3FAA] =	sst s0  }
0x9: {  	[smem:$0x3FAB] =	sst s1  }
0xa: {  	[smem:$0x3FAC] =	sst s2  }
0xb: {  	[smem:$0x3FAD] =	sst s3  }
0xc: {  	[smem:$0x3FAE] =	sst s4  }
0xd: {  	[smem:$0x3FAF] =	sst s5  }
0xe: {  	[smem:$0x3FB0] =	sst s6  }
0xf: {  	[smem:$0x3FB1] =	sst s7  }
0x10: {  	[smem:$0x3FB2] =	sst s8  }
0x11: {  	[smem:$0x3FB3] =	sst s9;
	s0 =	simm.s32 @!p0 $0x0  }
0x12: {  	s1 =	sld [smem:$0x3F99];
	s0 =	simm.s32 @p0 $0x1  }
0x13: {  	[smem:$0x3FB4] =	sst s0;
	s0 =	simm.s32 @!p1 $0x0  }
0x14: {  	s2 =	sld [smem:$0x3F98];
	s0 =	simm.s32 @p1 $0x1  }
0x15: {  	[smem:$0x3FB5] =	sst s0;
	s0 =	simm.s32 @!p2 $0x0  }
0x16: {  	s3 =	sld [smem:$0x3FDB];
	s0 =	simm.s32 @p2 $0x1  }
0x17: {  	s4 =	simm.s32 $0x1BF5;
	[smem:$0x3FB7] =	sst s0  }
0x18: {  	s0 =	sld [smem:$0x3F9A];
	_ =	swait.ge [sflag:s4], $0x0  }
0x19: {  	s7 =	sld [smem:$0x3F9B]  }
0x1a: {  	s8 =	sadd.s32 $0xFFFFE003, lr  }
0x1b: {  	s9 =	sadd.s32 $0xFFFFFEF7, lr;
	s5 =	simm.s32 $0xFFFFFFFF;
	p2 =	slt.u32 s8, $0xFFFFF086  }
0x1c: {  	p1 =	slt.u32 s9, $0xF7A;
	s5 =	simm.s32 @!p2 $0x0  }
0x1d: {  	s5 =	simm.s32 @p1 $0x1;
	p0 =	seq.s32 s7, s2  }
0x1e: {  	s7 =	smul.u32 @!p0 $0xF7A, s2;
	p2 =	seq.s32 @!p0 s5, $0x0  }
0x1f: {  	s9 =	smul.u32 $0xF7A, s1;
	s8 =	simm.s32 @!p0 $0x1BF5;
	p2 =	por !p2, p0  }
0x20: {  	[sflag:s8] =	ssyncset.s32 @!p0 $0xFFFFF086;
	s6 =	sadd.s32 @!p0 s3, s7;
	s7 =	simm.s32 @!p0 $0x108  }
0x21: {  	s3 =	sadd.s32 s3, s9;
	s6 =	sadd.s32 @!p0 $0x88, s6;
	s7 =	simm.s32 @p2 $0x1082  }
0x22: {  	[simem:s7], [sflag:s8] =	dma.local @!p0 [hbm:s6], $0xF7A  }
0x23: {  	s9 =	sor.u32 $0xD0000000, s2;
	s6 =	simm.s32 $0x108;
	_ =	swait.ge @!p0 [sflag:s8], $0x0  }
0x24: {  	s3 =	sadd.s32 $0x88, s3;
	s6 =	simm.s32 @!p1 $0x1082;
	[sflag:s4] =	ssyncset.s32 $0xFFFFF086  }
0x25: {  	[simem:s6], [sflag:s4] =	dma.local [hbm:s3], $0xF7A  }
0x26: {  	[smem:$0x3F9B] =	sst s1;
	(tag) =	ssettag s2;
	_ =	strace s9  }
0x27: {  	s1 =	sld [smem:$0x3FAB]  }
0x28: {  	s2 =	sld [smem:$0x3FAC]  }
0x29: {  	s4 =	sld [smem:$0x3FAE]  }
0x2a: {  	p0 =	seq.s32 s5, $0x0;
	s5 =	sld [smem:$0x3FAF]  }
0x2b: {  	s6 =	sld [smem:$0x3FB0]  }
0x2c: {  	s7 =	sld [smem:$0x3FB1]  }
0x2d: {  	s3 =	simm.s32 $0x108;
	s8 =	sld [smem:$0x3FB2]  }
0x2e: {  	s3 =	simm.s32 @!p0 $0x1082;
	s9 =	sld [smem:$0x3FB3]  }
0x2f: {  	lr =	sadd.s32 s0, s3;
	s0 =	sld [smem:$0x3FAA]  }
0x30: {  	s3 =	sld [smem:$0x3FAD]  }
0x31: {  	[smem:$0x3FB6] =	sst s10  }
0x32: {  	s10 =	sld [smem:$0x3FB4];
	_ =	sdelay $0x3  }
0x33: {  	p0 =	seq.s32 s10, $0x1;
	s10 =	sld [smem:$0x3FB6];
	_ =	sdelay $0x3  }
0x34: {  	[smem:$0x3FB6] =	sst s10  }
0x35: {  	s10 =	sld [smem:$0x3FB5];
	_ =	sdelay $0x3  }
0x36: {  	p1 =	seq.s32 s10, $0x1;
	s10 =	sld [smem:$0x3FB6];
	_ =	sdelay $0x3  }
0x37: {  	[smem:$0x3FB6] =	sst s10  }
0x38: {  	s10 =	sld [smem:$0x3FB7]  }
0x39: {  	_ = 	snop;
	(pc) =	sbr.ind lr, $3  }
0x3a: {  	_ = 	snop  }
0x3b: {  	_ = 	snop  }
0x3c: {  	p2 =	seq.s32 s10, $0x1;
	s10 =	sld [smem:$0x3FB6]  }
0x3d: {  	_ =	shalt  }
0x3e: {  	_ =	shalt  }
0x3f: {  	_ =	shalt  }
0x40: {  	_ =	shalt  }
0x41: {  	_ =	shalt  }
0x42: {  	_ =	shalt  }
0x43: {  	_ =	shalt  }
0x44: {  	_ =	shalt  }
0x45: {  	_ =	shalt  }
0x46: {  	_ =	shalt  }
0x47: {  	_ =	shalt  }
0x48: {  	_ =	shalt  }
0x49: {  	_ =	shalt  }
0x4a: {  	_ =	shalt  }
0x4b: {  	_ =	shalt  }
0x4c: {  	_ =	shalt  }
0x4d: {  	_ =	shalt  }
0x4e: {  	_ =	shalt  }
0x4f: {  	_ =	shalt  }
0x50: {  	_ =	shalt  }
0x51: {  	_ =	shalt  }
0x52: {  	_ =	shalt  }
0x53: {  	_ =	shalt  }
0x54: {  	_ =	shalt  }
0x55: {  	_ =	shalt  }
0x56: {  	_ =	shalt  }
0x57: {  	_ =	shalt  }
0x58: {  	_ =	shalt  }
0x59: {  	_ =	shalt  }
0x5a: {  	_ =	shalt  }
0x5b: {  	_ =	shalt  }
0x5c: {  	_ =	shalt  }
0x5d: {  	_ =	shalt  }
0x5e: {  	_ =	shalt  }
0x5f: {  	_ =	shalt  }
0x60: {  	_ =	shalt  }
0x61: {  	_ =	shalt  }
0x62: {  	_ =	shalt  }
0x63: {  	_ =	shalt  }
0x64: {  	_ =	shalt  }
0x65: {  	_ =	shalt  }
0x66: {  	_ =	shalt  }
0x67: {  	_ =	shalt  }
0x68: {  	_ =	shalt  }
0x69: {  	_ =	shalt  }
0x6a: {  	_ =	shalt  }
0x6b: {  	_ =	shalt  }
0x6c: {  	_ =	shalt  }
0x6d: {  	_ =	shalt  }
0x6e: {  	_ =	shalt  }
0x6f: {  	_ =	shalt  }
0x70: {  	_ =	shalt  }
0x71: {  	_ =	shalt  }
0x72: {  	_ =	shalt  }
0x73: {  	_ =	shalt  }
0x74: {  	_ =	shalt  }
0x75: {  	_ =	shalt  }
0x76: {  	_ =	shalt  }
0x77: {  	_ =	shalt  }
0x78: {  	_ =	shalt  }
0x79: {  	_ =	shalt  }
0x7a: {  	_ =	shalt  }
0x7b: {  	_ =	shalt  }
0x7c: {  	_ =	shalt  }
0x7d: {  	_ =	shalt  }
0x7e: {  	_ =	shalt  }
0x7f: {  	_ =	shalt  }
0x80: {  	_ =	shalt  }
0x81: {  	_ =	shalt  }
0x82: {  	_ =	shalt  }
0x83: {  	_ =	shalt  }
0x84: {  	_ =	shalt  }
0x85: {  	_ =	shalt  }
0x86: {  	_ =	shalt  }
0x87: {  	_ =	shalt  }
.Lfunc_end0:
.L_simem_size_0:
called_computation_lowered:
.L_overlay_start_0:
0x88: {  	s2 =	sld [smem:$0x3FD9]  }
0x89: {  	s3 =	sld [smem:$0x3FFE];
	_ =	sdelay $0x1  }
0x8a: {  	s1 =	srdreg.scid  }
0x8b: {  	s0 =	sand.u32 $0x1, s1  }
0x8c: {  	s17 =	sshll.u32 s0, $0xA;
	s2 =	sadd.s32 s3, s2  }
0x8d: {  	s2 =	sadd.s32 s2, s17  }
0x8e: {  	[smem:$0x3FC2] =	sst s2  }
0x8f: {  	_ = 	snop  }
0x90: {  	s2 =	sld [smem:$0x3FD0];
	(tm) =	ssettm $0x1  }
0x91: {  	s18 =	sld [smem:$0x3FFB];
	_ =	sdelay $0x3  }
0x92: {  	_ =	strace s18  }
0x93: {  	s3 =	sld [smem:$0x3FFC];
	_ =	sdelay $0x3  }
0x94: {  	_ =	strace s3  }
0x95: {  	s3 =	sld [smem:$0x3FFD];
	_ =	sdelay $0x3  }
0x96: {  	_ =	strace s3  }
0x97: {  	_ =	strace $0x8FFFFFFF  }
0x98: {  	s19 =	sld [smem:$0x3FDB];
	_ =	sdelay $0x1  }
0x99: {  	s4 =	simm.s32 $_scs_section_size  }
0x9a: {  	s5 =	simm.s32 $_size__tile_overlayer_lowered;
	s6 =	simm.s32 $_tile_overlayer_lowered  }
0x9b: {  	s22 =	simm.s32 $0x1BFF;
	s21 =	sshll.u32 s6, $0x1;
	s3 =	sadd.s32 s4, s19  }
0x9c: {  	s7 =	simm.s32 $0x0;
	s20 =	sshll.u32 s5, $0x1;
	s5 =	sadd.s32 s21, s3  }
0x9d: {  	[timem:s7], [sflag:s22] =	dma.local [hbm:s5], s20  }
0x9e: {  	_ =	swait.ge [sflag:s22], s20  }
0x9f: {  	s4 =	ssub.s32 $0x0, s20;
	[sflag:s22] =	ssyncset.done $0x0  }
0xa0: {  	[sflag:s22] =	ssyncadd.s32 s4;
	_ =	sdelay $0x1  }
0xa1: {  	s23 =	simm.s32 $0x1B8B  }
0xa2: {  	_ =	swait.ge [sflag:s23], $0x1  }
0xa3: {  	[sflag:s23] =	ssyncset.done $0x0  }
0xa4: {  	s25 =	simm.s32 $0x1B8E;
	s24 =	sld [smem:$0x3FFE];
	[sflag:s23] =	ssyncadd.s32 $0xFFFFFFFF  }
0xa5: {  	s26 =	simm.s32 $execute0_lowered;
	[smem:$0x3FD2] =	sst s25  }
0xa6: {  	s5 =	sshll.u32 s26, $0x1;
	_ =	strace $0x80000046;
	[dreg:$0x1] =	wrdreg $0xFFFFFFFF  }
0xa7: {  	s28 =	simm.s32 $_size_execute0_lowered;
	s3 =	sadd.s32 s3, s5;
	[dreg:$0x0] =	wrdreg $0x0  }
0xa8: {  	s5 =	sshll.u32 s28, $0x1;
	[dreg:$0x2] =	wrdreg s3  }
0xa9: {  	[dreg:$0x3] =	wrdreg s5  }
0xaa: {  	[dreg:$0x4] =	wrdreg $0xC0  }
0xab: {  	_ =	task [dreg:s7], $0x5FFFF  }
0xac: {  	[dreg:$0x1] =	wrdreg $0xFFFFFFFF  }
0xad: {  	[dreg:$0x0] =	wrdreg $0x60  }
0xae: {  	[dreg:$0x2] =	wrdreg s2  }
0xaf: {  	[dreg:$0x3] =	wrdreg s24  }
0xb0: {  	[dreg:$0x4] =	wrdreg $0x30000  }
0xb1: {  	[dreg:$0x5] =	wrdreg $0x9  }
0xb2: {  	_ =	task.clear_ibuf [dreg:s7], $0x6FFFF;
	_ =	strace $0x90000046  }
0xb3: {  	s29 =	simm.s32 $0x9;
	_ =	strace $0x80000048  }
0xb4: {  	_ =	swait.ge [sflag:s29], $0x1  }
0xb5: {  	[sflag:s29] =	ssyncadd.s32 $0xFFFFFFFF  }
0xb6: {  	_ =	strace $0x90000048  }
0xb7: {  	_ =	sfence  }
0xb8: {  	s30 =	sld [smem:$0x0];
	_ =	sdelay $0x2  }
0xb9: {  	s31 =	sshll.u32 s1, $0xD;
	s1 =	sshrl.u32 s1, $0x2  }
0xba: {  	s3 =	sand.u32 $0x4000, s31;
	s1 =	sadd.s32 s1, s30  }
0xbb: {  	s0 =	sor.u32 s3, s0;
	s1 =	sshll.u32 s1, $0x11  }
0xbc: {  	s0 =	sor.u32 s1, s0  }
0xbd: {  	s0 =	sadd.s32 $0x8F2B, s0  }
0xbe: {  	[sflag:s0] =	ssyncadd.remote.s32 $0x1  }
0xbf: {  	_ =	sfence.sel $0xFFFF  }
0xc0: {  	[dreg:$0x0] =	wrdreg $0xFFFFFFFF;
	(pc) =	sbr.abs _section_cstart, $3  }
0xc1: {  	[dreg:$0x1] =	wrdreg $0xFFFFFFFF  }
0xc2: {  	_ =	task.clear_ibuf [dreg:s7], $0x2FFFF;
	_ =	strace $0x9FFFFFFF  }
0xc3: {  	(tm) =	ssettm $0x7FFFFFFF  }
tec
execute0_lowered:
.L_overlay_start_1:
0x0: {  	(tag) =	ssettag $0x1  }
0x1: {  	s7 =	rddreg [dreg:$0x0]  }
0x2: {  	s5 =	rddreg [dreg:$0x1]  }
0x3: {  	s2 =	rddreg [dreg:$0x2]  }
0x4: {  	s0 =	rddreg [dreg:$0x3];
	s3 =	simm.s32 $0x0;
	s1 =	stileid.u32  }
0x5: {  	s4 =	srdreg.scid;
	[smem:$0x7FF] =	sst s3  }
0x6: {  	s6 =	smul.u32 $0x2800, s1;
	s8 =	sand.u32 $0x1, s4;
	s4 =	sadd.s32 $0x6000, s5  }
0x7: {  	s12 =	sshll.u32 s1, $0x6;
	_ =	strace $0x80000047;
	s9 =	smul.u32 $0x5000, s8  }
0x8: {  	s11 =	ssub.s32 $0x2, s8;
	s8 =	sshll.u32 s8, $0x4;
	s13 =	sshrl.u32 s6, $0x3  }
0x9: {  	s31 =	sshrl.u32 s11, $0x1;
	s8 =	sor.u32 s1, s8;
	s14 =	sadd.s32 s6, s2  }
0xa: {  	s6 =	sor.u32 $0x1C01, s12;
	s12 =	simm.s32 $0x80;
	s10 =	sadd.s32 s13, s5  }
0xb: {  	s9 =	sadd.s32 s9, s5;
	s11 =	ssub.s32 s11, s31;
	s8 =	smul.u32 $0x500, s8  }
0xc: {  	s5 =	sadd.s32 $0x1000, s10;
	s15 =	sadd.s32 $0x6200, s9;
	s9 =	sshrl.u32 s14, $0x3  }
0xd: {  	s10 =	simm.s32 $0x1;
	s14 =	simm.s32 $0x0;
	s7 =	sadd.s32 s7, s8  }
0xe: {  	s8 =	smax.u32 s11, $0x1;
	s11 =	simm.s32 $0x2800;
	s13 =	sadd.s32 s13, s15  }
.LBB2_1:
0xf: {  	[spmem:s9], [sflag:s6] =	dma.local [hbm:s5], $0x500  }
0x10: {  	_ =	swait.ge [sflag:s10], $0x500  }
0x11: {  	[sflag:s10] =	ssyncset.done $0x0  }
0x12: {  	[sflag:s10] =	ssyncadd.s32 $0xFFFFFB00  }
0x13: {  	[tilespmem:s11], [sflag:$0x1] =	stream.linear.gather [hbm4b:s4+s3], $0x800, $0x38;
	[tilespmem:$0x5800] =	vst v63  }
0x14: {  	_ =	swait.ge [sflag:s10], $0x800  }
0x15: {  	[sflag:s10] =	ssyncset.done $0x0  }
0x16: {  	[sflag:s10] =	ssyncadd.s32 $0xFFFFF800  }
0x17: {  	[tilespmem:s3], [sflag:$0x1] =	stream.linear.gather [hbm4b:s7+s3], $0x2800, $0x38;
	[tilespmem:$0x5800] =	vst v63  }
0x18: {  	_ =	swait.ge [sflag:s10], $0x2800  }
0x19: {  	[sflag:s10] =	ssyncset.done $0x0  }
0x1a: {  	[sflag:s10] =	ssyncadd.s32 $0xFFFFD800  }
0x1b: {  	s15 =	simm.s32 $0x0;
	[bflag:$0x0] =	sbarrier.arrive $0xFFFF  }
0x1c: {  	[spmem:s2] =	stream.indirect.scatter.add.f32 [tilespmem:s11], [sflag:$0x1], $0x10, s15, s12, $0xb8;
	[tilespmem:$0x5800] =	vst v63  }
0x1d: {  	_ =	swait.ge [sflag:s10], $0x800  }
0x1e: {  	s15 =	simm.s32 $0x200;
	[sflag:s10] =	ssyncset.done $0x0  }
.LBB2_2:
0x1f: {  	s16 =	sshra.s32 s15, $0x2;
	[sflag:s10] =	ssyncadd.s32 $0xFFFFF800;
	p0 =	sne.s32 s15, $0x9E00  }
0x20: {  	[spmem:s2] =	stream.indirect.scatter.add.f32 [tilespmem:s11], [sflag:$0x1], $0x10, s16, s12, $0xb8;
	[tilespmem:$0x5800] =	vst v63  }
.Ltmp0:
0x21: {  	_ = 	snop;
	(pc) =	sbr.rel @p0 .LBB2_2-.Ltmp0, $4  }
0x22: {  	_ = 	snop  }
0x23: {  	s15 =	sadd.s32 $0x200, s15  }
0x24: {  	_ =	swait.ge [sflag:s10], $0x800  }
0x25: {  	[sflag:s10] =	ssyncset.done $0x0  }
0x26: {  	s14 =	sadd.s32 $0x1, s14  }
0x27: {  	[sflag:s10] =	ssyncadd.s32 $0xFFFFF800;
	p0 =	sne.s32 s14, s8  }
.Ltmp1:
0x28: {  	[bflag:$0x0] =	sbarrier.arrive $0xFFFF;
	(pc) =	sbr.rel @p0 .LBB2_1-.Ltmp1, $4  }
0x29: {  	[hbm:s13], [sflag:s6] =	dma.local [spmem:s9], $0x500  }
0x2a: {  	_ =	swait.ge [sflag:s10], $0x500  }
0x2b: {  	[sflag:s10] =	ssyncset.done $0x0  }
0x2c: {  	[sflag:s10] =	ssyncadd.s32 $0xFFFFFB00  }
0x2d: {  	_ =	sfence.sel $0x180000  }
0x2e: {  	[bflag:$0x0] =	sbarrier.arrive $0xFFFF  }
0x2f: {  	p0 =	sne.s32 s1, $0x0;
	_ =	strace $0x90000047  }
0x30: {  	s0 =	sadd.s32 @!p0 $0x100000, s0;
	[bflag:$0x2] =	sbarrier.arrive $0xFFFF  }
0x31: {  	[sflag:s0] =	ssyncadd.tile.s32 @!p0 $0x1;
	_ =	shalt  }
.Lfunc_end2:
_tile_overlayer_lowered:
.L_overlay_start_2:
0x32: {  	(tag) =	ssettag $0x2  }
0x33: {  	s0 =	rddreg [dreg:$0x0];
	s2 =	stileid.u32  }
0x34: {  	s1 =	rddreg [dreg:$0x1];
	p0 =	sne.s32 s2, $0x0  }
0x35: {  	s3 =	rddreg [dreg:$0x2];
	[bflag:$0x3] =	sbarrier.arrive $0xFFFF;
	s2 =	simm.s32 @!p0 $0x1C01  }
0x36: {  	[timem:s3], [sflag:s2] =	dma.local @!p0 [hbm:s0], s1  }
0x37: {  	s0 =	simm.s32 @!p0 $0x1  }
0x38: {  	_ =	swait.ge @!p0 [sflag:s0], s1  }
0x39: {  	s1 =	ssub.s32 @!p0 $0x0, s1;
	[sflag:s0] =	ssyncset.done @!p0 $0x0  }
0x3a: {  	[sflag:s0] =	ssyncadd.s32 @!p0 s1  }
0x3b: {  	[bflag:$0x3] =	sbarrier.arrive $0xFFFF  }
0x3c: {  	_ =	shalt  }

</sc_bundles>
